<compile_context>
chip_gen: v7x
topology: tpu7x:2x2x1
jax: 0.10.2.dev20260603
libtpu: 0.0.44.dev20260713+nightly
codegen_flags: <defaults>
</compile_context>

<pallas_src>
import functools

import jax
import jax.numpy as jnp
from jax import lax
from jax.experimental import pallas as pl
from jax.experimental.pallas import tpu as pltpu
from jax.experimental.pallas import tpu_sc as plsc

_N_CAT = 26
_N_CONT = 13
_DIM = 32
_BATCH = 16384
_NC = 2
_NS = 16
_NW = _NC * _NS
_BPW = _BATCH // _NW
_GROUP = 4


def _group_kernel(nt, idx_hbm, *rest):
    tabs = rest[:nt]
    out = rest[nt]
    idx_v = rest[nt + 1]
    rows = rest[nt + 2:nt + 4]
    gsem = rest[nt + 4:nt + 6]
    wsem = rest[nt + 6:nt + 8]
    wid = lax.axis_index("s") * _NC + lax.axis_index("c")
    base = wid * _BPW

    pltpu.sync_copy(idx_hbm.at[:, pl.ds(base, _BPW)], idx_v)

    gd = [None, None]
    wd = [None, None]
    gd[0] = pltpu.async_copy(tabs[0].at[idx_v.at[0]], rows[0], gsem[0])
    for k in range(nt):
        b = k % 2
        if k + 1 < nt:
            if wd[1 - b] is not None:
                wd[1 - b].wait()
                wd[1 - b] = None
            gd[1 - b] = pltpu.async_copy(
                tabs[k + 1].at[idx_v.at[k + 1]], rows[1 - b], gsem[1 - b])
        gd[b].wait()
        wd[b] = pltpu.async_copy(
            rows[b], out.at[pl.ds(base, _BPW), pl.ds(k * _DIM, _DIM)],
            wsem[b])
    for b in range(min(nt, 2)):
        if wd[b] is not None:
            wd[b].wait()


@jax.jit
def _run(idx, *tabs):
    mesh = plsc.VectorSubcoreMesh(core_axis_name="c", subcore_axis_name="s")

    def make_group(nt):
        return functools.partial(
            pl.kernel,
            out_type=jax.ShapeDtypeStruct((_BATCH, nt * _DIM), jnp.float32),
            mesh=mesh,
            scratch_types=[
                pltpu.VMEM((nt, _BPW), jnp.int32),
                pltpu.VMEM((_BPW, _DIM), jnp.float32),
                pltpu.VMEM((_BPW, _DIM), jnp.float32),
                pltpu.SemaphoreType.DMA,
                pltpu.SemaphoreType.DMA,
                pltpu.SemaphoreType.DMA,
                pltpu.SemaphoreType.DMA,
            ],
            compiler_params=pltpu.CompilerParams(use_tc_tiling_on_sc=False),
        )(functools.partial(_group_kernel, nt))

    outs = []
    for g in range((_N_CAT + _GROUP - 1) // _GROUP):
        lo = g * _GROUP
        nt = min(_GROUP, _N_CAT - lo)
        outs.append(make_group(nt)(idx[lo:lo + nt], *tabs[lo:lo + nt]))
    return jnp.concatenate(outs, axis=1)


def kernel(x, table_0, table_1, table_2, table_3, table_4, table_5, table_6,
           table_7, table_8, table_9, table_10, table_11, table_12, table_13,
           table_14, table_15, table_16, table_17, table_18, table_19,
           table_20, table_21, table_22, table_23, table_24, table_25):
    tabs = (table_0, table_1, table_2, table_3, table_4, table_5, table_6,
            table_7, table_8, table_9, table_10, table_11, table_12, table_13,
            table_14, table_15, table_16, table_17, table_18, table_19,
            table_20, table_21, table_22, table_23, table_24, table_25)
    idx = x[:, :_N_CAT].astype(jnp.int32).T
    emb = _run(idx, *tabs)
    cont = x[:, _N_CAT:_N_CAT + _N_CONT]
    return emb, cont

# --- scband reference (transcript-rebuilt; emitter-appended) ---
"""Pipeline reference for scband-emb-and-concat-1099511628169 (READ-ONLY COPY).

The authoritative reference and input builder live on the scoring server;
editing this copy changes nothing except your own understanding.
"""

import jax, jax.numpy as jnp
import numpy as np

N_CAT = 26
N_CONT = 13
VOCAB = 100000
DIM = 32
BATCH = 16384


def setup_inputs(seed: int = 0):
    key = jax.random.key(seed)
    kx, key = jax.random.split(key)
    # x holds integer-valued entries stored as float32 (categorical ids + continuous cols)
    x = jax.random.randint(kx, (BATCH, N_CAT + N_CONT), 0, VOCAB).astype(jnp.float32)
    inp = {"x": x}
    for i in range(N_CAT):
        key, sub = jax.random.split(key)
        t = jax.random.normal(sub, (VOCAB + 1, DIM), dtype=jnp.float32) * 0.05
        t = t.at[0].set(0.0)  # padding_idx=0
        inp["table_%d" % i] = t
    return inp


def reference(x, table_0, table_1, table_2, table_3, table_4, table_5,
              table_6, table_7, table_8, table_9, table_10, table_11,
              table_12, table_13, table_14, table_15, table_16, table_17,
              table_18, table_19, table_20, table_21, table_22, table_23,
              table_24, table_25):
    tabs = [table_0, table_1, table_2, table_3, table_4, table_5,
            table_6, table_7, table_8, table_9, table_10, table_11,
            table_12, table_13, table_14, table_15, table_16, table_17,
            table_18, table_19, table_20, table_21, table_22, table_23,
            table_24, table_25]
    embed_outs = [
        jnp.take(tabs[i], jax.lax.stop_gradient(x[:, i]).astype(jnp.int32), axis=0)
        for i in range(N_CAT)
    ]
    embed_outs = jnp.concatenate(embed_outs, axis=1)
    # nn.Dropout is identity in eval mode
    cont_outs = x[:, N_CAT:N_CAT + N_CONT]
    return (embed_outs, cont_outs)

if __name__ == "__main__":
    import jax
    _d = setup_inputs()
    print(jax.jit(kernel)(*tuple(_d.values())))

</pallas_src>

<mosaic_0001>
#map = affine_map<(d0, d1) -> (0, 0)>
module attributes {stable_mosaic.version = 14 : i64} {
  func.func @_group_kernel(%arg0: i32, %arg1: i32, %arg2: memref<4x16384xi32, #tpu.memory_space<hbm>>, %arg3: memref<100001x32xf32, #tpu.memory_space<hbm>>, %arg4: memref<100001x32xf32, #tpu.memory_space<hbm>>, %arg5: memref<100001x32xf32, #tpu.memory_space<hbm>>, %arg6: memref<100001x32xf32, #tpu.memory_space<hbm>>, %arg7: memref<16384x128xf32, #tpu.memory_space<hbm>>, %arg8: memref<4x512xi32, #tpu.memory_space<vmem>>, %arg9: memref<512x32xf32, #tpu.memory_space<vmem>>, %arg10: memref<512x32xf32, #tpu.memory_space<vmem>>, %arg11: memref<!tpu.dma_semaphore, #tpu.memory_space<semaphore_mem>>, %arg12: memref<!tpu.dma_semaphore, #tpu.memory_space<semaphore_mem>>, %arg13: memref<!tpu.dma_semaphore, #tpu.memory_space<semaphore_mem>>, %arg14: memref<!tpu.dma_semaphore, #tpu.memory_space<semaphore_mem>>) attributes {dimension_semantics = [#tpu.dimension_semantics<core_parallel>, #tpu.dimension_semantics<subcore_parallel>], iteration_bounds = array<i64: 2, 16>, scalar_prefetch = 0 : i64, scratch_operands = 7 : i64, tpu.core_type = #tpu.core_type<sc_vector_subcore>, window_params = [{transform_indices = #map}, {transform_indices = #map}, {transform_indices = #map}, {transform_indices = #map}, {transform_indices = #map}, {transform_indices = #map}]} {
    %mul3A = arith.constant 2 : i32
    %mul3A_0 = arith.muli %arg1, %mul3A : i32
    %add3A = arith.addi %mul3A_0, %arg0 : i32
    %mul3A_1 = arith.constant 512 : i32
    %mul3A_2 = arith.muli %add3A, %mul3A_1 : i32
    "tpu.region"() ({
      %run_scoped3A = tpu.sem_alloc : memref<!tpu.dma_semaphore, #tpu.memory_space<semaphore_mem>>
      %dma_start3A_89 = arith.constant 0 : i32
      %dma_start3A_90 = tpu.memref_slice %arg2[%dma_start3A_89, %mul3A_2] : memref<4x16384xi32, #tpu.memory_space<hbm>> -> memref<4x512xi32, #tpu.memory_space<hbm>>
      %dma_start3A_91 = arith.constant 0 : i32
      %dma_start3A_92 = tpu.memref_slice %arg2[%dma_start3A_91, %mul3A_2] : memref<4x16384xi32, #tpu.memory_space<hbm>> -> memref<4x512xi32, #tpu.memory_space<hbm>>
      tpu.enqueue_dma source(%dma_start3A_92 : memref<4x512xi32, #tpu.memory_space<hbm>>) target(%arg8 : memref<4x512xi32, #tpu.memory_space<vmem>>) target_semaphore(%run_scoped3A : memref<!tpu.dma_semaphore, #tpu.memory_space<semaphore_mem>>)
      %dma_wait3A_93 = arith.constant 0 : i32
      %dma_wait3A_94 = tpu.memref_slice %arg2[%dma_wait3A_93, %mul3A_2] : memref<4x16384xi32, #tpu.memory_space<hbm>> -> memref<4x512xi32, #tpu.memory_space<hbm>>
      %dma_wait3A_95 = arith.constant 0 : i32
      %dma_wait3A_96 = tpu.memref_slice %arg2[%dma_wait3A_95, %mul3A_2] : memref<4x16384xi32, #tpu.memory_space<hbm>> -> memref<4x512xi32, #tpu.memory_space<hbm>>
      tpu.wait_dma2 semaphore(%run_scoped3A : memref<!tpu.dma_semaphore, #tpu.memory_space<semaphore_mem>>) src(%dma_wait3A_96 : memref<4x512xi32, #tpu.memory_space<hbm>>) dst(%arg8 : memref<4x512xi32, #tpu.memory_space<vmem>>)
      tpu.yield
    }) : () -> ()
    %dma_start3A = arith.constant 0 : i32
    %dma_start3A_3 = arith.constant 0 : i32
    %dma_start3A_4 = tpu.memref_slice %arg8[%dma_start3A, %dma_start3A_3] : memref<4x512xi32, #tpu.memory_space<vmem>> -> memref<1x512xi32, #tpu.memory_space<vmem>>
    %dma_start3A_5 = tpu.memref_squeeze %dma_start3A_4 : memref<1x512xi32, #tpu.memory_space<vmem>> -> memref<512xi32, #tpu.memory_space<vmem>>
    %dma_start3A_6 = arith.constant 0 : i32
    %dma_start3A_7 = arith.constant 0 : i32
    %dma_start3A_8 = tpu.memref_slice %arg3[%dma_start3A_6, %dma_start3A_7] : memref<100001x32xf32, #tpu.memory_space<hbm>> -> memref<100001x32xf32, #tpu.memory_space<hbm>>
    tpu.enqueue_indirect_dma source(%dma_start3A_8 : memref<100001x32xf32, #tpu.memory_space<hbm>>) target(%arg9 : memref<512x32xf32, #tpu.memory_space<vmem>>) offsets(%dma_start3A_5 : memref<512xi32, #tpu.memory_space<vmem>>) semaphore(%arg11 : memref<!tpu.dma_semaphore, #tpu.memory_space<semaphore_mem>>)
    %dma_start3A_9 = arith.constant 1 : i32
    %dma_start3A_10 = arith.constant 0 : i32
    %dma_start3A_11 = tpu.memref_slice %arg8[%dma_start3A_9, %dma_start3A_10] : memref<4x512xi32, #tpu.memory_space<vmem>> -> memref<1x512xi32, #tpu.memory_space<vmem>>
    %dma_start3A_12 = tpu.memref_squeeze %dma_start3A_11 : memref<1x512xi32, #tpu.memory_space<vmem>> -> memref<512xi32, #tpu.memory_space<vmem>>
    %dma_start3A_13 = arith.constant 0 : i32
    %dma_start3A_14 = arith.constant 0 : i32
    %dma_start3A_15 = tpu.memref_slice %arg4[%dma_start3A_13, %dma_start3A_14] : memref<100001x32xf32, #tpu.memory_space<hbm>> -> memref<100001x32xf32, #tpu.memory_space<hbm>>
    tpu.enqueue_indirect_dma source(%dma_start3A_15 : memref<100001x32xf32, #tpu.memory_space<hbm>>) target(%arg10 : memref<512x32xf32, #tpu.memory_space<vmem>>) offsets(%dma_start3A_12 : memref<512xi32, #tpu.memory_space<vmem>>) semaphore(%arg12 : memref<!tpu.dma_semaphore, #tpu.memory_space<semaphore_mem>>)
    %dma_wait3A = arith.constant 0 : i32
    %dma_wait3A_16 = arith.constant 0 : i32
    %dma_wait3A_17 = tpu.memref_slice %arg8[%dma_wait3A, %dma_wait3A_16] : memref<4x512xi32, #tpu.memory_space<vmem>> -> memref<1x512xi32, #tpu.memory_space<vmem>>
    %dma_wait3A_18 = tpu.memref_squeeze %dma_wait3A_17 : memref<1x512xi32, #tpu.memory_space<vmem>> -> memref<512xi32, #tpu.memory_space<vmem>>
    %dma_wait3A_19 = arith.constant 0 : i32
    %dma_wait3A_20 = arith.constant 0 : i32
    %dma_wait3A_21 = tpu.memref_slice %arg3[%dma_wait3A_19, %dma_wait3A_20] : memref<100001x32xf32, #tpu.memory_space<hbm>> -> memref<100001x32xf32, #tpu.memory_space<hbm>>
    tpu.wait_indirect_dma semaphore(%arg11 : memref<!tpu.dma_semaphore, #tpu.memory_space<semaphore_mem>>) src(%dma_wait3A_21 : memref<100001x32xf32, #tpu.memory_space<hbm>>) dst(%arg9 : memref<512x32xf32, #tpu.memory_space<vmem>>)
    %dma_start3A_22 = arith.constant 0 : i32
    %dma_start3A_23 = tpu.memref_slice %arg7[%mul3A_2, %dma_start3A_22] : memref<16384x128xf32, #tpu.memory_space<hbm>> -> memref<512x32xf32, #tpu.memory_space<hbm>>
    %dma_start3A_24 = arith.constant 0 : i32
    %dma_start3A_25 = tpu.memref_slice %arg7[%mul3A_2, %dma_start3A_24] : memref<16384x128xf32, #tpu.memory_space<hbm>> -> memref<512x32xf32, #tpu.memory_space<hbm>>
    tpu.enqueue_dma source(%arg9 : memref<512x32xf32, #tpu.memory_space<vmem>>) target(%dma_start3A_25 : memref<512x32xf32, #tpu.memory_space<hbm>>) target_semaphore(%arg13 : memref<!tpu.dma_semaphore, #tpu.memory_space<semaphore_mem>>)
    %dma_wait3A_26 = arith.constant 0 : i32
    %dma_wait3A_27 = tpu.memref_slice %arg7[%mul3A_2, %dma_wait3A_26] : memref<16384x128xf32, #tpu.memory_space<hbm>> -> memref<512x32xf32, #tpu.memory_space<hbm>>
    %dma_wait3A_28 = arith.constant 0 : i32
    %dma_wait3A_29 = tpu.memref_slice %arg7[%mul3A_2, %dma_wait3A_28] : memref<16384x128xf32, #tpu.memory_space<hbm>> -> memref<512x32xf32, #tpu.memory_space<hbm>>
    tpu.wait_dma2 semaphore(%arg13 : memref<!tpu.dma_semaphore, #tpu.memory_space<semaphore_mem>>) src(%arg9 : memref<512x32xf32, #tpu.memory_space<vmem>>) dst(%dma_wait3A_29 : memref<512x32xf32, #tpu.memory_space<hbm>>)
    %dma_start3A_30 = arith.constant 2 : i32
    %dma_start3A_31 = arith.constant 0 : i32
    %dma_start3A_32 = tpu.memref_slice %arg8[%dma_start3A_30, %dma_start3A_31] : memref<4x512xi32, #tpu.memory_space<vmem>> -> memref<1x512xi32, #tpu.memory_space<vmem>>
    %dma_start3A_33 = tpu.memref_squeeze %dma_start3A_32 : memref<1x512xi32, #tpu.memory_space<vmem>> -> memref<512xi32, #tpu.memory_space<vmem>>
    %dma_start3A_34 = arith.constant 0 : i32
    %dma_start3A_35 = arith.constant 0 : i32
    %dma_start3A_36 = tpu.memref_slice %arg5[%dma_start3A_34, %dma_start3A_35] : memref<100001x32xf32, #tpu.memory_space<hbm>> -> memref<100001x32xf32, #tpu.memory_space<hbm>>
    tpu.enqueue_indirect_dma source(%dma_start3A_36 : memref<100001x32xf32, #tpu.memory_space<hbm>>) target(%arg9 : memref<512x32xf32, #tpu.memory_space<vmem>>) offsets(%dma_start3A_33 : memref<512xi32, #tpu.memory_space<vmem>>) semaphore(%arg11 : memref<!tpu.dma_semaphore, #tpu.memory_space<semaphore_mem>>)
    %dma_wait3A_37 = arith.constant 1 : i32
    %dma_wait3A_38 = arith.constant 0 : i32
    %dma_wait3A_39 = tpu.memref_slice %arg8[%dma_wait3A_37, %dma_wait3A_38] : memref<4x512xi32, #tpu.memory_space<vmem>> -> memref<1x512xi32, #tpu.memory_space<vmem>>
    %dma_wait3A_40 = tpu.memref_squeeze %dma_wait3A_39 : memref<1x512xi32, #tpu.memory_space<vmem>> -> memref<512xi32, #tpu.memory_space<vmem>>
    %dma_wait3A_41 = arith.constant 0 : i32
    %dma_wait3A_42 = arith.constant 0 : i32
    %dma_wait3A_43 = tpu.memref_slice %arg4[%dma_wait3A_41, %dma_wait3A_42] : memref<100001x32xf32, #tpu.memory_space<hbm>> -> memref<100001x32xf32, #tpu.memory_space<hbm>>
    tpu.wait_indirect_dma semaphore(%arg12 : memref<!tpu.dma_semaphore, #tpu.memory_space<semaphore_mem>>) src(%dma_wait3A_43 : memref<100001x32xf32, #tpu.memory_space<hbm>>) dst(%arg10 : memref<512x32xf32, #tpu.memory_space<vmem>>)
    %dma_start3A_44 = arith.constant 32 : i32
    %dma_start3A_45 = tpu.memref_slice %arg7[%mul3A_2, %dma_start3A_44] : memref<16384x128xf32, #tpu.memory_space<hbm>> -> memref<512x32xf32, #tpu.memory_space<hbm>>
    %dma_start3A_46 = arith.constant 32 : i32
    %dma_start3A_47 = tpu.memref_slice %arg7[%mul3A_2, %dma_start3A_46] : memref<16384x128xf32, #tpu.memory_space<hbm>> -> memref<512x32xf32, #tpu.memory_space<hbm>>
    tpu.enqueue_dma source(%arg10 : memref<512x32xf32, #tpu.memory_space<vmem>>) target(%dma_start3A_47 : memref<512x32xf32, #tpu.memory_space<hbm>>) target_semaphore(%arg14 : memref<!tpu.dma_semaphore, #tpu.memory_space<semaphore_mem>>)
    %dma_wait3A_48 = arith.constant 32 : i32
    %dma_wait3A_49 = tpu.memref_slice %arg7[%mul3A_2, %dma_wait3A_48] : memref<16384x128xf32, #tpu.memory_space<hbm>> -> memref<512x32xf32, #tpu.memory_space<hbm>>
    %dma_wait3A_50 = arith.constant 32 : i32
    %dma_wait3A_51 = tpu.memref_slice %arg7[%mul3A_2, %dma_wait3A_50] : memref<16384x128xf32, #tpu.memory_space<hbm>> -> memref<512x32xf32, #tpu.memory_space<hbm>>
    tpu.wait_dma2 semaphore(%arg14 : memref<!tpu.dma_semaphore, #tpu.memory_space<semaphore_mem>>) src(%arg10 : memref<512x32xf32, #tpu.memory_space<vmem>>) dst(%dma_wait3A_51 : memref<512x32xf32, #tpu.memory_space<hbm>>)
    %dma_start3A_52 = arith.constant 3 : i32
    %dma_start3A_53 = arith.constant 0 : i32
    %dma_start3A_54 = tpu.memref_slice %arg8[%dma_start3A_52, %dma_start3A_53] : memref<4x512xi32, #tpu.memory_space<vmem>> -> memref<1x512xi32, #tpu.memory_space<vmem>>
    %dma_start3A_55 = tpu.memref_squeeze %dma_start3A_54 : memref<1x512xi32, #tpu.memory_space<vmem>> -> memref<512xi32, #tpu.memory_space<vmem>>
    %dma_start3A_56 = arith.constant 0 : i32
    %dma_start3A_57 = arith.constant 0 : i32
    %dma_start3A_58 = tpu.memref_slice %arg6[%dma_start3A_56, %dma_start3A_57] : memref<100001x32xf32, #tpu.memory_space<hbm>> -> memref<100001x32xf32, #tpu.memory_space<hbm>>
    tpu.enqueue_indirect_dma source(%dma_start3A_58 : memref<100001x32xf32, #tpu.memory_space<hbm>>) target(%arg10 : memref<512x32xf32, #tpu.memory_space<vmem>>) offsets(%dma_start3A_55 : memref<512xi32, #tpu.memory_space<vmem>>) semaphore(%arg12 : memref<!tpu.dma_semaphore, #tpu.memory_space<semaphore_mem>>)
    %dma_wait3A_59 = arith.constant 2 : i32
    %dma_wait3A_60 = arith.constant 0 : i32
    %dma_wait3A_61 = tpu.memref_slice %arg8[%dma_wait3A_59, %dma_wait3A_60] : memref<4x512xi32, #tpu.memory_space<vmem>> -> memref<1x512xi32, #tpu.memory_space<vmem>>
    %dma_wait3A_62 = tpu.memref_squeeze %dma_wait3A_61 : memref<1x512xi32, #tpu.memory_space<vmem>> -> memref<512xi32, #tpu.memory_space<vmem>>
    %dma_wait3A_63 = arith.constant 0 : i32
    %dma_wait3A_64 = arith.constant 0 : i32
    %dma_wait3A_65 = tpu.memref_slice %arg5[%dma_wait3A_63, %dma_wait3A_64] : memref<100001x32xf32, #tpu.memory_space<hbm>> -> memref<100001x32xf32, #tpu.memory_space<hbm>>
    tpu.wait_indirect_dma semaphore(%arg11 : memref<!tpu.dma_semaphore, #tpu.memory_space<semaphore_mem>>) src(%dma_wait3A_65 : memref<100001x32xf32, #tpu.memory_space<hbm>>) dst(%arg9 : memref<512x32xf32, #tpu.memory_space<vmem>>)
    %dma_start3A_66 = arith.constant 64 : i32
    %dma_start3A_67 = tpu.memref_slice %arg7[%mul3A_2, %dma_start3A_66] : memref<16384x128xf32, #tpu.memory_space<hbm>> -> memref<512x32xf32, #tpu.memory_space<hbm>>
    %dma_start3A_68 = arith.constant 64 : i32
    %dma_start3A_69 = tpu.memref_slice %arg7[%mul3A_2, %dma_start3A_68] : memref<16384x128xf32, #tpu.memory_space<hbm>> -> memref<512x32xf32, #tpu.memory_space<hbm>>
    tpu.enqueue_dma source(%arg9 : memref<512x32xf32, #tpu.memory_space<vmem>>) target(%dma_start3A_69 : memref<512x32xf32, #tpu.memory_space<hbm>>) target_semaphore(%arg13 : memref<!tpu.dma_semaphore, #tpu.memory_space<semaphore_mem>>)
    %dma_wait3A_70 = arith.constant 3 : i32
    %dma_wait3A_71 = arith.constant 0 : i32
    %dma_wait3A_72 = tpu.memref_slice %arg8[%dma_wait3A_70, %dma_wait3A_71] : memref<4x512xi32, #tpu.memory_space<vmem>> -> memref<1x512xi32, #tpu.memory_space<vmem>>
    %dma_wait3A_73 = tpu.memref_squeeze %dma_wait3A_72 : memref<1x512xi32, #tpu.memory_space<vmem>> -> memref<512xi32, #tpu.memory_space<vmem>>
    %dma_wait3A_74 = arith.constant 0 : i32
    %dma_wait3A_75 = arith.constant 0 : i32
    %dma_wait3A_76 = tpu.memref_slice %arg6[%dma_wait3A_74, %dma_wait3A_75] : memref<100001x32xf32, #tpu.memory_space<hbm>> -> memref<100001x32xf32, #tpu.memory_space<hbm>>
    tpu.wait_indirect_dma semaphore(%arg12 : memref<!tpu.dma_semaphore, #tpu.memory_space<semaphore_mem>>) src(%dma_wait3A_76 : memref<100001x32xf32, #tpu.memory_space<hbm>>) dst(%arg10 : memref<512x32xf32, #tpu.memory_space<vmem>>)
    %dma_start3A_77 = arith.constant 96 : i32
    %dma_start3A_78 = tpu.memref_slice %arg7[%mul3A_2, %dma_start3A_77] : memref<16384x128xf32, #tpu.memory_space<hbm>> -> memref<512x32xf32, #tpu.memory_space<hbm>>
    %dma_start3A_79 = arith.constant 96 : i32
    %dma_start3A_80 = tpu.memref_slice %arg7[%mul3A_2, %dma_start3A_79] : memref<16384x128xf32, #tpu.memory_space<hbm>> -> memref<512x32xf32, #tpu.memory_space<hbm>>
    tpu.enqueue_dma source(%arg10 : memref<512x32xf32, #tpu.memory_space<vmem>>) target(%dma_start3A_80 : memref<512x32xf32, #tpu.memory_space<hbm>>) target_semaphore(%arg14 : memref<!tpu.dma_semaphore, #tpu.memory_space<semaphore_mem>>)
    %dma_wait3A_81 = arith.constant 64 : i32
    %dma_wait3A_82 = tpu.memref_slice %arg7[%mul3A_2, %dma_wait3A_81] : memref<16384x128xf32, #tpu.memory_space<hbm>> -> memref<512x32xf32, #tpu.memory_space<hbm>>
    %dma_wait3A_83 = arith.constant 64 : i32
    %dma_wait3A_84 = tpu.memref_slice %arg7[%mul3A_2, %dma_wait3A_83] : memref<16384x128xf32, #tpu.memory_space<hbm>> -> memref<512x32xf32, #tpu.memory_space<hbm>>
    tpu.wait_dma2 semaphore(%arg13 : memref<!tpu.dma_semaphore, #tpu.memory_space<semaphore_mem>>) src(%arg9 : memref<512x32xf32, #tpu.memory_space<vmem>>) dst(%dma_wait3A_84 : memref<512x32xf32, #tpu.memory_space<hbm>>)
    %dma_wait3A_85 = arith.constant 96 : i32
    %dma_wait3A_86 = tpu.memref_slice %arg7[%mul3A_2, %dma_wait3A_85] : memref<16384x128xf32, #tpu.memory_space<hbm>> -> memref<512x32xf32, #tpu.memory_space<hbm>>
    %dma_wait3A_87 = arith.constant 96 : i32
    %dma_wait3A_88 = tpu.memref_slice %arg7[%mul3A_2, %dma_wait3A_87] : memref<16384x128xf32, #tpu.memory_space<hbm>> -> memref<512x32xf32, #tpu.memory_space<hbm>>
    tpu.wait_dma2 semaphore(%arg14 : memref<!tpu.dma_semaphore, #tpu.memory_space<semaphore_mem>>) src(%arg10 : memref<512x32xf32, #tpu.memory_space<vmem>>) dst(%dma_wait3A_88 : memref<512x32xf32, #tpu.memory_space<hbm>>)
    return
  }
}

#map = affine_map<(d0, d1) -> (0, 0)>
module attributes {stable_mosaic.version = 14 : i64} {
  func.func @_group_kernel(%arg0: i32, %arg1: i32, %arg2: memref<2x16384xi32, #tpu.memory_space<hbm>>, %arg3: memref<100001x32xf32, #tpu.memory_space<hbm>>, %arg4: memref<100001x32xf32, #tpu.memory_space<hbm>>, %arg5: memref<16384x64xf32, #tpu.memory_space<hbm>>, %arg6: memref<2x512xi32, #tpu.memory_space<vmem>>, %arg7: memref<512x32xf32, #tpu.memory_space<vmem>>, %arg8: memref<512x32xf32, #tpu.memory_space<vmem>>, %arg9: memref<!tpu.dma_semaphore, #tpu.memory_space<semaphore_mem>>, %arg10: memref<!tpu.dma_semaphore, #tpu.memory_space<semaphore_mem>>, %arg11: memref<!tpu.dma_semaphore, #tpu.memory_space<semaphore_mem>>, %arg12: memref<!tpu.dma_semaphore, #tpu.memory_space<semaphore_mem>>) attributes {dimension_semantics = [#tpu.dimension_semantics<core_parallel>, #tpu.dimension_semantics<subcore_parallel>], iteration_bounds = array<i64: 2, 16>, scalar_prefetch = 0 : i64, scratch_operands = 7 : i64, tpu.core_type = #tpu.core_type<sc_vector_subcore>, window_params = [{transform_indices = #map}, {transform_indices = #map}, {transform_indices = #map}, {transform_indices = #map}]} {
    %mul3A = arith.constant 2 : i32
    %mul3A_0 = arith.muli %arg1, %mul3A : i32
    %add3A = arith.addi %mul3A_0, %arg0 : i32
    %mul3A_1 = arith.constant 512 : i32
    %mul3A_2 = arith.muli %add3A, %mul3A_1 : i32
    "tpu.region"() ({
      %run_scoped3A = tpu.sem_alloc : memref<!tpu.dma_semaphore, #tpu.memory_space<semaphore_mem>>
      %dma_start3A_45 = arith.constant 0 : i32
      %dma_start3A_46 = tpu.memref_slice %arg2[%dma_start3A_45, %mul3A_2] : memref<2x16384xi32, #tpu.memory_space<hbm>> -> memref<2x512xi32, #tpu.memory_space<hbm>>
      %dma_start3A_47 = arith.constant 0 : i32
      %dma_start3A_48 = tpu.memref_slice %arg2[%dma_start3A_47, %mul3A_2] : memref<2x16384xi32, #tpu.memory_space<hbm>> -> memref<2x512xi32, #tpu.memory_space<hbm>>
      tpu.enqueue_dma source(%dma_start3A_48 : memref<2x512xi32, #tpu.memory_space<hbm>>) target(%arg6 : memref<2x512xi32, #tpu.memory_space<vmem>>) target_semaphore(%run_scoped3A : memref<!tpu.dma_semaphore, #tpu.memory_space<semaphore_mem>>)
      %dma_wait3A_49 = arith.constant 0 : i32
      %dma_wait3A_50 = tpu.memref_slice %arg2[%dma_wait3A_49, %mul3A_2] : memref<2x16384xi32, #tpu.memory_space<hbm>> -> memref<2x512xi32, #tpu.memory_space<hbm>>
      %dma_wait3A_51 = arith.constant 0 : i32
      %dma_wait3A_52 = tpu.memref_slice %arg2[%dma_wait3A_51, %mul3A_2] : memref<2x16384xi32, #tpu.memory_space<hbm>> -> memref<2x512xi32, #tpu.memory_space<hbm>>
      tpu.wait_dma2 semaphore(%run_scoped3A : memref<!tpu.dma_semaphore, #tpu.memory_space<semaphore_mem>>) src(%dma_wait3A_52 : memref<2x512xi32, #tpu.memory_space<hbm>>) dst(%arg6 : memref<2x512xi32, #tpu.memory_space<vmem>>)
      tpu.yield
    }) : () -> ()
    %dma_start3A = arith.constant 0 : i32
    %dma_start3A_3 = arith.constant 0 : i32
    %dma_start3A_4 = tpu.memref_slice %arg6[%dma_start3A, %dma_start3A_3] : memref<2x512xi32, #tpu.memory_space<vmem>> -> memref<1x512xi32, #tpu.memory_space<vmem>>
    %dma_start3A_5 = tpu.memref_squeeze %dma_start3A_4 : memref<1x512xi32, #tpu.memory_space<vmem>> -> memref<512xi32, #tpu.memory_space<vmem>>
    %dma_start3A_6 = arith.constant 0 : i32
    %dma_start3A_7 = arith.constant 0 : i32
    %dma_start3A_8 = tpu.memref_slice %arg3[%dma_start3A_6, %dma_start3A_7] : memref<100001x32xf32, #tpu.memory_space<hbm>> -> memref<100001x32xf32, #tpu.memory_space<hbm>>
    tpu.enqueue_indirect_dma source(%dma_start3A_8 : memref<100001x32xf32, #tpu.memory_space<hbm>>) target(%arg7 : memref<512x32xf32, #tpu.memory_space<vmem>>) offsets(%dma_start3A_5 : memref<512xi32, #tpu.memory_space<vmem>>) semaphore(%arg9 : memref<!tpu.dma_semaphore, #tpu.memory_space<semaphore_mem>>)
    %dma_start3A_9 = arith.constant 1 : i32
    %dma_start3A_10 = arith.constant 0 : i32
    %dma_start3A_11 = tpu.memref_slice %arg6[%dma_start3A_9, %dma_start3A_10] : memref<2x512xi32, #tpu.memory_space<vmem>> -> memref<1x512xi32, #tpu.memory_space<vmem>>
    %dma_start3A_12 = tpu.memref_squeeze %dma_start3A_11 : memref<1x512xi32, #tpu.memory_space<vmem>> -> memref<512xi32, #tpu.memory_space<vmem>>
    %dma_start3A_13 = arith.constant 0 : i32
    %dma_start3A_14 = arith.constant 0 : i32
    %dma_start3A_15 = tpu.memref_slice %arg4[%dma_start3A_13, %dma_start3A_14] : memref<100001x32xf32, #tpu.memory_space<hbm>> -> memref<100001x32xf32, #tpu.memory_space<hbm>>
    tpu.enqueue_indirect_dma source(%dma_start3A_15 : memref<100001x32xf32, #tpu.memory_space<hbm>>) target(%arg8 : memref<512x32xf32, #tpu.memory_space<vmem>>) offsets(%dma_start3A_12 : memref<512xi32, #tpu.memory_space<vmem>>) semaphore(%arg10 : memref<!tpu.dma_semaphore, #tpu.memory_space<semaphore_mem>>)
    %dma_wait3A = arith.constant 0 : i32
    %dma_wait3A_16 = arith.constant 0 : i32
    %dma_wait3A_17 = tpu.memref_slice %arg6[%dma_wait3A, %dma_wait3A_16] : memref<2x512xi32, #tpu.memory_space<vmem>> -> memref<1x512xi32, #tpu.memory_space<vmem>>
    %dma_wait3A_18 = tpu.memref_squeeze %dma_wait3A_17 : memref<1x512xi32, #tpu.memory_space<vmem>> -> memref<512xi32, #tpu.memory_space<vmem>>
    %dma_wait3A_19 = arith.constant 0 : i32
    %dma_wait3A_20 = arith.constant 0 : i32
    %dma_wait3A_21 = tpu.memref_slice %arg3[%dma_wait3A_19, %dma_wait3A_20] : memref<100001x32xf32, #tpu.memory_space<hbm>> -> memref<100001x32xf32, #tpu.memory_space<hbm>>
    tpu.wait_indirect_dma semaphore(%arg9 : memref<!tpu.dma_semaphore, #tpu.memory_space<semaphore_mem>>) src(%dma_wait3A_21 : memref<100001x32xf32, #tpu.memory_space<hbm>>) dst(%arg7 : memref<512x32xf32, #tpu.memory_space<vmem>>)
    %dma_start3A_22 = arith.constant 0 : i32
    %dma_start3A_23 = tpu.memref_slice %arg5[%mul3A_2, %dma_start3A_22] : memref<16384x64xf32, #tpu.memory_space<hbm>> -> memref<512x32xf32, #tpu.memory_space<hbm>>
    %dma_start3A_24 = arith.constant 0 : i32
    %dma_start3A_25 = tpu.memref_slice %arg5[%mul3A_2, %dma_start3A_24] : memref<16384x64xf32, #tpu.memory_space<hbm>> -> memref<512x32xf32, #tpu.memory_space<hbm>>
    tpu.enqueue_dma source(%arg7 : memref<512x32xf32, #tpu.memory_space<vmem>>) target(%dma_start3A_25 : memref<512x32xf32, #tpu.memory_space<hbm>>) target_semaphore(%arg11 : memref<!tpu.dma_semaphore, #tpu.memory_space<semaphore_mem>>)
    %dma_wait3A_26 = arith.constant 1 : i32
    %dma_wait3A_27 = arith.constant 0 : i32
    %dma_wait3A_28 = tpu.memref_slice %arg6[%dma_wait3A_26, %dma_wait3A_27] : memref<2x512xi32, #tpu.memory_space<vmem>> -> memref<1x512xi32, #tpu.memory_space<vmem>>
    %dma_wait3A_29 = tpu.memref_squeeze %dma_wait3A_28 : memref<1x512xi32, #tpu.memory_space<vmem>> -> memref<512xi32, #tpu.memory_space<vmem>>
    %dma_wait3A_30 = arith.constant 0 : i32
    %dma_wait3A_31 = arith.constant 0 : i32
    %dma_wait3A_32 = tpu.memref_slice %arg4[%dma_wait3A_30, %dma_wait3A_31] : memref<100001x32xf32, #tpu.memory_space<hbm>> -> memref<100001x32xf32, #tpu.memory_space<hbm>>
    tpu.wait_indirect_dma semaphore(%arg10 : memref<!tpu.dma_semaphore, #tpu.memory_space<semaphore_mem>>) src(%dma_wait3A_32 : memref<100001x32xf32, #tpu.memory_space<hbm>>) dst(%arg8 : memref<512x32xf32, #tpu.memory_space<vmem>>)
    %dma_start3A_33 = arith.constant 32 : i32
    %dma_start3A_34 = tpu.memref_slice %arg5[%mul3A_2, %dma_start3A_33] : memref<16384x64xf32, #tpu.memory_space<hbm>> -> memref<512x32xf32, #tpu.memory_space<hbm>>
    %dma_start3A_35 = arith.constant 32 : i32
    %dma_start3A_36 = tpu.memref_slice %arg5[%mul3A_2, %dma_start3A_35] : memref<16384x64xf32, #tpu.memory_space<hbm>> -> memref<512x32xf32, #tpu.memory_space<hbm>>
    tpu.enqueue_dma source(%arg8 : memref<512x32xf32, #tpu.memory_space<vmem>>) target(%dma_start3A_36 : memref<512x32xf32, #tpu.memory_space<hbm>>) target_semaphore(%arg12 : memref<!tpu.dma_semaphore, #tpu.memory_space<semaphore_mem>>)
    %dma_wait3A_37 = arith.constant 0 : i32
    %dma_wait3A_38 = tpu.memref_slice %arg5[%mul3A_2, %dma_wait3A_37] : memref<16384x64xf32, #tpu.memory_space<hbm>> -> memref<512x32xf32, #tpu.memory_space<hbm>>
    %dma_wait3A_39 = arith.constant 0 : i32
    %dma_wait3A_40 = tpu.memref_slice %arg5[%mul3A_2, %dma_wait3A_39] : memref<16384x64xf32, #tpu.memory_space<hbm>> -> memref<512x32xf32, #tpu.memory_space<hbm>>
    tpu.wait_dma2 semaphore(%arg11 : memref<!tpu.dma_semaphore, #tpu.memory_space<semaphore_mem>>) src(%arg7 : memref<512x32xf32, #tpu.memory_space<vmem>>) dst(%dma_wait3A_40 : memref<512x32xf32, #tpu.memory_space<hbm>>)
    %dma_wait3A_41 = arith.constant 32 : i32
    %dma_wait3A_42 = tpu.memref_slice %arg5[%mul3A_2, %dma_wait3A_41] : memref<16384x64xf32, #tpu.memory_space<hbm>> -> memref<512x32xf32, #tpu.memory_space<hbm>>
    %dma_wait3A_43 = arith.constant 32 : i32
    %dma_wait3A_44 = tpu.memref_slice %arg5[%mul3A_2, %dma_wait3A_43] : memref<16384x64xf32, #tpu.memory_space<hbm>> -> memref<512x32xf32, #tpu.memory_space<hbm>>
    tpu.wait_dma2 semaphore(%arg12 : memref<!tpu.dma_semaphore, #tpu.memory_space<semaphore_mem>>) src(%arg8 : memref<512x32xf32, #tpu.memory_space<vmem>>) dst(%dma_wait3A_44 : memref<512x32xf32, #tpu.memory_space<hbm>>)
    return
  }
}

#map = affine_map<(d0, d1) -> (0, 0)>
module attributes {stable_mosaic.version = 14 : i64} {
  func.func @_group_kernel(%arg0: i32, %arg1: i32, %arg2: memref<4x16384xi32, #tpu.memory_space<hbm>>, %arg3: memref<100001x32xf32, #tpu.memory_space<hbm>>, %arg4: memref<100001x32xf32, #tpu.memory_space<hbm>>, %arg5: memref<100001x32xf32, #tpu.memory_space<hbm>>, %arg6: memref<100001x32xf32, #tpu.memory_space<hbm>>, %arg7: memref<16384x128xf32, #tpu.memory_space<hbm>>, %arg8: memref<4x512xi32, #tpu.memory_space<vmem>>, %arg9: memref<512x32xf32, #tpu.memory_space<vmem>>, %arg10: memref<512x32xf32, #tpu.memory_space<vmem>>, %arg11: memref<!tpu.dma_semaphore, #tpu.memory_space<semaphore_mem>>, %arg12: memref<!tpu.dma_semaphore, #tpu.memory_space<semaphore_mem>>, %arg13: memref<!tpu.dma_semaphore, #tpu.memory_space<semaphore_mem>>, %arg14: memref<!tpu.dma_semaphore, #tpu.memory_space<semaphore_mem>>) attributes {dimension_semantics = [#tpu.dimension_semantics<core_parallel>, #tpu.dimension_semantics<subcore_parallel>], iteration_bounds = array<i64: 2, 16>, scalar_prefetch = 0 : i64, scratch_operands = 7 : i64, tpu.core_type = #tpu.core_type<sc_vector_subcore>, window_params = [{transform_indices = #map}, {transform_indices = #map}, {transform_indices = #map}, {transform_indices = #map}, {transform_indices = #map}, {transform_indices = #map}]} {
    %mul3A = arith.constant 2 : i32
    %mul3A_0 = arith.muli %arg1, %mul3A : i32
    %add3A = arith.addi %mul3A_0, %arg0 : i32
    %mul3A_1 = arith.constant 512 : i32
    %mul3A_2 = arith.muli %add3A, %mul3A_1 : i32
    "tpu.region"() ({
      %run_scoped3A = tpu.sem_alloc : memref<!tpu.dma_semaphore, #tpu.memory_space<semaphore_mem>>
      %dma_start3A_89 = arith.constant 0 : i32
      %dma_start3A_90 = tpu.memref_slice %arg2[%dma_start3A_89, %mul3A_2] : memref<4x16384xi32, #tpu.memory_space<hbm>> -> memref<4x512xi32, #tpu.memory_space<hbm>>
      %dma_start3A_91 = arith.constant 0 : i32
      %dma_start3A_92 = tpu.memref_slice %arg2[%dma_start3A_91, %mul3A_2] : memref<4x16384xi32, #tpu.memory_space<hbm>> -> memref<4x512xi32, #tpu.memory_space<hbm>>
      tpu.enqueue_dma source(%dma_start3A_92 : memref<4x512xi32, #tpu.memory_space<hbm>>) target(%arg8 : memref<4x512xi32, #tpu.memory_space<vmem>>) target_semaphore(%run_scoped3A : memref<!tpu.dma_semaphore, #tpu.memory_space<semaphore_mem>>)
      %dma_wait3A_93 = arith.constant 0 : i32
      %dma_wait3A_94 = tpu.memref_slice %arg2[%dma_wait3A_93, %mul3A_2] : memref<4x16384xi32, #tpu.memory_space<hbm>> -> memref<4x512xi32, #tpu.memory_space<hbm>>
      %dma_wait3A_95 = arith.constant 0 : i32
      %dma_wait3A_96 = tpu.memref_slice %arg2[%dma_wait3A_95, %mul3A_2] : memref<4x16384xi32, #tpu.memory_space<hbm>> -> memref<4x512xi32, #tpu.memory_space<hbm>>
      tpu.wait_dma2 semaphore(%run_scoped3A : memref<!tpu.dma_semaphore, #tpu.memory_space<semaphore_mem>>) src(%dma_wait3A_96 : memref<4x512xi32, #tpu.memory_space<hbm>>) dst(%arg8 : memref<4x512xi32, #tpu.memory_space<vmem>>)
      tpu.yield
    }) : () -> ()
    %dma_start3A = arith.constant 0 : i32
    %dma_start3A_3 = arith.constant 0 : i32
    %dma_start3A_4 = tpu.memref_slice %arg8[%dma_start3A, %dma_start3A_3] : memref<4x512xi32, #tpu.memory_space<vmem>> -> memref<1x512xi32, #tpu.memory_space<vmem>>
    %dma_start3A_5 = tpu.memref_squeeze %dma_start3A_4 : memref<1x512xi32, #tpu.memory_space<vmem>> -> memref<512xi32, #tpu.memory_space<vmem>>
    %dma_start3A_6 = arith.constant 0 : i32
    %dma_start3A_7 = arith.constant 0 : i32
    %dma_start3A_8 = tpu.memref_slice %arg3[%dma_start3A_6, %dma_start3A_7] : memref<100001x32xf32, #tpu.memory_space<hbm>> -> memref<100001x32xf32, #tpu.memory_space<hbm>>
    tpu.enqueue_indirect_dma source(%dma_start3A_8 : memref<100001x32xf32, #tpu.memory_space<hbm>>) target(%arg9 : memref<512x32xf32, #tpu.memory_space<vmem>>) offsets(%dma_start3A_5 : memref<512xi32, #tpu.memory_space<vmem>>) semaphore(%arg11 : memref<!tpu.dma_semaphore, #tpu.memory_space<semaphore_mem>>)
    %dma_start3A_9 = arith.constant 1 : i32
    %dma_start3A_10 = arith.constant 0 : i32
    %dma_start3A_11 = tpu.memref_slice %arg8[%dma_start3A_9, %dma_start3A_10] : memref<4x512xi32, #tpu.memory_space<vmem>> -> memref<1x512xi32, #tpu.memory_space<vmem>>
    %dma_start3A_12 = tpu.memref_squeeze %dma_start3A_11 : memref<1x512xi32, #tpu.memory_space<vmem>> -> memref<512xi32, #tpu.memory_space<vmem>>
    %dma_start3A_13 = arith.constant 0 : i32
    %dma_start3A_14 = arith.constant 0 : i32
    %dma_start3A_15 = tpu.memref_slice %arg4[%dma_start3A_13, %dma_start3A_14] : memref<100001x32xf32, #tpu.memory_space<hbm>> -> memref<100001x32xf32, #tpu.memory_space<hbm>>
    tpu.enqueue_indirect_dma source(%dma_start3A_15 : memref<100001x32xf32, #tpu.memory_space<hbm>>) target(%arg10 : memref<512x32xf32, #tpu.memory_space<vmem>>) offsets(%dma_start3A_12 : memref<512xi32, #tpu.memory_space<vmem>>) semaphore(%arg12 : memref<!tpu.dma_semaphore, #tpu.memory_space<semaphore_mem>>)
    %dma_wait3A = arith.constant 0 : i32
    %dma_wait3A_16 = arith.constant 0 : i32
    %dma_wait3A_17 = tpu.memref_slice %arg8[%dma_wait3A, %dma_wait3A_16] : memref<4x512xi32, #tpu.memory_space<vmem>> -> memref<1x512xi32, #tpu.memory_space<vmem>>
    %dma_wait3A_18 = tpu.memref_squeeze %dma_wait3A_17 : memref<1x512xi32, #tpu.memory_space<vmem>> -> memref<512xi32, #tpu.memory_space<vmem>>
    %dma_wait3A_19 = arith.constant 0 : i32
    %dma_wait3A_20 = arith.constant 0 : i32
    %dma_wait3A_21 = tpu.memref_slice %arg3[%dma_wait3A_19, %dma_wait3A_20] : memref<100001x32xf32, #tpu.memory_space<hbm>> -> memref<100001x32xf32, #tpu.memory_space<hbm>>
    tpu.wait_indirect_dma semaphore(%arg11 : memref<!tpu.dma_semaphore, #tpu.memory_space<semaphore_mem>>) src(%dma_wait3A_21 : memref<100001x32xf32, #tpu.memory_space<hbm>>) dst(%arg9 : memref<512x32xf32, #tpu.memory_space<vmem>>)
    %dma_start3A_22 = arith.constant 0 : i32
    %dma_start3A_23 = tpu.memref_slice %arg7[%mul3A_2, %dma_start3A_22] : memref<16384x128xf32, #tpu.memory_space<hbm>> -> memref<512x32xf32, #tpu.memory_space<hbm>>
    %dma_start3A_24 = arith.constant 0 : i32
    %dma_start3A_25 = tpu.memref_slice %arg7[%mul3A_2, %dma_start3A_24] : memref<16384x128xf32, #tpu.memory_space<hbm>> -> memref<512x32xf32, #tpu.memory_space<hbm>>
    tpu.enqueue_dma source(%arg9 : memref<512x32xf32, #tpu.memory_space<vmem>>) target(%dma_start3A_25 : memref<512x32xf32, #tpu.memory_space<hbm>>) target_semaphore(%arg13 : memref<!tpu.dma_semaphore, #tpu.memory_space<semaphore_mem>>)
    %dma_wait3A_26 = arith.constant 0 : i32
    %dma_wait3A_27 = tpu.memref_slice %arg7[%mul3A_2, %dma_wait3A_26] : memref<16384x128xf32, #tpu.memory_space<hbm>> -> memref<512x32xf32, #tpu.memory_space<hbm>>
    %dma_wait3A_28 = arith.constant 0 : i32
    %dma_wait3A_29 = tpu.memref_slice %arg7[%mul3A_2, %dma_wait3A_28] : memref<16384x128xf32, #tpu.memory_space<hbm>> -> memref<512x32xf32, #tpu.memory_space<hbm>>
    tpu.wait_dma2 semaphore(%arg13 : memref<!tpu.dma_semaphore, #tpu.memory_space<semaphore_mem>>) src(%arg9 : memref<512x32xf32, #tpu.memory_space<vmem>>) dst(%dma_wait3A_29 : memref<512x32xf32, #tpu.memory_space<hbm>>)
    %dma_start3A_30 = arith.constant 2 : i32
    %dma_start3A_31 = arith.constant 0 : i32
    %dma_start3A_32 = tpu.memref_slice %arg8[%dma_start3A_30, %dma_start3A_31] : memref<4x512xi32, #tpu.memory_space<vmem>> -> memref<1x512xi32, #tpu.memory_space<vmem>>
    %dma_start3A_33 = tpu.memref_squeeze %dma_start3A_32 : memref<1x512xi32, #tpu.memory_space<vmem>> -> memref<512xi32, #tpu.memory_space<vmem>>
    %dma_start3A_34 = arith.constant 0 : i32
    %dma_start3A_35 = arith.constant 0 : i32
    %dma_start3A_36 = tpu.memref_slice %arg5[%dma_start3A_34, %dma_start3A_35] : memref<100001x32xf32, #tpu.memory_space<hbm>> -> memref<100001x32xf32, #tpu.memory_space<hbm>>
    tpu.enqueue_indirect_dma source(%dma_start3A_36 : memref<100001x32xf32, #tpu.memory_space<hbm>>) target(%arg9 : memref<512x32xf32, #tpu.memory_space<vmem>>) offsets(%dma_start3A_33 : memref<512xi32, #tpu.memory_space<vmem>>) semaphore(%arg11 : memref<!tpu.dma_semaphore, #tpu.memory_space<semaphore_mem>>)
    %dma_wait3A_37 = arith.constant 1 : i32
    %dma_wait3A_38 = arith.constant 0 : i32
    %dma_wait3A_39 = tpu.memref_slice %arg8[%dma_wait3A_37, %dma_wait3A_38] : memref<4x512xi32, #tpu.memory_space<vmem>> -> memref<1x512xi32, #tpu.memory_space<vmem>>
    %dma_wait3A_40 = tpu.memref_squeeze %dma_wait3A_39 : memref<1x512xi32, #tpu.memory_space<vmem>> -> memref<512xi32, #tpu.memory_space<vmem>>
    %dma_wait3A_41 = arith.constant 0 : i32
    %dma_wait3A_42 = arith.constant 0 : i32
    %dma_wait3A_43 = tpu.memref_slice %arg4[%dma_wait3A_41, %dma_wait3A_42] : memref<100001x32xf32, #tpu.memory_space<hbm>> -> memref<100001x32xf32, #tpu.memory_space<hbm>>
    tpu.wait_indirect_dma semaphore(%arg12 : memref<!tpu.dma_semaphore, #tpu.memory_space<semaphore_mem>>) src(%dma_wait3A_43 : memref<100001x32xf32, #tpu.memory_space<hbm>>) dst(%arg10 : memref<512x32xf32, #tpu.memory_space<vmem>>)
    %dma_start3A_44 = arith.constant 32 : i32
    %dma_start3A_45 = tpu.memref_slice %arg7[%mul3A_2, %dma_start3A_44] : memref<16384x128xf32, #tpu.memory_space<hbm>> -> memref<512x32xf32, #tpu.memory_space<hbm>>
    %dma_start3A_46 = arith.constant 32 : i32
    %dma_start3A_47 = tpu.memref_slice %arg7[%mul3A_2, %dma_start3A_46] : memref<16384x128xf32, #tpu.memory_space<hbm>> -> memref<512x32xf32, #tpu.memory_space<hbm>>
    tpu.enqueue_dma source(%arg10 : memref<512x32xf32, #tpu.memory_space<vmem>>) target(%dma_start3A_47 : memref<512x32xf32, #tpu.memory_space<hbm>>) target_semaphore(%arg14 : memref<!tpu.dma_semaphore, #tpu.memory_space<semaphore_mem>>)
    %dma_wait3A_48 = arith.constant 32 : i32
    %dma_wait3A_49 = tpu.memref_slice %arg7[%mul3A_2, %dma_wait3A_48] : memref<16384x128xf32, #tpu.memory_space<hbm>> -> memref<512x32xf32, #tpu.memory_space<hbm>>
    %dma_wait3A_50 = arith.constant 32 : i32
    %dma_wait3A_51 = tpu.memref_slice %arg7[%mul3A_2, %dma_wait3A_50] : memref<16384x128xf32, #tpu.memory_space<hbm>> -> memref<512x32xf32, #tpu.memory_space<hbm>>
    tpu.wait_dma2 semaphore(%arg14 : memref<!tpu.dma_semaphore, #tpu.memory_space<semaphore_mem>>) src(%arg10 : memref<512x32xf32, #tpu.memory_space<vmem>>) dst(%dma_wait3A_51 : memref<512x32xf32, #tpu.memory_space<hbm>>)
    %dma_start3A_52 = arith.constant 3 : i32
    %dma_start3A_53 = arith.constant 0 : i32
    %dma_start3A_54 = tpu.memref_slice %arg8[%dma_start3A_52, %dma_start3A_53] : memref<4x512xi32, #tpu.memory_space<vmem>> -> memref<1x512xi32, #tpu.memory_space<vmem>>
    %dma_start3A_55 = tpu.memref_squeeze %dma_start3A_54 : memref<1x512xi32, #tpu.memory_space<vmem>> -> memref<512xi32, #tpu.memory_space<vmem>>
    %dma_start3A_56 = arith.constant 0 : i32
    %dma_start3A_57 = arith.constant 0 : i32
    %dma_start3A_58 = tpu.memref_slice %arg6[%dma_start3A_56, %dma_start3A_57] : memref<100001x32xf32, #tpu.memory_space<hbm>> -> memref<100001x32xf32, #tpu.memory_space<hbm>>
    tpu.enqueue_indirect_dma source(%dma_start3A_58 : memref<100001x32xf32, #tpu.memory_space<hbm>>) target(%arg10 : memref<512x32xf32, #tpu.memory_space<vmem>>) offsets(%dma_start3A_55 : memref<512xi32, #tpu.memory_space<vmem>>) semaphore(%arg12 : memref<!tpu.dma_semaphore, #tpu.memory_space<semaphore_mem>>)
    %dma_wait3A_59 = arith.constant 2 : i32
    %dma_wait3A_60 = arith.constant 0 : i32
    %dma_wait3A_61 = tpu.memref_slice %arg8[%dma_wait3A_59, %dma_wait3A_60] : memref<4x512xi32, #tpu.memory_space<vmem>> -> memref<1x512xi32, #tpu.memory_space<vmem>>
    %dma_wait3A_62 = tpu.memref_squeeze %dma_wait3A_61 : memref<1x512xi32, #tpu.memory_space<vmem>> -> memref<512xi32, #tpu.memory_space<vmem>>
    %dma_wait3A_63 = arith.constant 0 : i32
    %dma_wait3A_64 = arith.constant 0 : i32
    %dma_wait3A_65 = tpu.memref_slice %arg5[%dma_wait3A_63, %dma_wait3A_64] : memref<100001x32xf32, #tpu.memory_space<hbm>> -> memref<100001x32xf32, #tpu.memory_space<hbm>>
    tpu.wait_indirect_dma semaphore(%arg11 : memref<!tpu.dma_semaphore, #tpu.memory_space<semaphore_mem>>) src(%dma_wait3A_65 : memref<100001x32xf32, #tpu.memory_space<hbm>>) dst(%arg9 : memref<512x32xf32, #tpu.memory_space<vmem>>)
    %dma_start3A_66 = arith.constant 64 : i32
    %dma_start3A_67 = tpu.memref_slice %arg7[%mul3A_2, %dma_start3A_66] : memref<16384x128xf32, #tpu.memory_space<hbm>> -> memref<512x32xf32, #tpu.memory_space<hbm>>
    %dma_start3A_68 = arith.constant 64 : i32
    %dma_start3A_69 = tpu.memref_slice %arg7[%mul3A_2, %dma_start3A_68] : memref<16384x128xf32, #tpu.memory_space<hbm>> -> memref<512x32xf32, #tpu.memory_space<hbm>>
    tpu.enqueue_dma source(%arg9 : memref<512x32xf32, #tpu.memory_space<vmem>>) target(%dma_start3A_69 : memref<512x32xf32, #tpu.memory_space<hbm>>) target_semaphore(%arg13 : memref<!tpu.dma_semaphore, #tpu.memory_space<semaphore_mem>>)
    %dma_wait3A_70 = arith.constant 3 : i32
    %dma_wait3A_71 = arith.constant 0 : i32
    %dma_wait3A_72 = tpu.memref_slice %arg8[%dma_wait3A_70, %dma_wait3A_71] : memref<4x512xi32, #tpu.memory_space<vmem>> -> memref<1x512xi32, #tpu.memory_space<vmem>>
    %dma_wait3A_73 = tpu.memref_squeeze %dma_wait3A_72 : memref<1x512xi32, #tpu.memory_space<vmem>> -> memref<512xi32, #tpu.memory_space<vmem>>
    %dma_wait3A_74 = arith.constant 0 : i32
    %dma_wait3A_75 = arith.constant 0 : i32
    %dma_wait3A_76 = tpu.memref_slice %arg6[%dma_wait3A_74, %dma_wait3A_75] : memref<100001x32xf32, #tpu.memory_space<hbm>> -> memref<100001x32xf32, #tpu.memory_space<hbm>>
    tpu.wait_indirect_dma semaphore(%arg12 : memref<!tpu.dma_semaphore, #tpu.memory_space<semaphore_mem>>) src(%dma_wait3A_76 : memref<100001x32xf32, #tpu.memory_space<hbm>>) dst(%arg10 : memref<512x32xf32, #tpu.memory_space<vmem>>)
    %dma_start3A_77 = arith.constant 96 : i32
    %dma_start3A_78 = tpu.memref_slice %arg7[%mul3A_2, %dma_start3A_77] : memref<16384x128xf32, #tpu.memory_space<hbm>> -> memref<512x32xf32, #tpu.memory_space<hbm>>
    %dma_start3A_79 = arith.constant 96 : i32
    %dma_start3A_80 = tpu.memref_slice %arg7[%mul3A_2, %dma_start3A_79] : memref<16384x128xf32, #tpu.memory_space<hbm>> -> memref<512x32xf32, #tpu.memory_space<hbm>>
    tpu.enqueue_dma source(%arg10 : memref<512x32xf32, #tpu.memory_space<vmem>>) target(%dma_start3A_80 : memref<512x32xf32, #tpu.memory_space<hbm>>) target_semaphore(%arg14 : memref<!tpu.dma_semaphore, #tpu.memory_space<semaphore_mem>>)
    %dma_wait3A_81 = arith.constant 64 : i32
    %dma_wait3A_82 = tpu.memref_slice %arg7[%mul3A_2, %dma_wait3A_81] : memref<16384x128xf32, #tpu.memory_space<hbm>> -> memref<512x32xf32, #tpu.memory_space<hbm>>
    %dma_wait3A_83 = arith.constant 64 : i32
    %dma_wait3A_84 = tpu.memref_slice %arg7[%mul3A_2, %dma_wait3A_83] : memref<16384x128xf32, #tpu.memory_space<hbm>> -> memref<512x32xf32, #tpu.memory_space<hbm>>
    tpu.wait_dma2 semaphore(%arg13 : memref<!tpu.dma_semaphore, #tpu.memory_space<semaphore_mem>>) src(%arg9 : memref<512x32xf32, #tpu.memory_space<vmem>>) dst(%dma_wait3A_84 : memref<512x32xf32, #tpu.memory_space<hbm>>)
    %dma_wait3A_85 = arith.constant 96 : i32
    %dma_wait3A_86 = tpu.memref_slice %arg7[%mul3A_2, %dma_wait3A_85] : memref<16384x128xf32, #tpu.memory_space<hbm>> -> memref<512x32xf32, #tpu.memory_space<hbm>>
    %dma_wait3A_87 = arith.constant 96 : i32
    %dma_wait3A_88 = tpu.memref_slice %arg7[%mul3A_2, %dma_wait3A_87] : memref<16384x128xf32, #tpu.memory_space<hbm>> -> memref<512x32xf32, #tpu.memory_space<hbm>>
    tpu.wait_dma2 semaphore(%arg14 : memref<!tpu.dma_semaphore, #tpu.memory_space<semaphore_mem>>) src(%arg10 : memref<512x32xf32, #tpu.memory_space<vmem>>) dst(%dma_wait3A_88 : memref<512x32xf32, #tpu.memory_space<hbm>>)
    return
  }
}

#map = affine_map<(d0, d1) -> (0, 0)>
module attributes {stable_mosaic.version = 14 : i64} {
  func.func @_group_kernel(%arg0: i32, %arg1: i32, %arg2: memref<4x16384xi32, #tpu.memory_space<hbm>>, %arg3: memref<100001x32xf32, #tpu.memory_space<hbm>>, %arg4: memref<100001x32xf32, #tpu.memory_space<hbm>>, %arg5: memref<100001x32xf32, #tpu.memory_space<hbm>>, %arg6: memref<100001x32xf32, #tpu.memory_space<hbm>>, %arg7: memref<16384x128xf32, #tpu.memory_space<hbm>>, %arg8: memref<4x512xi32, #tpu.memory_space<vmem>>, %arg9: memref<512x32xf32, #tpu.memory_space<vmem>>, %arg10: memref<512x32xf32, #tpu.memory_space<vmem>>, %arg11: memref<!tpu.dma_semaphore, #tpu.memory_space<semaphore_mem>>, %arg12: memref<!tpu.dma_semaphore, #tpu.memory_space<semaphore_mem>>, %arg13: memref<!tpu.dma_semaphore, #tpu.memory_space<semaphore_mem>>, %arg14: memref<!tpu.dma_semaphore, #tpu.memory_space<semaphore_mem>>) attributes {dimension_semantics = [#tpu.dimension_semantics<core_parallel>, #tpu.dimension_semantics<subcore_parallel>], iteration_bounds = array<i64: 2, 16>, scalar_prefetch = 0 : i64, scratch_operands = 7 : i64, tpu.core_type = #tpu.core_type<sc_vector_subcore>, window_params = [{transform_indices = #map}, {transform_indices = #map}, {transform_indices = #map}, {transform_indices = #map}, {transform_indices = #map}, {transform_indices = #map}]} {
    %mul3A = arith.constant 2 : i32
    %mul3A_0 = arith.muli %arg1, %mul3A : i32
    %add3A = arith.addi %mul3A_0, %arg0 : i32
    %mul3A_1 = arith.constant 512 : i32
    %mul3A_2 = arith.muli %add3A, %mul3A_1 : i32
    "tpu.region"() ({
      %run_scoped3A = tpu.sem_alloc : memref<!tpu.dma_semaphore, #tpu.memory_space<semaphore_mem>>
      %dma_start3A_89 = arith.constant 0 : i32
      %dma_start3A_90 = tpu.memref_slice %arg2[%dma_start3A_89, %mul3A_2] : memref<4x16384xi32, #tpu.memory_space<hbm>> -> memref<4x512xi32, #tpu.memory_space<hbm>>
      %dma_start3A_91 = arith.constant 0 : i32
      %dma_start3A_92 = tpu.memref_slice %arg2[%dma_start3A_91, %mul3A_2] : memref<4x16384xi32, #tpu.memory_space<hbm>> -> memref<4x512xi32, #tpu.memory_space<hbm>>
      tpu.enqueue_dma source(%dma_start3A_92 : memref<4x512xi32, #tpu.memory_space<hbm>>) target(%arg8 : memref<4x512xi32, #tpu.memory_space<vmem>>) target_semaphore(%run_scoped3A : memref<!tpu.dma_semaphore, #tpu.memory_space<semaphore_mem>>)
      %dma_wait3A_93 = arith.constant 0 : i32
      %dma_wait3A_94 = tpu.memref_slice %arg2[%dma_wait3A_93, %mul3A_2] : memref<4x16384xi32, #tpu.memory_space<hbm>> -> memref<4x512xi32, #tpu.memory_space<hbm>>
      %dma_wait3A_95 = arith.constant 0 : i32
      %dma_wait3A_96 = tpu.memref_slice %arg2[%dma_wait3A_95, %mul3A_2] : memref<4x16384xi32, #tpu.memory_space<hbm>> -> memref<4x512xi32, #tpu.memory_space<hbm>>
      tpu.wait_dma2 semaphore(%run_scoped3A : memref<!tpu.dma_semaphore, #tpu.memory_space<semaphore_mem>>) src(%dma_wait3A_96 : memref<4x512xi32, #tpu.memory_space<hbm>>) dst(%arg8 : memref<4x512xi32, #tpu.memory_space<vmem>>)
      tpu.yield
    }) : () -> ()
    %dma_start3A = arith.constant 0 : i32
    %dma_start3A_3 = arith.constant 0 : i32
    %dma_start3A_4 = tpu.memref_slice %arg8[%dma_start3A, %dma_start3A_3] : memref<4x512xi32, #tpu.memory_space<vmem>> -> memref<1x512xi32, #tpu.memory_space<vmem>>
    %dma_start3A_5 = tpu.memref_squeeze %dma_start3A_4 : memref<1x512xi32, #tpu.memory_space<vmem>> -> memref<512xi32, #tpu.memory_space<vmem>>
    %dma_start3A_6 = arith.constant 0 : i32
    %dma_start3A_7 = arith.constant 0 : i32
    %dma_start3A_8 = tpu.memref_slice %arg3[%dma_start3A_6, %dma_start3A_7] : memref<100001x32xf32, #tpu.memory_space<hbm>> -> memref<100001x32xf32, #tpu.memory_space<hbm>>
    tpu.enqueue_indirect_dma source(%dma_start3A_8 : memref<100001x32xf32, #tpu.memory_space<hbm>>) target(%arg9 : memref<512x32xf32, #tpu.memory_space<vmem>>) offsets(%dma_start3A_5 : memref<512xi32, #tpu.memory_space<vmem>>) semaphore(%arg11 : memref<!tpu.dma_semaphore, #tpu.memory_space<semaphore_mem>>)
    %dma_start3A_9 = arith.constant 1 : i32
    %dma_start3A_10 = arith.constant 0 : i32
    %dma_start3A_11 = tpu.memref_slice %arg8[%dma_start3A_9, %dma_start3A_10] : memref<4x512xi32, #tpu.memory_space<vmem>> -> memref<1x512xi32, #tpu.memory_space<vmem>>
    %dma_start3A_12 = tpu.memref_squeeze %dma_start3A_11 : memref<1x512xi32, #tpu.memory_space<vmem>> -> memref<512xi32, #tpu.memory_space<vmem>>
    %dma_start3A_13 = arith.constant 0 : i32
    %dma_start3A_14 = arith.constant 0 : i32
    %dma_start3A_15 = tpu.memref_slice %arg4[%dma_start3A_13, %dma_start3A_14] : memref<100001x32xf32, #tpu.memory_space<hbm>> -> memref<100001x32xf32, #tpu.memory_space<hbm>>
    tpu.enqueue_indirect_dma source(%dma_start3A_15 : memref<100001x32xf32, #tpu.memory_space<hbm>>) target(%arg10 : memref<512x32xf32, #tpu.memory_space<vmem>>) offsets(%dma_start3A_12 : memref<512xi32, #tpu.memory_space<vmem>>) semaphore(%arg12 : memref<!tpu.dma_semaphore, #tpu.memory_space<semaphore_mem>>)
    %dma_wait3A = arith.constant 0 : i32
    %dma_wait3A_16 = arith.constant 0 : i32
    %dma_wait3A_17 = tpu.memref_slice %arg8[%dma_wait3A, %dma_wait3A_16] : memref<4x512xi32, #tpu.memory_space<vmem>> -> memref<1x512xi32, #tpu.memory_space<vmem>>
    %dma_wait3A_18 = tpu.memref_squeeze %dma_wait3A_17 : memref<1x512xi32, #tpu.memory_space<vmem>> -> memref<512xi32, #tpu.memory_space<vmem>>
    %dma_wait3A_19 = arith.constant 0 : i32
    %dma_wait3A_20 = arith.constant 0 : i32
    %dma_wait3A_21 = tpu.memref_slice %arg3[%dma_wait3A_19, %dma_wait3A_20] : memref<100001x32xf32, #tpu.memory_space<hbm>> -> memref<100001x32xf32, #tpu.memory_space<hbm>>
    tpu.wait_indirect_dma semaphore(%arg11 : memref<!tpu.dma_semaphore, #tpu.memory_space<semaphore_mem>>) src(%dma_wait3A_21 : memref<100001x32xf32, #tpu.memory_space<hbm>>) dst(%arg9 : memref<512x32xf32, #tpu.memory_space<vmem>>)
    %dma_start3A_22 = arith.constant 0 : i32
    %dma_start3A_23 = tpu.memref_slice %arg7[%mul3A_2, %dma_start3A_22] : memref<16384x128xf32, #tpu.memory_space<hbm>> -> memref<512x32xf32, #tpu.memory_space<hbm>>
    %dma_start3A_24 = arith.constant 0 : i32
    %dma_start3A_25 = tpu.memref_slice %arg7[%mul3A_2, %dma_start3A_24] : memref<16384x128xf32, #tpu.memory_space<hbm>> -> memref<512x32xf32, #tpu.memory_space<hbm>>
    tpu.enqueue_dma source(%arg9 : memref<512x32xf32, #tpu.memory_space<vmem>>) target(%dma_start3A_25 : memref<512x32xf32, #tpu.memory_space<hbm>>) target_semaphore(%arg13 : memref<!tpu.dma_semaphore, #tpu.memory_space<semaphore_mem>>)
    %dma_wait3A_26 = arith.constant 0 : i32
    %dma_wait3A_27 = tpu.memref_slice %arg7[%mul3A_2, %dma_wait3A_26] : memref<16384x128xf32, #tpu.memory_space<hbm>> -> memref<512x32xf32, #tpu.memory_space<hbm>>
    %dma_wait3A_28 = arith.constant 0 : i32
    %dma_wait3A_29 = tpu.memref_slice %arg7[%mul3A_2, %dma_wait3A_28] : memref<16384x128xf32, #tpu.memory_space<hbm>> -> memref<512x32xf32, #tpu.memory_space<hbm>>
    tpu.wait_dma2 semaphore(%arg13 : memref<!tpu.dma_semaphore, #tpu.memory_space<semaphore_mem>>) src(%arg9 : memref<512x32xf32, #tpu.memory_space<vmem>>) dst(%dma_wait3A_29 : memref<512x32xf32, #tpu.memory_space<hbm>>)
    %dma_start3A_30 = arith.constant 2 : i32
    %dma_start3A_31 = arith.constant 0 : i32
    %dma_start3A_32 = tpu.memref_slice %arg8[%dma_start3A_30, %dma_start3A_31] : memref<4x512xi32, #tpu.memory_space<vmem>> -> memref<1x512xi32, #tpu.memory_space<vmem>>
    %dma_start3A_33 = tpu.memref_squeeze %dma_start3A_32 : memref<1x512xi32, #tpu.memory_space<vmem>> -> memref<512xi32, #tpu.memory_space<vmem>>
    %dma_start3A_34 = arith.constant 0 : i32
    %dma_start3A_35 = arith.constant 0 : i32
    %dma_start3A_36 = tpu.memref_slice %arg5[%dma_start3A_34, %dma_start3A_35] : memref<100001x32xf32, #tpu.memory_space<hbm>> -> memref<100001x32xf32, #tpu.memory_space<hbm>>
    tpu.enqueue_indirect_dma source(%dma_start3A_36 : memref<100001x32xf32, #tpu.memory_space<hbm>>) target(%arg9 : memref<512x32xf32, #tpu.memory_space<vmem>>) offsets(%dma_start3A_33 : memref<512xi32, #tpu.memory_space<vmem>>) semaphore(%arg11 : memref<!tpu.dma_semaphore, #tpu.memory_space<semaphore_mem>>)
    %dma_wait3A_37 = arith.constant 1 : i32
    %dma_wait3A_38 = arith.constant 0 : i32
    %dma_wait3A_39 = tpu.memref_slice %arg8[%dma_wait3A_37, %dma_wait3A_38] : memref<4x512xi32, #tpu.memory_space<vmem>> -> memref<1x512xi32, #tpu.memory_space<vmem>>
    %dma_wait3A_40 = tpu.memref_squeeze %dma_wait3A_39 : memref<1x512xi32, #tpu.memory_space<vmem>> -> memref<512xi32, #tpu.memory_space<vmem>>
    %dma_wait3A_41 = arith.constant 0 : i32
    %dma_wait3A_42 = arith.constant 0 : i32
    %dma_wait3A_43 = tpu.memref_slice %arg4[%dma_wait3A_41, %dma_wait3A_42] : memref<100001x32xf32, #tpu.memory_space<hbm>> -> memref<100001x32xf32, #tpu.memory_space<hbm>>
    tpu.wait_indirect_dma semaphore(%arg12 : memref<!tpu.dma_semaphore, #tpu.memory_space<semaphore_mem>>) src(%dma_wait3A_43 : memref<100001x32xf32, #tpu.memory_space<hbm>>) dst(%arg10 : memref<512x32xf32, #tpu.memory_space<vmem>>)
    %dma_start3A_44 = arith.constant 32 : i32
    %dma_start3A_45 = tpu.memref_slice %arg7[%mul3A_2, %dma_start3A_44] : memref<16384x128xf32, #tpu.memory_space<hbm>> -> memref<512x32xf32, #tpu.memory_space<hbm>>
    %dma_start3A_46 = arith.constant 32 : i32
    %dma_start3A_47 = tpu.memref_slice %arg7[%mul3A_2, %dma_start3A_46] : memref<16384x128xf32, #tpu.memory_space<hbm>> -> memref<512x32xf32, #tpu.memory_space<hbm>>
    tpu.enqueue_dma source(%arg10 : memref<512x32xf32, #tpu.memory_space<vmem>>) target(%dma_start3A_47 : memref<512x32xf32, #tpu.memory_space<hbm>>) target_semaphore(%arg14 : memref<!tpu.dma_semaphore, #tpu.memory_space<semaphore_mem>>)
    %dma_wait3A_48 = arith.constant 32 : i32
    %dma_wait3A_49 = tpu.memref_slice %arg7[%mul3A_2, %dma_wait3A_48] : memref<16384x128xf32, #tpu.memory_space<hbm>> -> memref<512x32xf32, #tpu.memory_space<hbm>>
    %dma_wait3A_50 = arith.constant 32 : i32
    %dma_wait3A_51 = tpu.memref_slice %arg7[%mul3A_2, %dma_wait3A_50] : memref<16384x128xf32, #tpu.memory_space<hbm>> -> memref<512x32xf32, #tpu.memory_space<hbm>>
    tpu.wait_dma2 semaphore(%arg14 : memref<!tpu.dma_semaphore, #tpu.memory_space<semaphore_mem>>) src(%arg10 : memref<512x32xf32, #tpu.memory_space<vmem>>) dst(%dma_wait3A_51 : memref<512x32xf32, #tpu.memory_space<hbm>>)
    %dma_start3A_52 = arith.constant 3 : i32
    %dma_start3A_53 = arith.constant 0 : i32
    %dma_start3A_54 = tpu.memref_slice %arg8[%dma_start3A_52, %dma_start3A_53] : memref<4x512xi32, #tpu.memory_space<vmem>> -> memref<1x512xi32, #tpu.memory_space<vmem>>
    %dma_start3A_55 = tpu.memref_squeeze %dma_start3A_54 : memref<1x512xi32, #tpu.memory_space<vmem>> -> memref<512xi32, #tpu.memory_space<vmem>>
    %dma_start3A_56 = arith.constant 0 : i32
    %dma_start3A_57 = arith.constant 0 : i32
    %dma_start3A_58 = tpu.memref_slice %arg6[%dma_start3A_56, %dma_start3A_57] : memref<100001x32xf32, #tpu.memory_space<hbm>> -> memref<100001x32xf32, #tpu.memory_space<hbm>>
    tpu.enqueue_indirect_dma source(%dma_start3A_58 : memref<100001x32xf32, #tpu.memory_space<hbm>>) target(%arg10 : memref<512x32xf32, #tpu.memory_space<vmem>>) offsets(%dma_start3A_55 : memref<512xi32, #tpu.memory_space<vmem>>) semaphore(%arg12 : memref<!tpu.dma_semaphore, #tpu.memory_space<semaphore_mem>>)
    %dma_wait3A_59 = arith.constant 2 : i32
    %dma_wait3A_60 = arith.constant 0 : i32
    %dma_wait3A_61 = tpu.memref_slice %arg8[%dma_wait3A_59, %dma_wait3A_60] : memref<4x512xi32, #tpu.memory_space<vmem>> -> memref<1x512xi32, #tpu.memory_space<vmem>>
    %dma_wait3A_62 = tpu.memref_squeeze %dma_wait3A_61 : memref<1x512xi32, #tpu.memory_space<vmem>> -> memref<512xi32, #tpu.memory_space<vmem>>
    %dma_wait3A_63 = arith.constant 0 : i32
    %dma_wait3A_64 = arith.constant 0 : i32
    %dma_wait3A_65 = tpu.memref_slice %arg5[%dma_wait3A_63, %dma_wait3A_64] : memref<100001x32xf32, #tpu.memory_space<hbm>> -> memref<100001x32xf32, #tpu.memory_space<hbm>>
    tpu.wait_indirect_dma semaphore(%arg11 : memref<!tpu.dma_semaphore, #tpu.memory_space<semaphore_mem>>) src(%dma_wait3A_65 : memref<100001x32xf32, #tpu.memory_space<hbm>>) dst(%arg9 : memref<512x32xf32, #tpu.memory_space<vmem>>)
    %dma_start3A_66 = arith.constant 64 : i32
    %dma_start3A_67 = tpu.memref_slice %arg7[%mul3A_2, %dma_start3A_66] : memref<16384x128xf32, #tpu.memory_space<hbm>> -> memref<512x32xf32, #tpu.memory_space<hbm>>
    %dma_start3A_68 = arith.constant 64 : i32
    %dma_start3A_69 = tpu.memref_slice %arg7[%mul3A_2, %dma_start3A_68] : memref<16384x128xf32, #tpu.memory_space<hbm>> -> memref<512x32xf32, #tpu.memory_space<hbm>>
    tpu.enqueue_dma source(%arg9 : memref<512x32xf32, #tpu.memory_space<vmem>>) target(%dma_start3A_69 : memref<512x32xf32, #tpu.memory_space<hbm>>) target_semaphore(%arg13 : memref<!tpu.dma_semaphore, #tpu.memory_space<semaphore_mem>>)
    %dma_wait3A_70 = arith.constant 3 : i32
    %dma_wait3A_71 = arith.constant 0 : i32
    %dma_wait3A_72 = tpu.memref_slice %arg8[%dma_wait3A_70, %dma_wait3A_71] : memref<4x512xi32, #tpu.memory_space<vmem>> -> memref<1x512xi32, #tpu.memory_space<vmem>>
    %dma_wait3A_73 = tpu.memref_squeeze %dma_wait3A_72 : memref<1x512xi32, #tpu.memory_space<vmem>> -> memref<512xi32, #tpu.memory_space<vmem>>
    %dma_wait3A_74 = arith.constant 0 : i32
    %dma_wait3A_75 = arith.constant 0 : i32
    %dma_wait3A_76 = tpu.memref_slice %arg6[%dma_wait3A_74, %dma_wait3A_75] : memref<100001x32xf32, #tpu.memory_space<hbm>> -> memref<100001x32xf32, #tpu.memory_space<hbm>>
    tpu.wait_indirect_dma semaphore(%arg12 : memref<!tpu.dma_semaphore, #tpu.memory_space<semaphore_mem>>) src(%dma_wait3A_76 : memref<100001x32xf32, #tpu.memory_space<hbm>>) dst(%arg10 : memref<512x32xf32, #tpu.memory_space<vmem>>)
    %dma_start3A_77 = arith.constant 96 : i32
    %dma_start3A_78 = tpu.memref_slice %arg7[%mul3A_2, %dma_start3A_77] : memref<16384x128xf32, #tpu.memory_space<hbm>> -> memref<512x32xf32, #tpu.memory_space<hbm>>
    %dma_start3A_79 = arith.constant 96 : i32
    %dma_start3A_80 = tpu.memref_slice %arg7[%mul3A_2, %dma_start3A_79] : memref<16384x128xf32, #tpu.memory_space<hbm>> -> memref<512x32xf32, #tpu.memory_space<hbm>>
    tpu.enqueue_dma source(%arg10 : memref<512x32xf32, #tpu.memory_space<vmem>>) target(%dma_start3A_80 : memref<512x32xf32, #tpu.memory_space<hbm>>) target_semaphore(%arg14 : memref<!tpu.dma_semaphore, #tpu.memory_space<semaphore_mem>>)
    %dma_wait3A_81 = arith.constant 64 : i32
    %dma_wait3A_82 = tpu.memref_slice %arg7[%mul3A_2, %dma_wait3A_81] : memref<16384x128xf32, #tpu.memory_space<hbm>> -> memref<512x32xf32, #tpu.memory_space<hbm>>
    %dma_wait3A_83 = arith.constant 64 : i32
    %dma_wait3A_84 = tpu.memref_slice %arg7[%mul3A_2, %dma_wait3A_83] : memref<16384x128xf32, #tpu.memory_space<hbm>> -> memref<512x32xf32, #tpu.memory_space<hbm>>
    tpu.wait_dma2 semaphore(%arg13 : memref<!tpu.dma_semaphore, #tpu.memory_space<semaphore_mem>>) src(%arg9 : memref<512x32xf32, #tpu.memory_space<vmem>>) dst(%dma_wait3A_84 : memref<512x32xf32, #tpu.memory_space<hbm>>)
    %dma_wait3A_85 = arith.constant 96 : i32
    %dma_wait3A_86 = tpu.memref_slice %arg7[%mul3A_2, %dma_wait3A_85] : memref<16384x128xf32, #tpu.memory_space<hbm>> -> memref<512x32xf32, #tpu.memory_space<hbm>>
    %dma_wait3A_87 = arith.constant 96 : i32
    %dma_wait3A_88 = tpu.memref_slice %arg7[%mul3A_2, %dma_wait3A_87] : memref<16384x128xf32, #tpu.memory_space<hbm>> -> memref<512x32xf32, #tpu.memory_space<hbm>>
    tpu.wait_dma2 semaphore(%arg14 : memref<!tpu.dma_semaphore, #tpu.memory_space<semaphore_mem>>) src(%arg10 : memref<512x32xf32, #tpu.memory_space<vmem>>) dst(%dma_wait3A_88 : memref<512x32xf32, #tpu.memory_space<hbm>>)
    return
  }
}

#map = affine_map<(d0, d1) -> (0, 0)>
module attributes {stable_mosaic.version = 14 : i64} {
  func.func @_group_kernel(%arg0: i32, %arg1: i32, %arg2: memref<4x16384xi32, #tpu.memory_space<hbm>>, %arg3: memref<100001x32xf32, #tpu.memory_space<hbm>>, %arg4: memref<100001x32xf32, #tpu.memory_space<hbm>>, %arg5: memref<100001x32xf32, #tpu.memory_space<hbm>>, %arg6: memref<100001x32xf32, #tpu.memory_space<hbm>>, %arg7: memref<16384x128xf32, #tpu.memory_space<hbm>>, %arg8: memref<4x512xi32, #tpu.memory_space<vmem>>, %arg9: memref<512x32xf32, #tpu.memory_space<vmem>>, %arg10: memref<512x32xf32, #tpu.memory_space<vmem>>, %arg11: memref<!tpu.dma_semaphore, #tpu.memory_space<semaphore_mem>>, %arg12: memref<!tpu.dma_semaphore, #tpu.memory_space<semaphore_mem>>, %arg13: memref<!tpu.dma_semaphore, #tpu.memory_space<semaphore_mem>>, %arg14: memref<!tpu.dma_semaphore, #tpu.memory_space<semaphore_mem>>) attributes {dimension_semantics = [#tpu.dimension_semantics<core_parallel>, #tpu.dimension_semantics<subcore_parallel>], iteration_bounds = array<i64: 2, 16>, scalar_prefetch = 0 : i64, scratch_operands = 7 : i64, tpu.core_type = #tpu.core_type<sc_vector_subcore>, window_params = [{transform_indices = #map}, {transform_indices = #map}, {transform_indices = #map}, {transform_indices = #map}, {transform_indices = #map}, {transform_indices = #map}]} {
    %mul3A = arith.constant 2 : i32
    %mul3A_0 = arith.muli %arg1, %mul3A : i32
    %add3A = arith.addi %mul3A_0, %arg0 : i32
    %mul3A_1 = arith.constant 512 : i32
    %mul3A_2 = arith.muli %add3A, %mul3A_1 : i32
    "tpu.region"() ({
      %run_scoped3A = tpu.sem_alloc : memref<!tpu.dma_semaphore, #tpu.memory_space<semaphore_mem>>
      %dma_start3A_89 = arith.constant 0 : i32
      %dma_start3A_90 = tpu.memref_slice %arg2[%dma_start3A_89, %mul3A_2] : memref<4x16384xi32, #tpu.memory_space<hbm>> -> memref<4x512xi32, #tpu.memory_space<hbm>>
      %dma_start3A_91 = arith.constant 0 : i32
      %dma_start3A_92 = tpu.memref_slice %arg2[%dma_start3A_91, %mul3A_2] : memref<4x16384xi32, #tpu.memory_space<hbm>> -> memref<4x512xi32, #tpu.memory_space<hbm>>
      tpu.enqueue_dma source(%dma_start3A_92 : memref<4x512xi32, #tpu.memory_space<hbm>>) target(%arg8 : memref<4x512xi32, #tpu.memory_space<vmem>>) target_semaphore(%run_scoped3A : memref<!tpu.dma_semaphore, #tpu.memory_space<semaphore_mem>>)
      %dma_wait3A_93 = arith.constant 0 : i32
      %dma_wait3A_94 = tpu.memref_slice %arg2[%dma_wait3A_93, %mul3A_2] : memref<4x16384xi32, #tpu.memory_space<hbm>> -> memref<4x512xi32, #tpu.memory_space<hbm>>
      %dma_wait3A_95 = arith.constant 0 : i32
      %dma_wait3A_96 = tpu.memref_slice %arg2[%dma_wait3A_95, %mul3A_2] : memref<4x16384xi32, #tpu.memory_space<hbm>> -> memref<4x512xi32, #tpu.memory_space<hbm>>
      tpu.wait_dma2 semaphore(%run_scoped3A : memref<!tpu.dma_semaphore, #tpu.memory_space<semaphore_mem>>) src(%dma_wait3A_96 : memref<4x512xi32, #tpu.memory_space<hbm>>) dst(%arg8 : memref<4x512xi32, #tpu.memory_space<vmem>>)
      tpu.yield
    }) : () -> ()
    %dma_start3A = arith.constant 0 : i32
    %dma_start3A_3 = arith.constant 0 : i32
    %dma_start3A_4 = tpu.memref_slice %arg8[%dma_start3A, %dma_start3A_3] : memref<4x512xi32, #tpu.memory_space<vmem>> -> memref<1x512xi32, #tpu.memory_space<vmem>>
    %dma_start3A_5 = tpu.memref_squeeze %dma_start3A_4 : memref<1x512xi32, #tpu.memory_space<vmem>> -> memref<512xi32, #tpu.memory_space<vmem>>
    %dma_start3A_6 = arith.constant 0 : i32
    %dma_start3A_7 = arith.constant 0 : i32
    %dma_start3A_8 = tpu.memref_slice %arg3[%dma_start3A_6, %dma_start3A_7] : memref<100001x32xf32, #tpu.memory_space<hbm>> -> memref<100001x32xf32, #tpu.memory_space<hbm>>
    tpu.enqueue_indirect_dma source(%dma_start3A_8 : memref<100001x32xf32, #tpu.memory_space<hbm>>) target(%arg9 : memref<512x32xf32, #tpu.memory_space<vmem>>) offsets(%dma_start3A_5 : memref<512xi32, #tpu.memory_space<vmem>>) semaphore(%arg11 : memref<!tpu.dma_semaphore, #tpu.memory_space<semaphore_mem>>)
    %dma_start3A_9 = arith.constant 1 : i32
    %dma_start3A_10 = arith.constant 0 : i32
    %dma_start3A_11 = tpu.memref_slice %arg8[%dma_start3A_9, %dma_start3A_10] : memref<4x512xi32, #tpu.memory_space<vmem>> -> memref<1x512xi32, #tpu.memory_space<vmem>>
    %dma_start3A_12 = tpu.memref_squeeze %dma_start3A_11 : memref<1x512xi32, #tpu.memory_space<vmem>> -> memref<512xi32, #tpu.memory_space<vmem>>
    %dma_start3A_13 = arith.constant 0 : i32
    %dma_start3A_14 = arith.constant 0 : i32
    %dma_start3A_15 = tpu.memref_slice %arg4[%dma_start3A_13, %dma_start3A_14] : memref<100001x32xf32, #tpu.memory_space<hbm>> -> memref<100001x32xf32, #tpu.memory_space<hbm>>
    tpu.enqueue_indirect_dma source(%dma_start3A_15 : memref<100001x32xf32, #tpu.memory_space<hbm>>) target(%arg10 : memref<512x32xf32, #tpu.memory_space<vmem>>) offsets(%dma_start3A_12 : memref<512xi32, #tpu.memory_space<vmem>>) semaphore(%arg12 : memref<!tpu.dma_semaphore, #tpu.memory_space<semaphore_mem>>)
    %dma_wait3A = arith.constant 0 : i32
    %dma_wait3A_16 = arith.constant 0 : i32
    %dma_wait3A_17 = tpu.memref_slice %arg8[%dma_wait3A, %dma_wait3A_16] : memref<4x512xi32, #tpu.memory_space<vmem>> -> memref<1x512xi32, #tpu.memory_space<vmem>>
    %dma_wait3A_18 = tpu.memref_squeeze %dma_wait3A_17 : memref<1x512xi32, #tpu.memory_space<vmem>> -> memref<512xi32, #tpu.memory_space<vmem>>
    %dma_wait3A_19 = arith.constant 0 : i32
    %dma_wait3A_20 = arith.constant 0 : i32
    %dma_wait3A_21 = tpu.memref_slice %arg3[%dma_wait3A_19, %dma_wait3A_20] : memref<100001x32xf32, #tpu.memory_space<hbm>> -> memref<100001x32xf32, #tpu.memory_space<hbm>>
    tpu.wait_indirect_dma semaphore(%arg11 : memref<!tpu.dma_semaphore, #tpu.memory_space<semaphore_mem>>) src(%dma_wait3A_21 : memref<100001x32xf32, #tpu.memory_space<hbm>>) dst(%arg9 : memref<512x32xf32, #tpu.memory_space<vmem>>)
    %dma_start3A_22 = arith.constant 0 : i32
    %dma_start3A_23 = tpu.memref_slice %arg7[%mul3A_2, %dma_start3A_22] : memref<16384x128xf32, #tpu.memory_space<hbm>> -> memref<512x32xf32, #tpu.memory_space<hbm>>
    %dma_start3A_24 = arith.constant 0 : i32
    %dma_start3A_25 = tpu.memref_slice %arg7[%mul3A_2, %dma_start3A_24] : memref<16384x128xf32, #tpu.memory_space<hbm>> -> memref<512x32xf32, #tpu.memory_space<hbm>>
    tpu.enqueue_dma source(%arg9 : memref<512x32xf32, #tpu.memory_space<vmem>>) target(%dma_start3A_25 : memref<512x32xf32, #tpu.memory_space<hbm>>) target_semaphore(%arg13 : memref<!tpu.dma_semaphore, #tpu.memory_space<semaphore_mem>>)
    %dma_wait3A_26 = arith.constant 0 : i32
    %dma_wait3A_27 = tpu.memref_slice %arg7[%mul3A_2, %dma_wait3A_26] : memref<16384x128xf32, #tpu.memory_space<hbm>> -> memref<512x32xf32, #tpu.memory_space<hbm>>
    %dma_wait3A_28 = arith.constant 0 : i32
    %dma_wait3A_29 = tpu.memref_slice %arg7[%mul3A_2, %dma_wait3A_28] : memref<16384x128xf32, #tpu.memory_space<hbm>> -> memref<512x32xf32, #tpu.memory_space<hbm>>
    tpu.wait_dma2 semaphore(%arg13 : memref<!tpu.dma_semaphore, #tpu.memory_space<semaphore_mem>>) src(%arg9 : memref<512x32xf32, #tpu.memory_space<vmem>>) dst(%dma_wait3A_29 : memref<512x32xf32, #tpu.memory_space<hbm>>)
    %dma_start3A_30 = arith.constant 2 : i32
    %dma_start3A_31 = arith.constant 0 : i32
    %dma_start3A_32 = tpu.memref_slice %arg8[%dma_start3A_30, %dma_start3A_31] : memref<4x512xi32, #tpu.memory_space<vmem>> -> memref<1x512xi32, #tpu.memory_space<vmem>>
    %dma_start3A_33 = tpu.memref_squeeze %dma_start3A_32 : memref<1x512xi32, #tpu.memory_space<vmem>> -> memref<512xi32, #tpu.memory_space<vmem>>
    %dma_start3A_34 = arith.constant 0 : i32
    %dma_start3A_35 = arith.constant 0 : i32
    %dma_start3A_36 = tpu.memref_slice %arg5[%dma_start3A_34, %dma_start3A_35] : memref<100001x32xf32, #tpu.memory_space<hbm>> -> memref<100001x32xf32, #tpu.memory_space<hbm>>
    tpu.enqueue_indirect_dma source(%dma_start3A_36 : memref<100001x32xf32, #tpu.memory_space<hbm>>) target(%arg9 : memref<512x32xf32, #tpu.memory_space<vmem>>) offsets(%dma_start3A_33 : memref<512xi32, #tpu.memory_space<vmem>>) semaphore(%arg11 : memref<!tpu.dma_semaphore, #tpu.memory_space<semaphore_mem>>)
    %dma_wait3A_37 = arith.constant 1 : i32
    %dma_wait3A_38 = arith.constant 0 : i32
    %dma_wait3A_39 = tpu.memref_slice %arg8[%dma_wait3A_37, %dma_wait3A_38] : memref<4x512xi32, #tpu.memory_space<vmem>> -> memref<1x512xi32, #tpu.memory_space<vmem>>
    %dma_wait3A_40 = tpu.memref_squeeze %dma_wait3A_39 : memref<1x512xi32, #tpu.memory_space<vmem>> -> memref<512xi32, #tpu.memory_space<vmem>>
    %dma_wait3A_41 = arith.constant 0 : i32
    %dma_wait3A_42 = arith.constant 0 : i32
    %dma_wait3A_43 = tpu.memref_slice %arg4[%dma_wait3A_41, %dma_wait3A_42] : memref<100001x32xf32, #tpu.memory_space<hbm>> -> memref<100001x32xf32, #tpu.memory_space<hbm>>
    tpu.wait_indirect_dma semaphore(%arg12 : memref<!tpu.dma_semaphore, #tpu.memory_space<semaphore_mem>>) src(%dma_wait3A_43 : memref<100001x32xf32, #tpu.memory_space<hbm>>) dst(%arg10 : memref<512x32xf32, #tpu.memory_space<vmem>>)
    %dma_start3A_44 = arith.constant 32 : i32
    %dma_start3A_45 = tpu.memref_slice %arg7[%mul3A_2, %dma_start3A_44] : memref<16384x128xf32, #tpu.memory_space<hbm>> -> memref<512x32xf32, #tpu.memory_space<hbm>>
    %dma_start3A_46 = arith.constant 32 : i32
    %dma_start3A_47 = tpu.memref_slice %arg7[%mul3A_2, %dma_start3A_46] : memref<16384x128xf32, #tpu.memory_space<hbm>> -> memref<512x32xf32, #tpu.memory_space<hbm>>
    tpu.enqueue_dma source(%arg10 : memref<512x32xf32, #tpu.memory_space<vmem>>) target(%dma_start3A_47 : memref<512x32xf32, #tpu.memory_space<hbm>>) target_semaphore(%arg14 : memref<!tpu.dma_semaphore, #tpu.memory_space<semaphore_mem>>)
    %dma_wait3A_48 = arith.constant 32 : i32
    %dma_wait3A_49 = tpu.memref_slice %arg7[%mul3A_2, %dma_wait3A_48] : memref<16384x128xf32, #tpu.memory_space<hbm>> -> memref<512x32xf32, #tpu.memory_space<hbm>>
    %dma_wait3A_50 = arith.constant 32 : i32
    %dma_wait3A_51 = tpu.memref_slice %arg7[%mul3A_2, %dma_wait3A_50] : memref<16384x128xf32, #tpu.memory_space<hbm>> -> memref<512x32xf32, #tpu.memory_space<hbm>>
    tpu.wait_dma2 semaphore(%arg14 : memref<!tpu.dma_semaphore, #tpu.memory_space<semaphore_mem>>) src(%arg10 : memref<512x32xf32, #tpu.memory_space<vmem>>) dst(%dma_wait3A_51 : memref<512x32xf32, #tpu.memory_space<hbm>>)
    %dma_start3A_52 = arith.constant 3 : i32
    %dma_start3A_53 = arith.constant 0 : i32
    %dma_start3A_54 = tpu.memref_slice %arg8[%dma_start3A_52, %dma_start3A_53] : memref<4x512xi32, #tpu.memory_space<vmem>> -> memref<1x512xi32, #tpu.memory_space<vmem>>
    %dma_start3A_55 = tpu.memref_squeeze %dma_start3A_54 : memref<1x512xi32, #tpu.memory_space<vmem>> -> memref<512xi32, #tpu.memory_space<vmem>>
    %dma_start3A_56 = arith.constant 0 : i32
    %dma_start3A_57 = arith.constant 0 : i32
    %dma_start3A_58 = tpu.memref_slice %arg6[%dma_start3A_56, %dma_start3A_57] : memref<100001x32xf32, #tpu.memory_space<hbm>> -> memref<100001x32xf32, #tpu.memory_space<hbm>>
    tpu.enqueue_indirect_dma source(%dma_start3A_58 : memref<100001x32xf32, #tpu.memory_space<hbm>>) target(%arg10 : memref<512x32xf32, #tpu.memory_space<vmem>>) offsets(%dma_start3A_55 : memref<512xi32, #tpu.memory_space<vmem>>) semaphore(%arg12 : memref<!tpu.dma_semaphore, #tpu.memory_space<semaphore_mem>>)
    %dma_wait3A_59 = arith.constant 2 : i32
    %dma_wait3A_60 = arith.constant 0 : i32
    %dma_wait3A_61 = tpu.memref_slice %arg8[%dma_wait3A_59, %dma_wait3A_60] : memref<4x512xi32, #tpu.memory_space<vmem>> -> memref<1x512xi32, #tpu.memory_space<vmem>>
    %dma_wait3A_62 = tpu.memref_squeeze %dma_wait3A_61 : memref<1x512xi32, #tpu.memory_space<vmem>> -> memref<512xi32, #tpu.memory_space<vmem>>
    %dma_wait3A_63 = arith.constant 0 : i32
    %dma_wait3A_64 = arith.constant 0 : i32
    %dma_wait3A_65 = tpu.memref_slice %arg5[%dma_wait3A_63, %dma_wait3A_64] : memref<100001x32xf32, #tpu.memory_space<hbm>> -> memref<100001x32xf32, #tpu.memory_space<hbm>>
    tpu.wait_indirect_dma semaphore(%arg11 : memref<!tpu.dma_semaphore, #tpu.memory_space<semaphore_mem>>) src(%dma_wait3A_65 : memref<100001x32xf32, #tpu.memory_space<hbm>>) dst(%arg9 : memref<512x32xf32, #tpu.memory_space<vmem>>)
    %dma_start3A_66 = arith.constant 64 : i32
    %dma_start3A_67 = tpu.memref_slice %arg7[%mul3A_2, %dma_start3A_66] : memref<16384x128xf32, #tpu.memory_space<hbm>> -> memref<512x32xf32, #tpu.memory_space<hbm>>
    %dma_start3A_68 = arith.constant 64 : i32
    %dma_start3A_69 = tpu.memref_slice %arg7[%mul3A_2, %dma_start3A_68] : memref<16384x128xf32, #tpu.memory_space<hbm>> -> memref<512x32xf32, #tpu.memory_space<hbm>>
    tpu.enqueue_dma source(%arg9 : memref<512x32xf32, #tpu.memory_space<vmem>>) target(%dma_start3A_69 : memref<512x32xf32, #tpu.memory_space<hbm>>) target_semaphore(%arg13 : memref<!tpu.dma_semaphore, #tpu.memory_space<semaphore_mem>>)
    %dma_wait3A_70 = arith.constant 3 : i32
    %dma_wait3A_71 = arith.constant 0 : i32
    %dma_wait3A_72 = tpu.memref_slice %arg8[%dma_wait3A_70, %dma_wait3A_71] : memref<4x512xi32, #tpu.memory_space<vmem>> -> memref<1x512xi32, #tpu.memory_space<vmem>>
    %dma_wait3A_73 = tpu.memref_squeeze %dma_wait3A_72 : memref<1x512xi32, #tpu.memory_space<vmem>> -> memref<512xi32, #tpu.memory_space<vmem>>
    %dma_wait3A_74 = arith.constant 0 : i32
    %dma_wait3A_75 = arith.constant 0 : i32
    %dma_wait3A_76 = tpu.memref_slice %arg6[%dma_wait3A_74, %dma_wait3A_75] : memref<100001x32xf32, #tpu.memory_space<hbm>> -> memref<100001x32xf32, #tpu.memory_space<hbm>>
    tpu.wait_indirect_dma semaphore(%arg12 : memref<!tpu.dma_semaphore, #tpu.memory_space<semaphore_mem>>) src(%dma_wait3A_76 : memref<100001x32xf32, #tpu.memory_space<hbm>>) dst(%arg10 : memref<512x32xf32, #tpu.memory_space<vmem>>)
    %dma_start3A_77 = arith.constant 96 : i32
    %dma_start3A_78 = tpu.memref_slice %arg7[%mul3A_2, %dma_start3A_77] : memref<16384x128xf32, #tpu.memory_space<hbm>> -> memref<512x32xf32, #tpu.memory_space<hbm>>
    %dma_start3A_79 = arith.constant 96 : i32
    %dma_start3A_80 = tpu.memref_slice %arg7[%mul3A_2, %dma_start3A_79] : memref<16384x128xf32, #tpu.memory_space<hbm>> -> memref<512x32xf32, #tpu.memory_space<hbm>>
    tpu.enqueue_dma source(%arg10 : memref<512x32xf32, #tpu.memory_space<vmem>>) target(%dma_start3A_80 : memref<512x32xf32, #tpu.memory_space<hbm>>) target_semaphore(%arg14 : memref<!tpu.dma_semaphore, #tpu.memory_space<semaphore_mem>>)
    %dma_wait3A_81 = arith.constant 64 : i32
    %dma_wait3A_82 = tpu.memref_slice %arg7[%mul3A_2, %dma_wait3A_81] : memref<16384x128xf32, #tpu.memory_space<hbm>> -> memref<512x32xf32, #tpu.memory_space<hbm>>
    %dma_wait3A_83 = arith.constant 64 : i32
    %dma_wait3A_84 = tpu.memref_slice %arg7[%mul3A_2, %dma_wait3A_83] : memref<16384x128xf32, #tpu.memory_space<hbm>> -> memref<512x32xf32, #tpu.memory_space<hbm>>
    tpu.wait_dma2 semaphore(%arg13 : memref<!tpu.dma_semaphore, #tpu.memory_space<semaphore_mem>>) src(%arg9 : memref<512x32xf32, #tpu.memory_space<vmem>>) dst(%dma_wait3A_84 : memref<512x32xf32, #tpu.memory_space<hbm>>)
    %dma_wait3A_85 = arith.constant 96 : i32
    %dma_wait3A_86 = tpu.memref_slice %arg7[%mul3A_2, %dma_wait3A_85] : memref<16384x128xf32, #tpu.memory_space<hbm>> -> memref<512x32xf32, #tpu.memory_space<hbm>>
    %dma_wait3A_87 = arith.constant 96 : i32
    %dma_wait3A_88 = tpu.memref_slice %arg7[%mul3A_2, %dma_wait3A_87] : memref<16384x128xf32, #tpu.memory_space<hbm>> -> memref<512x32xf32, #tpu.memory_space<hbm>>
    tpu.wait_dma2 semaphore(%arg14 : memref<!tpu.dma_semaphore, #tpu.memory_space<semaphore_mem>>) src(%arg10 : memref<512x32xf32, #tpu.memory_space<vmem>>) dst(%dma_wait3A_88 : memref<512x32xf32, #tpu.memory_space<hbm>>)
    return
  }
}

#map = affine_map<(d0, d1) -> (0, 0)>
module attributes {stable_mosaic.version = 14 : i64} {
  func.func @_group_kernel(%arg0: i32, %arg1: i32, %arg2: memref<4x16384xi32, #tpu.memory_space<hbm>>, %arg3: memref<100001x32xf32, #tpu.memory_space<hbm>>, %arg4: memref<100001x32xf32, #tpu.memory_space<hbm>>, %arg5: memref<100001x32xf32, #tpu.memory_space<hbm>>, %arg6: memref<100001x32xf32, #tpu.memory_space<hbm>>, %arg7: memref<16384x128xf32, #tpu.memory_space<hbm>>, %arg8: memref<4x512xi32, #tpu.memory_space<vmem>>, %arg9: memref<512x32xf32, #tpu.memory_space<vmem>>, %arg10: memref<512x32xf32, #tpu.memory_space<vmem>>, %arg11: memref<!tpu.dma_semaphore, #tpu.memory_space<semaphore_mem>>, %arg12: memref<!tpu.dma_semaphore, #tpu.memory_space<semaphore_mem>>, %arg13: memref<!tpu.dma_semaphore, #tpu.memory_space<semaphore_mem>>, %arg14: memref<!tpu.dma_semaphore, #tpu.memory_space<semaphore_mem>>) attributes {dimension_semantics = [#tpu.dimension_semantics<core_parallel>, #tpu.dimension_semantics<subcore_parallel>], iteration_bounds = array<i64: 2, 16>, scalar_prefetch = 0 : i64, scratch_operands = 7 : i64, tpu.core_type = #tpu.core_type<sc_vector_subcore>, window_params = [{transform_indices = #map}, {transform_indices = #map}, {transform_indices = #map}, {transform_indices = #map}, {transform_indices = #map}, {transform_indices = #map}]} {
    %mul3A = arith.constant 2 : i32
    %mul3A_0 = arith.muli %arg1, %mul3A : i32
    %add3A = arith.addi %mul3A_0, %arg0 : i32
    %mul3A_1 = arith.constant 512 : i32
    %mul3A_2 = arith.muli %add3A, %mul3A_1 : i32
    "tpu.region"() ({
      %run_scoped3A = tpu.sem_alloc : memref<!tpu.dma_semaphore, #tpu.memory_space<semaphore_mem>>
      %dma_start3A_89 = arith.constant 0 : i32
      %dma_start3A_90 = tpu.memref_slice %arg2[%dma_start3A_89, %mul3A_2] : memref<4x16384xi32, #tpu.memory_space<hbm>> -> memref<4x512xi32, #tpu.memory_space<hbm>>
      %dma_start3A_91 = arith.constant 0 : i32
      %dma_start3A_92 = tpu.memref_slice %arg2[%dma_start3A_91, %mul3A_2] : memref<4x16384xi32, #tpu.memory_space<hbm>> -> memref<4x512xi32, #tpu.memory_space<hbm>>
      tpu.enqueue_dma source(%dma_start3A_92 : memref<4x512xi32, #tpu.memory_space<hbm>>) target(%arg8 : memref<4x512xi32, #tpu.memory_space<vmem>>) target_semaphore(%run_scoped3A : memref<!tpu.dma_semaphore, #tpu.memory_space<semaphore_mem>>)
      %dma_wait3A_93 = arith.constant 0 : i32
      %dma_wait3A_94 = tpu.memref_slice %arg2[%dma_wait3A_93, %mul3A_2] : memref<4x16384xi32, #tpu.memory_space<hbm>> -> memref<4x512xi32, #tpu.memory_space<hbm>>
      %dma_wait3A_95 = arith.constant 0 : i32
      %dma_wait3A_96 = tpu.memref_slice %arg2[%dma_wait3A_95, %mul3A_2] : memref<4x16384xi32, #tpu.memory_space<hbm>> -> memref<4x512xi32, #tpu.memory_space<hbm>>
      tpu.wait_dma2 semaphore(%run_scoped3A : memref<!tpu.dma_semaphore, #tpu.memory_space<semaphore_mem>>) src(%dma_wait3A_96 : memref<4x512xi32, #tpu.memory_space<hbm>>) dst(%arg8 : memref<4x512xi32, #tpu.memory_space<vmem>>)
      tpu.yield
    }) : () -> ()
    %dma_start3A = arith.constant 0 : i32
    %dma_start3A_3 = arith.constant 0 : i32
    %dma_start3A_4 = tpu.memref_slice %arg8[%dma_start3A, %dma_start3A_3] : memref<4x512xi32, #tpu.memory_space<vmem>> -> memref<1x512xi32, #tpu.memory_space<vmem>>
    %dma_start3A_5 = tpu.memref_squeeze %dma_start3A_4 : memref<1x512xi32, #tpu.memory_space<vmem>> -> memref<512xi32, #tpu.memory_space<vmem>>
    %dma_start3A_6 = arith.constant 0 : i32
    %dma_start3A_7 = arith.constant 0 : i32
    %dma_start3A_8 = tpu.memref_slice %arg3[%dma_start3A_6, %dma_start3A_7] : memref<100001x32xf32, #tpu.memory_space<hbm>> -> memref<100001x32xf32, #tpu.memory_space<hbm>>
    tpu.enqueue_indirect_dma source(%dma_start3A_8 : memref<100001x32xf32, #tpu.memory_space<hbm>>) target(%arg9 : memref<512x32xf32, #tpu.memory_space<vmem>>) offsets(%dma_start3A_5 : memref<512xi32, #tpu.memory_space<vmem>>) semaphore(%arg11 : memref<!tpu.dma_semaphore, #tpu.memory_space<semaphore_mem>>)
    %dma_start3A_9 = arith.constant 1 : i32
    %dma_start3A_10 = arith.constant 0 : i32
    %dma_start3A_11 = tpu.memref_slice %arg8[%dma_start3A_9, %dma_start3A_10] : memref<4x512xi32, #tpu.memory_space<vmem>> -> memref<1x512xi32, #tpu.memory_space<vmem>>
    %dma_start3A_12 = tpu.memref_squeeze %dma_start3A_11 : memref<1x512xi32, #tpu.memory_space<vmem>> -> memref<512xi32, #tpu.memory_space<vmem>>
    %dma_start3A_13 = arith.constant 0 : i32
    %dma_start3A_14 = arith.constant 0 : i32
    %dma_start3A_15 = tpu.memref_slice %arg4[%dma_start3A_13, %dma_start3A_14] : memref<100001x32xf32, #tpu.memory_space<hbm>> -> memref<100001x32xf32, #tpu.memory_space<hbm>>
    tpu.enqueue_indirect_dma source(%dma_start3A_15 : memref<100001x32xf32, #tpu.memory_space<hbm>>) target(%arg10 : memref<512x32xf32, #tpu.memory_space<vmem>>) offsets(%dma_start3A_12 : memref<512xi32, #tpu.memory_space<vmem>>) semaphore(%arg12 : memref<!tpu.dma_semaphore, #tpu.memory_space<semaphore_mem>>)
    %dma_wait3A = arith.constant 0 : i32
    %dma_wait3A_16 = arith.constant 0 : i32
    %dma_wait3A_17 = tpu.memref_slice %arg8[%dma_wait3A, %dma_wait3A_16] : memref<4x512xi32, #tpu.memory_space<vmem>> -> memref<1x512xi32, #tpu.memory_space<vmem>>
    %dma_wait3A_18 = tpu.memref_squeeze %dma_wait3A_17 : memref<1x512xi32, #tpu.memory_space<vmem>> -> memref<512xi32, #tpu.memory_space<vmem>>
    %dma_wait3A_19 = arith.constant 0 : i32
    %dma_wait3A_20 = arith.constant 0 : i32
    %dma_wait3A_21 = tpu.memref_slice %arg3[%dma_wait3A_19, %dma_wait3A_20] : memref<100001x32xf32, #tpu.memory_space<hbm>> -> memref<100001x32xf32, #tpu.memory_space<hbm>>
    tpu.wait_indirect_dma semaphore(%arg11 : memref<!tpu.dma_semaphore, #tpu.memory_space<semaphore_mem>>) src(%dma_wait3A_21 : memref<100001x32xf32, #tpu.memory_space<hbm>>) dst(%arg9 : memref<512x32xf32, #tpu.memory_space<vmem>>)
    %dma_start3A_22 = arith.constant 0 : i32
    %dma_start3A_23 = tpu.memref_slice %arg7[%mul3A_2, %dma_start3A_22] : memref<16384x128xf32, #tpu.memory_space<hbm>> -> memref<512x32xf32, #tpu.memory_space<hbm>>
    %dma_start3A_24 = arith.constant 0 : i32
    %dma_start3A_25 = tpu.memref_slice %arg7[%mul3A_2, %dma_start3A_24] : memref<16384x128xf32, #tpu.memory_space<hbm>> -> memref<512x32xf32, #tpu.memory_space<hbm>>
    tpu.enqueue_dma source(%arg9 : memref<512x32xf32, #tpu.memory_space<vmem>>) target(%dma_start3A_25 : memref<512x32xf32, #tpu.memory_space<hbm>>) target_semaphore(%arg13 : memref<!tpu.dma_semaphore, #tpu.memory_space<semaphore_mem>>)
    %dma_wait3A_26 = arith.constant 0 : i32
    %dma_wait3A_27 = tpu.memref_slice %arg7[%mul3A_2, %dma_wait3A_26] : memref<16384x128xf32, #tpu.memory_space<hbm>> -> memref<512x32xf32, #tpu.memory_space<hbm>>
    %dma_wait3A_28 = arith.constant 0 : i32
    %dma_wait3A_29 = tpu.memref_slice %arg7[%mul3A_2, %dma_wait3A_28] : memref<16384x128xf32, #tpu.memory_space<hbm>> -> memref<512x32xf32, #tpu.memory_space<hbm>>
    tpu.wait_dma2 semaphore(%arg13 : memref<!tpu.dma_semaphore, #tpu.memory_space<semaphore_mem>>) src(%arg9 : memref<512x32xf32, #tpu.memory_space<vmem>>) dst(%dma_wait3A_29 : memref<512x32xf32, #tpu.memory_space<hbm>>)
    %dma_start3A_30 = arith.constant 2 : i32
    %dma_start3A_31 = arith.constant 0 : i32
    %dma_start3A_32 = tpu.memref_slice %arg8[%dma_start3A_30, %dma_start3A_31] : memref<4x512xi32, #tpu.memory_space<vmem>> -> memref<1x512xi32, #tpu.memory_space<vmem>>
    %dma_start3A_33 = tpu.memref_squeeze %dma_start3A_32 : memref<1x512xi32, #tpu.memory_space<vmem>> -> memref<512xi32, #tpu.memory_space<vmem>>
    %dma_start3A_34 = arith.constant 0 : i32
    %dma_start3A_35 = arith.constant 0 : i32
    %dma_start3A_36 = tpu.memref_slice %arg5[%dma_start3A_34, %dma_start3A_35] : memref<100001x32xf32, #tpu.memory_space<hbm>> -> memref<100001x32xf32, #tpu.memory_space<hbm>>
    tpu.enqueue_indirect_dma source(%dma_start3A_36 : memref<100001x32xf32, #tpu.memory_space<hbm>>) target(%arg9 : memref<512x32xf32, #tpu.memory_space<vmem>>) offsets(%dma_start3A_33 : memref<512xi32, #tpu.memory_space<vmem>>) semaphore(%arg11 : memref<!tpu.dma_semaphore, #tpu.memory_space<semaphore_mem>>)
    %dma_wait3A_37 = arith.constant 1 : i32
    %dma_wait3A_38 = arith.constant 0 : i32
    %dma_wait3A_39 = tpu.memref_slice %arg8[%dma_wait3A_37, %dma_wait3A_38] : memref<4x512xi32, #tpu.memory_space<vmem>> -> memref<1x512xi32, #tpu.memory_space<vmem>>
    %dma_wait3A_40 = tpu.memref_squeeze %dma_wait3A_39 : memref<1x512xi32, #tpu.memory_space<vmem>> -> memref<512xi32, #tpu.memory_space<vmem>>
    %dma_wait3A_41 = arith.constant 0 : i32
    %dma_wait3A_42 = arith.constant 0 : i32
    %dma_wait3A_43 = tpu.memref_slice %arg4[%dma_wait3A_41, %dma_wait3A_42] : memref<100001x32xf32, #tpu.memory_space<hbm>> -> memref<100001x32xf32, #tpu.memory_space<hbm>>
    tpu.wait_indirect_dma semaphore(%arg12 : memref<!tpu.dma_semaphore, #tpu.memory_space<semaphore_mem>>) src(%dma_wait3A_43 : memref<100001x32xf32, #tpu.memory_space<hbm>>) dst(%arg10 : memref<512x32xf32, #tpu.memory_space<vmem>>)
    %dma_start3A_44 = arith.constant 32 : i32
    %dma_start3A_45 = tpu.memref_slice %arg7[%mul3A_2, %dma_start3A_44] : memref<16384x128xf32, #tpu.memory_space<hbm>> -> memref<512x32xf32, #tpu.memory_space<hbm>>
    %dma_start3A_46 = arith.constant 32 : i32
    %dma_start3A_47 = tpu.memref_slice %arg7[%mul3A_2, %dma_start3A_46] : memref<16384x128xf32, #tpu.memory_space<hbm>> -> memref<512x32xf32, #tpu.memory_space<hbm>>
    tpu.enqueue_dma source(%arg10 : memref<512x32xf32, #tpu.memory_space<vmem>>) target(%dma_start3A_47 : memref<512x32xf32, #tpu.memory_space<hbm>>) target_semaphore(%arg14 : memref<!tpu.dma_semaphore, #tpu.memory_space<semaphore_mem>>)
    %dma_wait3A_48 = arith.constant 32 : i32
    %dma_wait3A_49 = tpu.memref_slice %arg7[%mul3A_2, %dma_wait3A_48] : memref<16384x128xf32, #tpu.memory_space<hbm>> -> memref<512x32xf32, #tpu.memory_space<hbm>>
    %dma_wait3A_50 = arith.constant 32 : i32
    %dma_wait3A_51 = tpu.memref_slice %arg7[%mul3A_2, %dma_wait3A_50] : memref<16384x128xf32, #tpu.memory_space<hbm>> -> memref<512x32xf32, #tpu.memory_space<hbm>>
    tpu.wait_dma2 semaphore(%arg14 : memref<!tpu.dma_semaphore, #tpu.memory_space<semaphore_mem>>) src(%arg10 : memref<512x32xf32, #tpu.memory_space<vmem>>) dst(%dma_wait3A_51 : memref<512x32xf32, #tpu.memory_space<hbm>>)
    %dma_start3A_52 = arith.constant 3 : i32
    %dma_start3A_53 = arith.constant 0 : i32
    %dma_start3A_54 = tpu.memref_slice %arg8[%dma_start3A_52, %dma_start3A_53] : memref<4x512xi32, #tpu.memory_space<vmem>> -> memref<1x512xi32, #tpu.memory_space<vmem>>
    %dma_start3A_55 = tpu.memref_squeeze %dma_start3A_54 : memref<1x512xi32, #tpu.memory_space<vmem>> -> memref<512xi32, #tpu.memory_space<vmem>>
    %dma_start3A_56 = arith.constant 0 : i32
    %dma_start3A_57 = arith.constant 0 : i32
    %dma_start3A_58 = tpu.memref_slice %arg6[%dma_start3A_56, %dma_start3A_57] : memref<100001x32xf32, #tpu.memory_space<hbm>> -> memref<100001x32xf32, #tpu.memory_space<hbm>>
    tpu.enqueue_indirect_dma source(%dma_start3A_58 : memref<100001x32xf32, #tpu.memory_space<hbm>>) target(%arg10 : memref<512x32xf32, #tpu.memory_space<vmem>>) offsets(%dma_start3A_55 : memref<512xi32, #tpu.memory_space<vmem>>) semaphore(%arg12 : memref<!tpu.dma_semaphore, #tpu.memory_space<semaphore_mem>>)
    %dma_wait3A_59 = arith.constant 2 : i32
    %dma_wait3A_60 = arith.constant 0 : i32
    %dma_wait3A_61 = tpu.memref_slice %arg8[%dma_wait3A_59, %dma_wait3A_60] : memref<4x512xi32, #tpu.memory_space<vmem>> -> memref<1x512xi32, #tpu.memory_space<vmem>>
    %dma_wait3A_62 = tpu.memref_squeeze %dma_wait3A_61 : memref<1x512xi32, #tpu.memory_space<vmem>> -> memref<512xi32, #tpu.memory_space<vmem>>
    %dma_wait3A_63 = arith.constant 0 : i32
    %dma_wait3A_64 = arith.constant 0 : i32
    %dma_wait3A_65 = tpu.memref_slice %arg5[%dma_wait3A_63, %dma_wait3A_64] : memref<100001x32xf32, #tpu.memory_space<hbm>> -> memref<100001x32xf32, #tpu.memory_space<hbm>>
    tpu.wait_indirect_dma semaphore(%arg11 : memref<!tpu.dma_semaphore, #tpu.memory_space<semaphore_mem>>) src(%dma_wait3A_65 : memref<100001x32xf32, #tpu.memory_space<hbm>>) dst(%arg9 : memref<512x32xf32, #tpu.memory_space<vmem>>)
    %dma_start3A_66 = arith.constant 64 : i32
    %dma_start3A_67 = tpu.memref_slice %arg7[%mul3A_2, %dma_start3A_66] : memref<16384x128xf32, #tpu.memory_space<hbm>> -> memref<512x32xf32, #tpu.memory_space<hbm>>
    %dma_start3A_68 = arith.constant 64 : i32
    %dma_start3A_69 = tpu.memref_slice %arg7[%mul3A_2, %dma_start3A_68] : memref<16384x128xf32, #tpu.memory_space<hbm>> -> memref<512x32xf32, #tpu.memory_space<hbm>>
    tpu.enqueue_dma source(%arg9 : memref<512x32xf32, #tpu.memory_space<vmem>>) target(%dma_start3A_69 : memref<512x32xf32, #tpu.memory_space<hbm>>) target_semaphore(%arg13 : memref<!tpu.dma_semaphore, #tpu.memory_space<semaphore_mem>>)
    %dma_wait3A_70 = arith.constant 3 : i32
    %dma_wait3A_71 = arith.constant 0 : i32
    %dma_wait3A_72 = tpu.memref_slice %arg8[%dma_wait3A_70, %dma_wait3A_71] : memref<4x512xi32, #tpu.memory_space<vmem>> -> memref<1x512xi32, #tpu.memory_space<vmem>>
    %dma_wait3A_73 = tpu.memref_squeeze %dma_wait3A_72 : memref<1x512xi32, #tpu.memory_space<vmem>> -> memref<512xi32, #tpu.memory_space<vmem>>
    %dma_wait3A_74 = arith.constant 0 : i32
    %dma_wait3A_75 = arith.constant 0 : i32
    %dma_wait3A_76 = tpu.memref_slice %arg6[%dma_wait3A_74, %dma_wait3A_75] : memref<100001x32xf32, #tpu.memory_space<hbm>> -> memref<100001x32xf32, #tpu.memory_space<hbm>>
    tpu.wait_indirect_dma semaphore(%arg12 : memref<!tpu.dma_semaphore, #tpu.memory_space<semaphore_mem>>) src(%dma_wait3A_76 : memref<100001x32xf32, #tpu.memory_space<hbm>>) dst(%arg10 : memref<512x32xf32, #tpu.memory_space<vmem>>)
    %dma_start3A_77 = arith.constant 96 : i32
    %dma_start3A_78 = tpu.memref_slice %arg7[%mul3A_2, %dma_start3A_77] : memref<16384x128xf32, #tpu.memory_space<hbm>> -> memref<512x32xf32, #tpu.memory_space<hbm>>
    %dma_start3A_79 = arith.constant 96 : i32
    %dma_start3A_80 = tpu.memref_slice %arg7[%mul3A_2, %dma_start3A_79] : memref<16384x128xf32, #tpu.memory_space<hbm>> -> memref<512x32xf32, #tpu.memory_space<hbm>>
    tpu.enqueue_dma source(%arg10 : memref<512x32xf32, #tpu.memory_space<vmem>>) target(%dma_start3A_80 : memref<512x32xf32, #tpu.memory_space<hbm>>) target_semaphore(%arg14 : memref<!tpu.dma_semaphore, #tpu.memory_space<semaphore_mem>>)
    %dma_wait3A_81 = arith.constant 64 : i32
    %dma_wait3A_82 = tpu.memref_slice %arg7[%mul3A_2, %dma_wait3A_81] : memref<16384x128xf32, #tpu.memory_space<hbm>> -> memref<512x32xf32, #tpu.memory_space<hbm>>
    %dma_wait3A_83 = arith.constant 64 : i32
    %dma_wait3A_84 = tpu.memref_slice %arg7[%mul3A_2, %dma_wait3A_83] : memref<16384x128xf32, #tpu.memory_space<hbm>> -> memref<512x32xf32, #tpu.memory_space<hbm>>
    tpu.wait_dma2 semaphore(%arg13 : memref<!tpu.dma_semaphore, #tpu.memory_space<semaphore_mem>>) src(%arg9 : memref<512x32xf32, #tpu.memory_space<vmem>>) dst(%dma_wait3A_84 : memref<512x32xf32, #tpu.memory_space<hbm>>)
    %dma_wait3A_85 = arith.constant 96 : i32
    %dma_wait3A_86 = tpu.memref_slice %arg7[%mul3A_2, %dma_wait3A_85] : memref<16384x128xf32, #tpu.memory_space<hbm>> -> memref<512x32xf32, #tpu.memory_space<hbm>>
    %dma_wait3A_87 = arith.constant 96 : i32
    %dma_wait3A_88 = tpu.memref_slice %arg7[%mul3A_2, %dma_wait3A_87] : memref<16384x128xf32, #tpu.memory_space<hbm>> -> memref<512x32xf32, #tpu.memory_space<hbm>>
    tpu.wait_dma2 semaphore(%arg14 : memref<!tpu.dma_semaphore, #tpu.memory_space<semaphore_mem>>) src(%arg10 : memref<512x32xf32, #tpu.memory_space<vmem>>) dst(%dma_wait3A_88 : memref<512x32xf32, #tpu.memory_space<hbm>>)
    return
  }
}

#map = affine_map<(d0, d1) -> (0, 0)>
module attributes {stable_mosaic.version = 14 : i64} {
  func.func @_group_kernel(%arg0: i32, %arg1: i32, %arg2: memref<4x16384xi32, #tpu.memory_space<hbm>>, %arg3: memref<100001x32xf32, #tpu.memory_space<hbm>>, %arg4: memref<100001x32xf32, #tpu.memory_space<hbm>>, %arg5: memref<100001x32xf32, #tpu.memory_space<hbm>>, %arg6: memref<100001x32xf32, #tpu.memory_space<hbm>>, %arg7: memref<16384x128xf32, #tpu.memory_space<hbm>>, %arg8: memref<4x512xi32, #tpu.memory_space<vmem>>, %arg9: memref<512x32xf32, #tpu.memory_space<vmem>>, %arg10: memref<512x32xf32, #tpu.memory_space<vmem>>, %arg11: memref<!tpu.dma_semaphore, #tpu.memory_space<semaphore_mem>>, %arg12: memref<!tpu.dma_semaphore, #tpu.memory_space<semaphore_mem>>, %arg13: memref<!tpu.dma_semaphore, #tpu.memory_space<semaphore_mem>>, %arg14: memref<!tpu.dma_semaphore, #tpu.memory_space<semaphore_mem>>) attributes {dimension_semantics = [#tpu.dimension_semantics<core_parallel>, #tpu.dimension_semantics<subcore_parallel>], iteration_bounds = array<i64: 2, 16>, scalar_prefetch = 0 : i64, scratch_operands = 7 : i64, tpu.core_type = #tpu.core_type<sc_vector_subcore>, window_params = [{transform_indices = #map}, {transform_indices = #map}, {transform_indices = #map}, {transform_indices = #map}, {transform_indices = #map}, {transform_indices = #map}]} {
    %mul3A = arith.constant 2 : i32
    %mul3A_0 = arith.muli %arg1, %mul3A : i32
    %add3A = arith.addi %mul3A_0, %arg0 : i32
    %mul3A_1 = arith.constant 512 : i32
    %mul3A_2 = arith.muli %add3A, %mul3A_1 : i32
    "tpu.region"() ({
      %run_scoped3A = tpu.sem_alloc : memref<!tpu.dma_semaphore, #tpu.memory_space<semaphore_mem>>
      %dma_start3A_89 = arith.constant 0 : i32
      %dma_start3A_90 = tpu.memref_slice %arg2[%dma_start3A_89, %mul3A_2] : memref<4x16384xi32, #tpu.memory_space<hbm>> -> memref<4x512xi32, #tpu.memory_space<hbm>>
      %dma_start3A_91 = arith.constant 0 : i32
      %dma_start3A_92 = tpu.memref_slice %arg2[%dma_start3A_91, %mul3A_2] : memref<4x16384xi32, #tpu.memory_space<hbm>> -> memref<4x512xi32, #tpu.memory_space<hbm>>
      tpu.enqueue_dma source(%dma_start3A_92 : memref<4x512xi32, #tpu.memory_space<hbm>>) target(%arg8 : memref<4x512xi32, #tpu.memory_space<vmem>>) target_semaphore(%run_scoped3A : memref<!tpu.dma_semaphore, #tpu.memory_space<semaphore_mem>>)
      %dma_wait3A_93 = arith.constant 0 : i32
      %dma_wait3A_94 = tpu.memref_slice %arg2[%dma_wait3A_93, %mul3A_2] : memref<4x16384xi32, #tpu.memory_space<hbm>> -> memref<4x512xi32, #tpu.memory_space<hbm>>
      %dma_wait3A_95 = arith.constant 0 : i32
      %dma_wait3A_96 = tpu.memref_slice %arg2[%dma_wait3A_95, %mul3A_2] : memref<4x16384xi32, #tpu.memory_space<hbm>> -> memref<4x512xi32, #tpu.memory_space<hbm>>
      tpu.wait_dma2 semaphore(%run_scoped3A : memref<!tpu.dma_semaphore, #tpu.memory_space<semaphore_mem>>) src(%dma_wait3A_96 : memref<4x512xi32, #tpu.memory_space<hbm>>) dst(%arg8 : memref<4x512xi32, #tpu.memory_space<vmem>>)
      tpu.yield
    }) : () -> ()
    %dma_start3A = arith.constant 0 : i32
    %dma_start3A_3 = arith.constant 0 : i32
    %dma_start3A_4 = tpu.memref_slice %arg8[%dma_start3A, %dma_start3A_3] : memref<4x512xi32, #tpu.memory_space<vmem>> -> memref<1x512xi32, #tpu.memory_space<vmem>>
    %dma_start3A_5 = tpu.memref_squeeze %dma_start3A_4 : memref<1x512xi32, #tpu.memory_space<vmem>> -> memref<512xi32, #tpu.memory_space<vmem>>
    %dma_start3A_6 = arith.constant 0 : i32
    %dma_start3A_7 = arith.constant 0 : i32
    %dma_start3A_8 = tpu.memref_slice %arg3[%dma_start3A_6, %dma_start3A_7] : memref<100001x32xf32, #tpu.memory_space<hbm>> -> memref<100001x32xf32, #tpu.memory_space<hbm>>
    tpu.enqueue_indirect_dma source(%dma_start3A_8 : memref<100001x32xf32, #tpu.memory_space<hbm>>) target(%arg9 : memref<512x32xf32, #tpu.memory_space<vmem>>) offsets(%dma_start3A_5 : memref<512xi32, #tpu.memory_space<vmem>>) semaphore(%arg11 : memref<!tpu.dma_semaphore, #tpu.memory_space<semaphore_mem>>)
    %dma_start3A_9 = arith.constant 1 : i32
    %dma_start3A_10 = arith.constant 0 : i32
    %dma_start3A_11 = tpu.memref_slice %arg8[%dma_start3A_9, %dma_start3A_10] : memref<4x512xi32, #tpu.memory_space<vmem>> -> memref<1x512xi32, #tpu.memory_space<vmem>>
    %dma_start3A_12 = tpu.memref_squeeze %dma_start3A_11 : memref<1x512xi32, #tpu.memory_space<vmem>> -> memref<512xi32, #tpu.memory_space<vmem>>
    %dma_start3A_13 = arith.constant 0 : i32
    %dma_start3A_14 = arith.constant 0 : i32
    %dma_start3A_15 = tpu.memref_slice %arg4[%dma_start3A_13, %dma_start3A_14] : memref<100001x32xf32, #tpu.memory_space<hbm>> -> memref<100001x32xf32, #tpu.memory_space<hbm>>
    tpu.enqueue_indirect_dma source(%dma_start3A_15 : memref<100001x32xf32, #tpu.memory_space<hbm>>) target(%arg10 : memref<512x32xf32, #tpu.memory_space<vmem>>) offsets(%dma_start3A_12 : memref<512xi32, #tpu.memory_space<vmem>>) semaphore(%arg12 : memref<!tpu.dma_semaphore, #tpu.memory_space<semaphore_mem>>)
    %dma_wait3A = arith.constant 0 : i32
    %dma_wait3A_16 = arith.constant 0 : i32
    %dma_wait3A_17 = tpu.memref_slice %arg8[%dma_wait3A, %dma_wait3A_16] : memref<4x512xi32, #tpu.memory_space<vmem>> -> memref<1x512xi32, #tpu.memory_space<vmem>>
    %dma_wait3A_18 = tpu.memref_squeeze %dma_wait3A_17 : memref<1x512xi32, #tpu.memory_space<vmem>> -> memref<512xi32, #tpu.memory_space<vmem>>
    %dma_wait3A_19 = arith.constant 0 : i32
    %dma_wait3A_20 = arith.constant 0 : i32
    %dma_wait3A_21 = tpu.memref_slice %arg3[%dma_wait3A_19, %dma_wait3A_20] : memref<100001x32xf32, #tpu.memory_space<hbm>> -> memref<100001x32xf32, #tpu.memory_space<hbm>>
    tpu.wait_indirect_dma semaphore(%arg11 : memref<!tpu.dma_semaphore, #tpu.memory_space<semaphore_mem>>) src(%dma_wait3A_21 : memref<100001x32xf32, #tpu.memory_space<hbm>>) dst(%arg9 : memref<512x32xf32, #tpu.memory_space<vmem>>)
    %dma_start3A_22 = arith.constant 0 : i32
    %dma_start3A_23 = tpu.memref_slice %arg7[%mul3A_2, %dma_start3A_22] : memref<16384x128xf32, #tpu.memory_space<hbm>> -> memref<512x32xf32, #tpu.memory_space<hbm>>
    %dma_start3A_24 = arith.constant 0 : i32
    %dma_start3A_25 = tpu.memref_slice %arg7[%mul3A_2, %dma_start3A_24] : memref<16384x128xf32, #tpu.memory_space<hbm>> -> memref<512x32xf32, #tpu.memory_space<hbm>>
    tpu.enqueue_dma source(%arg9 : memref<512x32xf32, #tpu.memory_space<vmem>>) target(%dma_start3A_25 : memref<512x32xf32, #tpu.memory_space<hbm>>) target_semaphore(%arg13 : memref<!tpu.dma_semaphore, #tpu.memory_space<semaphore_mem>>)
    %dma_wait3A_26 = arith.constant 0 : i32
    %dma_wait3A_27 = tpu.memref_slice %arg7[%mul3A_2, %dma_wait3A_26] : memref<16384x128xf32, #tpu.memory_space<hbm>> -> memref<512x32xf32, #tpu.memory_space<hbm>>
    %dma_wait3A_28 = arith.constant 0 : i32
    %dma_wait3A_29 = tpu.memref_slice %arg7[%mul3A_2, %dma_wait3A_28] : memref<16384x128xf32, #tpu.memory_space<hbm>> -> memref<512x32xf32, #tpu.memory_space<hbm>>
    tpu.wait_dma2 semaphore(%arg13 : memref<!tpu.dma_semaphore, #tpu.memory_space<semaphore_mem>>) src(%arg9 : memref<512x32xf32, #tpu.memory_space<vmem>>) dst(%dma_wait3A_29 : memref<512x32xf32, #tpu.memory_space<hbm>>)
    %dma_start3A_30 = arith.constant 2 : i32
    %dma_start3A_31 = arith.constant 0 : i32
    %dma_start3A_32 = tpu.memref_slice %arg8[%dma_start3A_30, %dma_start3A_31] : memref<4x512xi32, #tpu.memory_space<vmem>> -> memref<1x512xi32, #tpu.memory_space<vmem>>
    %dma_start3A_33 = tpu.memref_squeeze %dma_start3A_32 : memref<1x512xi32, #tpu.memory_space<vmem>> -> memref<512xi32, #tpu.memory_space<vmem>>
    %dma_start3A_34 = arith.constant 0 : i32
    %dma_start3A_35 = arith.constant 0 : i32
    %dma_start3A_36 = tpu.memref_slice %arg5[%dma_start3A_34, %dma_start3A_35] : memref<100001x32xf32, #tpu.memory_space<hbm>> -> memref<100001x32xf32, #tpu.memory_space<hbm>>
    tpu.enqueue_indirect_dma source(%dma_start3A_36 : memref<100001x32xf32, #tpu.memory_space<hbm>>) target(%arg9 : memref<512x32xf32, #tpu.memory_space<vmem>>) offsets(%dma_start3A_33 : memref<512xi32, #tpu.memory_space<vmem>>) semaphore(%arg11 : memref<!tpu.dma_semaphore, #tpu.memory_space<semaphore_mem>>)
    %dma_wait3A_37 = arith.constant 1 : i32
    %dma_wait3A_38 = arith.constant 0 : i32
    %dma_wait3A_39 = tpu.memref_slice %arg8[%dma_wait3A_37, %dma_wait3A_38] : memref<4x512xi32, #tpu.memory_space<vmem>> -> memref<1x512xi32, #tpu.memory_space<vmem>>
    %dma_wait3A_40 = tpu.memref_squeeze %dma_wait3A_39 : memref<1x512xi32, #tpu.memory_space<vmem>> -> memref<512xi32, #tpu.memory_space<vmem>>
    %dma_wait3A_41 = arith.constant 0 : i32
    %dma_wait3A_42 = arith.constant 0 : i32
    %dma_wait3A_43 = tpu.memref_slice %arg4[%dma_wait3A_41, %dma_wait3A_42] : memref<100001x32xf32, #tpu.memory_space<hbm>> -> memref<100001x32xf32, #tpu.memory_space<hbm>>
    tpu.wait_indirect_dma semaphore(%arg12 : memref<!tpu.dma_semaphore, #tpu.memory_space<semaphore_mem>>) src(%dma_wait3A_43 : memref<100001x32xf32, #tpu.memory_space<hbm>>) dst(%arg10 : memref<512x32xf32, #tpu.memory_space<vmem>>)
    %dma_start3A_44 = arith.constant 32 : i32
    %dma_start3A_45 = tpu.memref_slice %arg7[%mul3A_2, %dma_start3A_44] : memref<16384x128xf32, #tpu.memory_space<hbm>> -> memref<512x32xf32, #tpu.memory_space<hbm>>
    %dma_start3A_46 = arith.constant 32 : i32
    %dma_start3A_47 = tpu.memref_slice %arg7[%mul3A_2, %dma_start3A_46] : memref<16384x128xf32, #tpu.memory_space<hbm>> -> memref<512x32xf32, #tpu.memory_space<hbm>>
    tpu.enqueue_dma source(%arg10 : memref<512x32xf32, #tpu.memory_space<vmem>>) target(%dma_start3A_47 : memref<512x32xf32, #tpu.memory_space<hbm>>) target_semaphore(%arg14 : memref<!tpu.dma_semaphore, #tpu.memory_space<semaphore_mem>>)
    %dma_wait3A_48 = arith.constant 32 : i32
    %dma_wait3A_49 = tpu.memref_slice %arg7[%mul3A_2, %dma_wait3A_48] : memref<16384x128xf32, #tpu.memory_space<hbm>> -> memref<512x32xf32, #tpu.memory_space<hbm>>
    %dma_wait3A_50 = arith.constant 32 : i32
    %dma_wait3A_51 = tpu.memref_slice %arg7[%mul3A_2, %dma_wait3A_50] : memref<16384x128xf32, #tpu.memory_space<hbm>> -> memref<512x32xf32, #tpu.memory_space<hbm>>
    tpu.wait_dma2 semaphore(%arg14 : memref<!tpu.dma_semaphore, #tpu.memory_space<semaphore_mem>>) src(%arg10 : memref<512x32xf32, #tpu.memory_space<vmem>>) dst(%dma_wait3A_51 : memref<512x32xf32, #tpu.memory_space<hbm>>)
    %dma_start3A_52 = arith.constant 3 : i32
    %dma_start3A_53 = arith.constant 0 : i32
    %dma_start3A_54 = tpu.memref_slice %arg8[%dma_start3A_52, %dma_start3A_53] : memref<4x512xi32, #tpu.memory_space<vmem>> -> memref<1x512xi32, #tpu.memory_space<vmem>>
    %dma_start3A_55 = tpu.memref_squeeze %dma_start3A_54 : memref<1x512xi32, #tpu.memory_space<vmem>> -> memref<512xi32, #tpu.memory_space<vmem>>
    %dma_start3A_56 = arith.constant 0 : i32
    %dma_start3A_57 = arith.constant 0 : i32
    %dma_start3A_58 = tpu.memref_slice %arg6[%dma_start3A_56, %dma_start3A_57] : memref<100001x32xf32, #tpu.memory_space<hbm>> -> memref<100001x32xf32, #tpu.memory_space<hbm>>
    tpu.enqueue_indirect_dma source(%dma_start3A_58 : memref<100001x32xf32, #tpu.memory_space<hbm>>) target(%arg10 : memref<512x32xf32, #tpu.memory_space<vmem>>) offsets(%dma_start3A_55 : memref<512xi32, #tpu.memory_space<vmem>>) semaphore(%arg12 : memref<!tpu.dma_semaphore, #tpu.memory_space<semaphore_mem>>)
    %dma_wait3A_59 = arith.constant 2 : i32
    %dma_wait3A_60 = arith.constant 0 : i32
    %dma_wait3A_61 = tpu.memref_slice %arg8[%dma_wait3A_59, %dma_wait3A_60] : memref<4x512xi32, #tpu.memory_space<vmem>> -> memref<1x512xi32, #tpu.memory_space<vmem>>
    %dma_wait3A_62 = tpu.memref_squeeze %dma_wait3A_61 : memref<1x512xi32, #tpu.memory_space<vmem>> -> memref<512xi32, #tpu.memory_space<vmem>>
    %dma_wait3A_63 = arith.constant 0 : i32
    %dma_wait3A_64 = arith.constant 0 : i32
    %dma_wait3A_65 = tpu.memref_slice %arg5[%dma_wait3A_63, %dma_wait3A_64] : memref<100001x32xf32, #tpu.memory_space<hbm>> -> memref<100001x32xf32, #tpu.memory_space<hbm>>
    tpu.wait_indirect_dma semaphore(%arg11 : memref<!tpu.dma_semaphore, #tpu.memory_space<semaphore_mem>>) src(%dma_wait3A_65 : memref<100001x32xf32, #tpu.memory_space<hbm>>) dst(%arg9 : memref<512x32xf32, #tpu.memory_space<vmem>>)
    %dma_start3A_66 = arith.constant 64 : i32
    %dma_start3A_67 = tpu.memref_slice %arg7[%mul3A_2, %dma_start3A_66] : memref<16384x128xf32, #tpu.memory_space<hbm>> -> memref<512x32xf32, #tpu.memory_space<hbm>>
    %dma_start3A_68 = arith.constant 64 : i32
    %dma_start3A_69 = tpu.memref_slice %arg7[%mul3A_2, %dma_start3A_68] : memref<16384x128xf32, #tpu.memory_space<hbm>> -> memref<512x32xf32, #tpu.memory_space<hbm>>
    tpu.enqueue_dma source(%arg9 : memref<512x32xf32, #tpu.memory_space<vmem>>) target(%dma_start3A_69 : memref<512x32xf32, #tpu.memory_space<hbm>>) target_semaphore(%arg13 : memref<!tpu.dma_semaphore, #tpu.memory_space<semaphore_mem>>)
    %dma_wait3A_70 = arith.constant 3 : i32
    %dma_wait3A_71 = arith.constant 0 : i32
    %dma_wait3A_72 = tpu.memref_slice %arg8[%dma_wait3A_70, %dma_wait3A_71] : memref<4x512xi32, #tpu.memory_space<vmem>> -> memref<1x512xi32, #tpu.memory_space<vmem>>
    %dma_wait3A_73 = tpu.memref_squeeze %dma_wait3A_72 : memref<1x512xi32, #tpu.memory_space<vmem>> -> memref<512xi32, #tpu.memory_space<vmem>>
    %dma_wait3A_74 = arith.constant 0 : i32
    %dma_wait3A_75 = arith.constant 0 : i32
    %dma_wait3A_76 = tpu.memref_slice %arg6[%dma_wait3A_74, %dma_wait3A_75] : memref<100001x32xf32, #tpu.memory_space<hbm>> -> memref<100001x32xf32, #tpu.memory_space<hbm>>
    tpu.wait_indirect_dma semaphore(%arg12 : memref<!tpu.dma_semaphore, #tpu.memory_space<semaphore_mem>>) src(%dma_wait3A_76 : memref<100001x32xf32, #tpu.memory_space<hbm>>) dst(%arg10 : memref<512x32xf32, #tpu.memory_space<vmem>>)
    %dma_start3A_77 = arith.constant 96 : i32
    %dma_start3A_78 = tpu.memref_slice %arg7[%mul3A_2, %dma_start3A_77] : memref<16384x128xf32, #tpu.memory_space<hbm>> -> memref<512x32xf32, #tpu.memory_space<hbm>>
    %dma_start3A_79 = arith.constant 96 : i32
    %dma_start3A_80 = tpu.memref_slice %arg7[%mul3A_2, %dma_start3A_79] : memref<16384x128xf32, #tpu.memory_space<hbm>> -> memref<512x32xf32, #tpu.memory_space<hbm>>
    tpu.enqueue_dma source(%arg10 : memref<512x32xf32, #tpu.memory_space<vmem>>) target(%dma_start3A_80 : memref<512x32xf32, #tpu.memory_space<hbm>>) target_semaphore(%arg14 : memref<!tpu.dma_semaphore, #tpu.memory_space<semaphore_mem>>)
    %dma_wait3A_81 = arith.constant 64 : i32
    %dma_wait3A_82 = tpu.memref_slice %arg7[%mul3A_2, %dma_wait3A_81] : memref<16384x128xf32, #tpu.memory_space<hbm>> -> memref<512x32xf32, #tpu.memory_space<hbm>>
    %dma_wait3A_83 = arith.constant 64 : i32
    %dma_wait3A_84 = tpu.memref_slice %arg7[%mul3A_2, %dma_wait3A_83] : memref<16384x128xf32, #tpu.memory_space<hbm>> -> memref<512x32xf32, #tpu.memory_space<hbm>>
    tpu.wait_dma2 semaphore(%arg13 : memref<!tpu.dma_semaphore, #tpu.memory_space<semaphore_mem>>) src(%arg9 : memref<512x32xf32, #tpu.memory_space<vmem>>) dst(%dma_wait3A_84 : memref<512x32xf32, #tpu.memory_space<hbm>>)
    %dma_wait3A_85 = arith.constant 96 : i32
    %dma_wait3A_86 = tpu.memref_slice %arg7[%mul3A_2, %dma_wait3A_85] : memref<16384x128xf32, #tpu.memory_space<hbm>> -> memref<512x32xf32, #tpu.memory_space<hbm>>
    %dma_wait3A_87 = arith.constant 96 : i32
    %dma_wait3A_88 = tpu.memref_slice %arg7[%mul3A_2, %dma_wait3A_87] : memref<16384x128xf32, #tpu.memory_space<hbm>> -> memref<512x32xf32, #tpu.memory_space<hbm>>
    tpu.wait_dma2 semaphore(%arg14 : memref<!tpu.dma_semaphore, #tpu.memory_space<semaphore_mem>>) src(%arg10 : memref<512x32xf32, #tpu.memory_space<vmem>>) dst(%dma_wait3A_88 : memref<512x32xf32, #tpu.memory_space<hbm>>)
    return
  }
}

</mosaic_0001>

<sc_bundles>
// kernel: _run.12.cloned.1.call-start
scs
__scs_entry_jumppad:
0x0: {  	(pc) =	sbr.rel $0x88, $3  }
0x1: {  	(tag) =	ssettag $0x0;
	lr =	simm.s32 $0x1  }
0x2: {  	[smem:$0x3F86] =	sst lr;
	_ =	strace $0xD0000000  }
0x3: {  	_ = 	snop  }
0x4: {  	_ = 	snop  }
0x5: {  	_ = 	snop  }
0x6: {  	_ = 	snop  }
0x7: {  	_ = 	snop  }
__scs_overlays_trampoline_lowered:
0x8: {  	[smem:$0x3F95] =	sst s0  }
0x9: {  	[smem:$0x3F96] =	sst s1  }
0xa: {  	[smem:$0x3F97] =	sst s2  }
0xb: {  	[smem:$0x3F98] =	sst s3  }
0xc: {  	[smem:$0x3F99] =	sst s4  }
0xd: {  	[smem:$0x3F9A] =	sst s5  }
0xe: {  	[smem:$0x3F9B] =	sst s6  }
0xf: {  	[smem:$0x3F9C] =	sst s7  }
0x10: {  	[smem:$0x3F9D] =	sst s8  }
0x11: {  	[smem:$0x3F9E] =	sst s9;
	s0 =	simm.s32 @!p0 $0x0  }
0x12: {  	s1 =	sld [smem:$0x3F84];
	s0 =	simm.s32 @p0 $0x1  }
0x13: {  	[smem:$0x3F9F] =	sst s0;
	s0 =	simm.s32 @!p1 $0x0  }
0x14: {  	s2 =	sld [smem:$0x3F83];
	s0 =	simm.s32 @p1 $0x1  }
0x15: {  	[smem:$0x3FA0] =	sst s0;
	s0 =	simm.s32 @!p2 $0x0  }
0x16: {  	s3 =	sld [smem:$0x3FDB];
	s0 =	simm.s32 @p2 $0x1  }
0x17: {  	s4 =	simm.s32 $0x1BF5;
	[smem:$0x3FA2] =	sst s0  }
0x18: {  	s0 =	sld [smem:$0x3F85];
	_ =	swait.ge [sflag:s4], $0x0  }
0x19: {  	s7 =	sld [smem:$0x3F86]  }
0x1a: {  	s8 =	sadd.s32 $0xFFFFE003, lr  }
0x1b: {  	s9 =	sadd.s32 $0xFFFFFEF7, lr;
	s5 =	simm.s32 $0xFFFFFFFF;
	p2 =	slt.u32 s8, $0xFFFFF086  }
0x1c: {  	p1 =	slt.u32 s9, $0xF7A;
	s5 =	simm.s32 @!p2 $0x0  }
0x1d: {  	s5 =	simm.s32 @p1 $0x1;
	p0 =	seq.s32 s7, s2  }
0x1e: {  	s7 =	smul.u32 @!p0 $0xF7A, s2;
	p2 =	seq.s32 @!p0 s5, $0x0  }
0x1f: {  	s9 =	smul.u32 $0xF7A, s1;
	s8 =	simm.s32 @!p0 $0x1BF5;
	p2 =	por !p2, p0  }
0x20: {  	[sflag:s8] =	ssyncset.s32 @!p0 $0xFFFFF086;
	s6 =	sadd.s32 @!p0 s3, s7;
	s7 =	simm.s32 @!p0 $0x108  }
0x21: {  	s3 =	sadd.s32 s3, s9;
	s6 =	sadd.s32 @!p0 $0x88, s6;
	s7 =	simm.s32 @p2 $0x1082  }
0x22: {  	[simem:s7], [sflag:s8] =	dma.local @!p0 [hbm:s6], $0xF7A  }
0x23: {  	s9 =	sor.u32 $0xD0000000, s2;
	s6 =	simm.s32 $0x108;
	_ =	swait.ge @!p0 [sflag:s8], $0x0  }
0x24: {  	s3 =	sadd.s32 $0x88, s3;
	s6 =	simm.s32 @!p1 $0x1082;
	[sflag:s4] =	ssyncset.s32 $0xFFFFF086  }
0x25: {  	[simem:s6], [sflag:s4] =	dma.local [hbm:s3], $0xF7A  }
0x26: {  	[smem:$0x3F86] =	sst s1;
	(tag) =	ssettag s2;
	_ =	strace s9  }
0x27: {  	s1 =	sld [smem:$0x3F96]  }
0x28: {  	s2 =	sld [smem:$0x3F97]  }
0x29: {  	s4 =	sld [smem:$0x3F99]  }
0x2a: {  	p0 =	seq.s32 s5, $0x0;
	s5 =	sld [smem:$0x3F9A]  }
0x2b: {  	s6 =	sld [smem:$0x3F9B]  }
0x2c: {  	s7 =	sld [smem:$0x3F9C]  }
0x2d: {  	s3 =	simm.s32 $0x108;
	s8 =	sld [smem:$0x3F9D]  }
0x2e: {  	s3 =	simm.s32 @!p0 $0x1082;
	s9 =	sld [smem:$0x3F9E]  }
0x2f: {  	lr =	sadd.s32 s0, s3;
	s0 =	sld [smem:$0x3F95]  }
0x30: {  	s3 =	sld [smem:$0x3F98]  }
0x31: {  	[smem:$0x3FA1] =	sst s10  }
0x32: {  	s10 =	sld [smem:$0x3F9F];
	_ =	sdelay $0x3  }
0x33: {  	p0 =	seq.s32 s10, $0x1;
	s10 =	sld [smem:$0x3FA1];
	_ =	sdelay $0x3  }
0x34: {  	[smem:$0x3FA1] =	sst s10  }
0x35: {  	s10 =	sld [smem:$0x3FA0];
	_ =	sdelay $0x3  }
0x36: {  	p1 =	seq.s32 s10, $0x1;
	s10 =	sld [smem:$0x3FA1];
	_ =	sdelay $0x3  }
0x37: {  	[smem:$0x3FA1] =	sst s10  }
0x38: {  	s10 =	sld [smem:$0x3FA2]  }
0x39: {  	_ = 	snop;
	(pc) =	sbr.ind lr, $3  }
0x3a: {  	_ = 	snop  }
0x3b: {  	_ = 	snop  }
0x3c: {  	p2 =	seq.s32 s10, $0x1;
	s10 =	sld [smem:$0x3FA1]  }
0x3d: {  	_ =	shalt  }
0x3e: {  	_ =	shalt  }
0x3f: {  	_ =	shalt  }
0x40: {  	_ =	shalt  }
0x41: {  	_ =	shalt  }
0x42: {  	_ =	shalt  }
0x43: {  	_ =	shalt  }
0x44: {  	_ =	shalt  }
0x45: {  	_ =	shalt  }
0x46: {  	_ =	shalt  }
0x47: {  	_ =	shalt  }
0x48: {  	_ =	shalt  }
0x49: {  	_ =	shalt  }
0x4a: {  	_ =	shalt  }
0x4b: {  	_ =	shalt  }
0x4c: {  	_ =	shalt  }
0x4d: {  	_ =	shalt  }
0x4e: {  	_ =	shalt  }
0x4f: {  	_ =	shalt  }
0x50: {  	_ =	shalt  }
0x51: {  	_ =	shalt  }
0x52: {  	_ =	shalt  }
0x53: {  	_ =	shalt  }
0x54: {  	_ =	shalt  }
0x55: {  	_ =	shalt  }
0x56: {  	_ =	shalt  }
0x57: {  	_ =	shalt  }
0x58: {  	_ =	shalt  }
0x59: {  	_ =	shalt  }
0x5a: {  	_ =	shalt  }
0x5b: {  	_ =	shalt  }
0x5c: {  	_ =	shalt  }
0x5d: {  	_ =	shalt  }
0x5e: {  	_ =	shalt  }
0x5f: {  	_ =	shalt  }
0x60: {  	_ =	shalt  }
0x61: {  	_ =	shalt  }
0x62: {  	_ =	shalt  }
0x63: {  	_ =	shalt  }
0x64: {  	_ =	shalt  }
0x65: {  	_ =	shalt  }
0x66: {  	_ =	shalt  }
0x67: {  	_ =	shalt  }
0x68: {  	_ =	shalt  }
0x69: {  	_ =	shalt  }
0x6a: {  	_ =	shalt  }
0x6b: {  	_ =	shalt  }
0x6c: {  	_ =	shalt  }
0x6d: {  	_ =	shalt  }
0x6e: {  	_ =	shalt  }
0x6f: {  	_ =	shalt  }
0x70: {  	_ =	shalt  }
0x71: {  	_ =	shalt  }
0x72: {  	_ =	shalt  }
0x73: {  	_ =	shalt  }
0x74: {  	_ =	shalt  }
0x75: {  	_ =	shalt  }
0x76: {  	_ =	shalt  }
0x77: {  	_ =	shalt  }
0x78: {  	_ =	shalt  }
0x79: {  	_ =	shalt  }
0x7a: {  	_ =	shalt  }
0x7b: {  	_ =	shalt  }
0x7c: {  	_ =	shalt  }
0x7d: {  	_ =	shalt  }
0x7e: {  	_ =	shalt  }
0x7f: {  	_ =	shalt  }
0x80: {  	_ =	shalt  }
0x81: {  	_ =	shalt  }
0x82: {  	_ =	shalt  }
0x83: {  	_ =	shalt  }
0x84: {  	_ =	shalt  }
0x85: {  	_ =	shalt  }
0x86: {  	_ =	shalt  }
0x87: {  	_ =	shalt  }
.Lfunc_end0:
.L_simem_size_0:
called_computation.2_lowered:
.L_overlay_start_0:
0x88: {  	s2 =	sld [smem:$0x3FD9]  }
0x89: {  	s3 =	sld [smem:$0x3FFE];
	_ =	sdelay $0x1  }
0x8a: {  	s1 =	srdreg.scid  }
0x8b: {  	s0 =	sand.u32 $0x1, s1  }
0x8c: {  	s17 =	sshll.u32 s0, $0xA;
	s2 =	sadd.s32 s3, s2  }
0x8d: {  	s2 =	sadd.s32 s2, s17  }
0x8e: {  	[smem:$0x3FAD] =	sst s2  }
0x8f: {  	_ = 	snop  }
0x90: {  	(tm) =	ssettm $0x1  }
0x91: {  	s18 =	sld [smem:$0x3FFB];
	_ =	sdelay $0x3  }
0x92: {  	_ =	strace s18  }
0x93: {  	s2 =	sld [smem:$0x3FFC];
	_ =	sdelay $0x3  }
0x94: {  	_ =	strace s2  }
0x95: {  	s2 =	sld [smem:$0x3FFD];
	_ =	sdelay $0x3  }
0x96: {  	_ =	strace s2  }
0x97: {  	_ =	strace $0x8FFFFFFF  }
0x98: {  	s19 =	sld [smem:$0x3FDB];
	_ =	sdelay $0x1  }
0x99: {  	s20 =	simm.s32 $_scs_section_size  }
0x9a: {  	s4 =	simm.s32 $_size__tile_overlayer_lowered;
	s5 =	simm.s32 $_tile_overlayer_lowered  }
0x9b: {  	s6 =	simm.s32 $0x1BFF;
	s21 =	sshll.u32 s5, $0x1;
	s3 =	sadd.s32 s20, s19  }
0x9c: {  	s22 =	simm.s32 $0x0;
	s4 =	sshll.u32 s4, $0x1;
	s5 =	sadd.s32 s21, s3  }
0x9d: {  	[timem:s22], [sflag:s6] =	dma.local [hbm:s5], s4  }
0x9e: {  	_ =	swait.ge [sflag:s6], s4  }
0x9f: {  	s4 =	ssub.s32 $0x0, s4;
	[sflag:s6] =	ssyncset.done $0x0  }
0xa0: {  	[sflag:s6] =	ssyncadd.s32 s4;
	_ =	sdelay $0x1  }
0xa1: {  	s23 =	simm.s32 $0x1B8B  }
0xa2: {  	_ =	swait.ge [sflag:s23], $0x1  }
0xa3: {  	[sflag:s23] =	ssyncset.done $0x0  }
0xa4: {  	[sflag:s23] =	ssyncadd.s32 $0xFFFFFFFF  }
0xa5: {  	s4 =	sld [smem:$0x0]  }
0xa6: {  	s5 =	sand.u32 $0xFFFFFFFE, s1  }
0xa7: {  	p0 =	sne.s32 s1, s5  }
0xa8: {  	s5 =	sshll.u32 @p0 s5, $0xE  }
0xa9: {  	s5 =	sadd.s32 @p0 $0x11B8D, s5;
	s6 =	sshll.u32 @p0 s4, $0x11  }
0xaa: {  	s5 =	sor.u32 @p0 s6, s5  }
0xab: {  	[sflag:s5] =	ssyncadd.remote.s32 @p0 $0x1;
	_ =	sdelay $0x1  }
0xac: {  	s5 =	simm.s32 @p0 $0x1B8D  }
0xad: {  	_ =	swait.eq @p0 [sflag:s5], $0x1  }
0xae: {  	[sflag:s5] =	ssyncadd.s32 @p0 $0xFFFFFFFF  }
0xaf: {  	s6 =	sshll.u32 @!p0 s1, $0xE  }
0xb0: {  	s6 =	sor.u32 @!p0 $0x4000, s6;
	s5 =	simm.s32 @!p0 $0x1B8D  }
0xb1: {  	s4 =	sshll.u32 @!p0 s4, $0x11;
	s6 =	sadd.s32 @!p0 $0x11B8D, s6;
	_ =	swait.eq @!p0 [sflag:s5], $0x1  }
0xb2: {  	s4 =	sor.u32 @!p0 s4, s6;
	[sflag:s5] =	ssyncadd.s32 @!p0 $0xFFFFFFFF  }
0xb3: {  	s25 =	simm.s32 $0x1B8E;
	s24 =	sld [smem:$0x3FFE];
	[sflag:s4] =	ssyncadd.remote.s32 @!p0 $0x1  }
0xb4: {  	s26 =	simm.s32 $execute0_lowered;
	[smem:$0x3FD2] =	sst s25  }
0xb5: {  	s5 =	sshll.u32 s26, $0x1;
	_ =	strace $0x8000004C;
	[dreg:$0x1] =	wrdreg $0xFFFFFFFF  }
0xb6: {  	s28 =	simm.s32 $_size_execute0_lowered;
	s3 =	sadd.s32 s3, s5;
	[dreg:$0x0] =	wrdreg $0x0  }
0xb7: {  	s5 =	sshll.u32 s28, $0x1;
	[dreg:$0x2] =	wrdreg s3  }
0xb8: {  	[dreg:$0x3] =	wrdreg s5  }
0xb9: {  	[dreg:$0x4] =	wrdreg $0xC0  }
0xba: {  	_ =	task [dreg:s22], $0x5FFFF  }
0xbb: {  	[dreg:$0x1] =	wrdreg $0xFFFFFFFF  }
0xbc: {  	[dreg:$0x0] =	wrdreg $0x60  }
0xbd: {  	[dreg:$0x2] =	wrdreg s24  }
0xbe: {  	[dreg:$0x3] =	wrdreg $0xA  }
0xbf: {  	_ =	task.clear_ibuf [dreg:s22], $0x4FFFF;
	_ =	strace $0x9000004C  }
0xc0: {  	s29 =	simm.s32 $0xA;
	_ =	strace $0x8000004E  }
0xc1: {  	_ =	swait.ge [sflag:s29], $0x1  }
0xc2: {  	[sflag:s29] =	ssyncadd.s32 $0xFFFFFFFF  }
0xc3: {  	_ =	strace $0x9000004E  }
0xc4: {  	_ =	sfence  }
0xc5: {  	s30 =	sld [smem:$0x0];
	_ =	sdelay $0x2  }
0xc6: {  	s31 =	sshll.u32 s1, $0xD;
	s1 =	sshrl.u32 s1, $0x2  }
0xc7: {  	s4 =	sand.u32 $0x4000, s31;
	s1 =	sadd.s32 s1, s30  }
0xc8: {  	s0 =	sor.u32 s4, s0;
	s1 =	sshll.u32 s1, $0x11  }
0xc9: {  	s0 =	sor.u32 s1, s0  }
0xca: {  	s0 =	sadd.s32 $0x8F2B, s0  }
0xcb: {  	[sflag:s0] =	ssyncadd.remote.s32 $0x1  }
0xcc: {  	_ =	sfence.sel $0xFFFF  }
0xcd: {  	[dreg:$0x0] =	wrdreg $0xFFFFFFFF;
	(pc) =	sbr.abs _section_cstart, $3  }
0xce: {  	[dreg:$0x1] =	wrdreg $0xFFFFFFFF  }
0xcf: {  	_ =	task.clear_ibuf [dreg:s22], $0x2FFFF;
	_ =	strace $0x9FFFFFFF  }
0xd0: {  	(tm) =	ssettm $0x7FFFFFFF  }
0xd1: {  	_ =	shalt  }
tec
execute0_lowered:
.L_overlay_start_1:
0x0: {  	(tag) =	ssettag $0x1  }
0x1: {  	s1 =	srdreg.scid  }
0x2: {  	s0 =	stileid.u32;
	s24 =	sand.u32 $0x1, s1  }
0x3: {  	s30 =	sshll.u32 s0, $0xA;
	s2 =	sshll.u32 s24, $0x9  }
0x4: {  	s21 =	rddreg [dreg:$0x0];
	s4 =	simm.s32 $0x200;
	s10 =	sor.u32 s2, s30  }
0x5: {  	s5 =	simm.s32 $0x4000;
	s2 =	simm.s32 $0x0;
	s3 =	sshrl.u32 s10, $0x3  }
0x6: {  	s6 =	simm.s32 $0x5;
	[smem:$0x7FF] =	sst s2;
	s3 =	sadd.s32 s3, s21  }
0x7: {  	s1 =	rddreg [dreg:$0x1];
	_ =	strace $0x8000004D;
	s3 =	sadd.s32 $0x100600, s3  }
0x8: {  	[tilespmem:s2], [sflag:$0x5] =	stream.strided.gather [hbm4b:s3+s4], $0x800, s5, s4, $0x38;
	[tilespmem:$0x8800] =	vst v63  }
0x9: {  	_ =	swait.ge [sflag:s6], $0x800  }
0xa: {  	s9 =	simm.s32 $0x800;
	[sflag:s6] =	ssyncset.done $0x0  }
0xb: {  	s11 =	simm.s32 $0x1;
	s7 =	sadd.s32 $0x3F8A00, s21;
	[sflag:s6] =	ssyncadd.s32 $0xFFFFF800  }
0xc: {  	[tilespmem:s9], [sflag:$0x1] =	stream.indirect.gather [hbm4b:s7+s4], $0x20, s2, s4, $0xb8;
	[tilespmem:$0x8800] =	vst v63  }
0xd: {  	s8 =	sadd.s32 $0x396E00, s21;
	s12 =	sshll.u32 s10, $0x4;
	s10 =	simm.s32 $0x4800  }
0xe: {  	[tilespmem:s10], [sflag:$0x2] =	stream.indirect.gather [hbm4b:s8+s4], $0x20, s4, s4, $0xb8;
	[tilespmem:$0x8800] =	vst v63  }
0xf: {  	s13 =	simm.s32 $0x20;
	_ =	swait.ge [sflag:s11], $0x4000  }
0x10: {  	s14 =	simm.s32 $0x80;
	s25 =	sadd.s32 s12, s21;
	[sflag:s11] =	ssyncset.done $0x0  }
0x11: {  	s15 =	simm.s32 $0x3;
	s12 =	sadd.s32 $0x45A600, s25;
	[sflag:s11] =	ssyncadd.s32 $0xFFFFC000  }
0x12: {  	[hbm4b:s12+s13] =	stream.strided.scatter [tilespmem:s9], [sflag:$0x3], $0x4000, s14, s13, $0x38;
	[tilespmem:$0x8800] =	vst v63  }
0x13: {  	_ =	swait.ge [sflag:s15], $0x4000  }
0x14: {  	s17 =	simm.s32 $0x400;
	[sflag:s15] =	ssyncset.done $0x0  }
0x15: {  	s18 =	simm.s32 $0x2;
	s16 =	sadd.s32 $0x335200, s21;
	[sflag:s15] =	ssyncadd.s32 $0xFFFFC000  }
0x16: {  	[tilespmem:s9], [sflag:$0x1] =	stream.indirect.gather [hbm4b:s16+s4], $0x20, s17, s4, $0xb8;
	[tilespmem:$0x8800] =	vst v63  }
0x17: {  	_ =	swait.ge [sflag:s18], $0x4000  }
0x18: {  	[sflag:s18] =	ssyncset.done $0x0  }
0x19: {  	s19 =	simm.s32 $0x4;
	s20 =	sadd.s32 $0x45A604, s25;
	[sflag:s18] =	ssyncadd.s32 $0xFFFFC000  }
0x1a: {  	[hbm4b:s20+s13] =	stream.strided.scatter [tilespmem:s10], [sflag:$0x4], $0x4000, s14, s13, $0x38;
	[tilespmem:$0x8800] =	vst v63  }
0x1b: {  	_ =	swait.ge [sflag:s19], $0x4000  }
0x1c: {  	[sflag:s19] =	ssyncset.done $0x0  }
0x1d: {  	s22 =	simm.s32 $0x600;
	s21 =	sadd.s32 $0x2D3600, s21;
	[sflag:s19] =	ssyncadd.s32 $0xFFFFC000  }
0x1e: {  	[tilespmem:s10], [sflag:$0x2] =	stream.indirect.gather [hbm4b:s21+s4], $0x20, s22, s4, $0xb8;
	[tilespmem:$0x8800] =	vst v63  }
0x1f: {  	_ =	swait.ge [sflag:s11], $0x4000  }
0x20: {  	s26 =	ssub.s32 $0x2, s24;
	[sflag:s11] =	ssyncset.done $0x0  }
0x21: {  	s31 =	sshrl.u32 s26, $0x1;
	s23 =	sadd.s32 $0x45A608, s25;
	[sflag:s11] =	ssyncadd.s32 $0xFFFFC000  }
0x22: {  	[hbm4b:s23+s13] =	stream.strided.scatter [tilespmem:s9], [sflag:$0x3], $0x4000, s14, s13, $0x38;
	[tilespmem:$0x8800] =	vst v63  }
0x23: {  	s24 =	sadd.s32 $0x45A60C, s25;
	s25 =	ssub.s32 s26, s31;
	_ =	swait.ge [sflag:s18], $0x4000  }
0x24: {  	s25 =	smax.u32 s25, $0x1;
	[sflag:s18] =	ssyncset.done $0x0  }
0x25: {  	p0 =	sne.s32 s25, $0x1;
	[sflag:s18] =	ssyncadd.s32 $0xFFFFC000  }
0x26: {  	[hbm4b:s24+s13] =	stream.strided.scatter [tilespmem:s10], [sflag:$0x4], $0x4000, s14, s13, $0x38;
	[tilespmem:$0x8800] =	vst v63  }
.Ltmp0:
0x27: {  	_ =	swait.ge [sflag:s15], $0x4000;
	(pc) =	sbr.rel @!p0 .LBB2_2-.Ltmp0, $4  }
0x28: {  	[sflag:s15] =	ssyncset.done $0x0  }
0x29: {  	[sflag:s15] =	ssyncadd.s32 $0xFFFFC000  }
0x2a: {  	_ =	swait.ge [sflag:s19], $0x4000  }
0x2b: {  	s25 =	sadd.s32 $0xFFFFFFFF, s25;
	[sflag:s19] =	ssyncset.done $0x0  }
.LBB2_1:
0x2c: {  	p0 =	sne.s32 s25, $0x1;
	s25 =	sadd.s32 $0xFFFFFFFF, s25;
	[sflag:s19] =	ssyncadd.s32 $0xFFFFC000  }
0x2d: {  	[tilespmem:s2], [sflag:$0x5] =	stream.strided.gather [hbm4b:s3+s4], $0x800, s5, s4, $0x38;
	[tilespmem:$0x8800] =	vst v63  }
0x2e: {  	_ =	swait.ge [sflag:s6], $0x800  }
0x2f: {  	[sflag:s6] =	ssyncset.done $0x0  }
0x30: {  	[sflag:s6] =	ssyncadd.s32 $0xFFFFF800  }
0x31: {  	[tilespmem:s9], [sflag:$0x1] =	stream.indirect.gather [hbm4b:s7+s4], $0x20, s2, s4, $0xb8;
	[tilespmem:$0x8800] =	vst v63  }
0x32: {  	_ = 	snop  }
0x33: {  	[tilespmem:s10], [sflag:$0x2] =	stream.indirect.gather [hbm4b:s8+s4], $0x20, s4, s4, $0xb8;
	[tilespmem:$0x8800] =	vst v63  }
0x34: {  	_ =	swait.ge [sflag:s11], $0x4000  }
0x35: {  	[sflag:s11] =	ssyncset.done $0x0  }
0x36: {  	[sflag:s11] =	ssyncadd.s32 $0xFFFFC000  }
0x37: {  	[hbm4b:s12+s13] =	stream.strided.scatter [tilespmem:s9], [sflag:$0x3], $0x4000, s14, s13, $0x38;
	[tilespmem:$0x8800] =	vst v63  }
0x38: {  	_ =	swait.ge [sflag:s15], $0x4000  }
0x39: {  	[sflag:s15] =	ssyncset.done $0x0  }
0x3a: {  	[sflag:s15] =	ssyncadd.s32 $0xFFFFC000  }
0x3b: {  	[tilespmem:s9], [sflag:$0x1] =	stream.indirect.gather [hbm4b:s16+s4], $0x20, s17, s4, $0xb8;
	[tilespmem:$0x8800] =	vst v63  }
0x3c: {  	_ =	swait.ge [sflag:s18], $0x4000  }
0x3d: {  	[sflag:s18] =	ssyncset.done $0x0  }
0x3e: {  	[sflag:s18] =	ssyncadd.s32 $0xFFFFC000  }
0x3f: {  	[hbm4b:s20+s13] =	stream.strided.scatter [tilespmem:s10], [sflag:$0x4], $0x4000, s14, s13, $0x38;
	[tilespmem:$0x8800] =	vst v63  }
0x40: {  	_ =	swait.ge [sflag:s19], $0x4000  }
0x41: {  	[sflag:s19] =	ssyncset.done $0x0  }
0x42: {  	[sflag:s19] =	ssyncadd.s32 $0xFFFFC000  }
0x43: {  	[tilespmem:s10], [sflag:$0x2] =	stream.indirect.gather [hbm4b:s21+s4], $0x20, s22, s4, $0xb8;
	[tilespmem:$0x8800] =	vst v63  }
0x44: {  	_ =	swait.ge [sflag:s11], $0x4000  }
0x45: {  	[sflag:s11] =	ssyncset.done $0x0  }
0x46: {  	[sflag:s11] =	ssyncadd.s32 $0xFFFFC000  }
0x47: {  	[hbm4b:s23+s13] =	stream.strided.scatter [tilespmem:s9], [sflag:$0x3], $0x4000, s14, s13, $0x38;
	[tilespmem:$0x8800] =	vst v63  }
0x48: {  	_ =	swait.ge [sflag:s18], $0x4000  }
0x49: {  	[sflag:s18] =	ssyncset.done $0x0  }
0x4a: {  	[sflag:s18] =	ssyncadd.s32 $0xFFFFC000  }
0x4b: {  	[hbm4b:s24+s13] =	stream.strided.scatter [tilespmem:s10], [sflag:$0x4], $0x4000, s14, s13, $0x38;
	[tilespmem:$0x8800] =	vst v63  }
.Ltmp1:
0x4c: {  	_ =	swait.ge [sflag:s15], $0x4000;
	(pc) =	sbr.rel @p0 .LBB2_1-.Ltmp1, $4  }
0x4d: {  	[sflag:s15] =	ssyncset.done $0x0  }
0x4e: {  	[sflag:s15] =	ssyncadd.s32 $0xFFFFC000  }
0x4f: {  	_ =	swait.ge [sflag:s19], $0x4000  }
0x50: {  	[sflag:s19] =	ssyncset.done $0x0  }
.LBB2_2:
0x51: {  	[sflag:s19] =	ssyncadd.s32 $0xFFFFC000  }
0x52: {  	_ =	sfence.sel $0x180000  }
0x53: {  	[bflag:$0x0] =	sbarrier.arrive $0xFFFF  }
0x54: {  	p0 =	sne.s32 s0, $0x0;
	_ =	strace $0x9000004D  }
0x55: {  	s0 =	sadd.s32 @!p0 $0x100000, s1;
	[bflag:$0x2] =	sbarrier.arrive $0xFFFF  }
0x56: {  	[sflag:s0] =	ssyncadd.tile.s32 @!p0 $0x1;
	_ =	shalt  }
.Lfunc_end2:
_tile_overlayer_lowered:
.L_overlay_start_2:
0x57: {  	(tag) =	ssettag $0x2  }
0x58: {  	s0 =	rddreg [dreg:$0x0];
	s2 =	stileid.u32  }
0x59: {  	s1 =	rddreg [dreg:$0x1];
	p0 =	sne.s32 s2, $0x0  }
0x5a: {  	s3 =	rddreg [dreg:$0x2];
	[bflag:$0x3] =	sbarrier.arrive $0xFFFF;
	s2 =	simm.s32 @!p0 $0x1C05  }
0x5b: {  	[timem:s3], [sflag:s2] =	dma.local @!p0 [hbm:s0], s1  }
0x5c: {  	s0 =	simm.s32 @!p0 $0x5  }
0x5d: {  	_ =	swait.ge @!p0 [sflag:s0], s1  }
0x5e: {  	s1 =	ssub.s32 @!p0 $0x0, s1;
	[sflag:s0] =	ssyncset.done @!p0 $0x0  }
0x5f: {  	[sflag:s0] =	ssyncadd.s32 @!p0 s1  }
0x60: {  	[bflag:$0x3] =	sbarrier.arrive $0xFFFF  }
0x61: {  	_ =	shalt  }

// kernel: _run.15.cloned.1.call-start
scs
__scs_entry_jumppad:
0x0: {  	(pc) =	sbr.rel $0x88, $3  }
0x1: {  	(tag) =	ssettag $0x0;
	lr =	simm.s32 $0x1  }
0x2: {  	[smem:$0x3F86] =	sst lr;
	_ =	strace $0xD0000000  }
0x3: {  	_ = 	snop  }
0x4: {  	_ = 	snop  }
0x5: {  	_ = 	snop  }
0x6: {  	_ = 	snop  }
0x7: {  	_ = 	snop  }
__scs_overlays_trampoline_lowered:
0x8: {  	[smem:$0x3F95] =	sst s0  }
0x9: {  	[smem:$0x3F96] =	sst s1  }
0xa: {  	[smem:$0x3F97] =	sst s2  }
0xb: {  	[smem:$0x3F98] =	sst s3  }
0xc: {  	[smem:$0x3F99] =	sst s4  }
0xd: {  	[smem:$0x3F9A] =	sst s5  }
0xe: {  	[smem:$0x3F9B] =	sst s6  }
0xf: {  	[smem:$0x3F9C] =	sst s7  }
0x10: {  	[smem:$0x3F9D] =	sst s8  }
0x11: {  	[smem:$0x3F9E] =	sst s9;
	s0 =	simm.s32 @!p0 $0x0  }
0x12: {  	s1 =	sld [smem:$0x3F84];
	s0 =	simm.s32 @p0 $0x1  }
0x13: {  	[smem:$0x3F9F] =	sst s0;
	s0 =	simm.s32 @!p1 $0x0  }
0x14: {  	s2 =	sld [smem:$0x3F83];
	s0 =	simm.s32 @p1 $0x1  }
0x15: {  	[smem:$0x3FA0] =	sst s0;
	s0 =	simm.s32 @!p2 $0x0  }
0x16: {  	s3 =	sld [smem:$0x3FDB];
	s0 =	simm.s32 @p2 $0x1  }
0x17: {  	s4 =	simm.s32 $0x1BF5;
	[smem:$0x3FA2] =	sst s0  }
0x18: {  	s0 =	sld [smem:$0x3F85];
	_ =	swait.ge [sflag:s4], $0x0  }
0x19: {  	s7 =	sld [smem:$0x3F86]  }
0x1a: {  	s8 =	sadd.s32 $0xFFFFE003, lr  }
0x1b: {  	s9 =	sadd.s32 $0xFFFFFEF7, lr;
	s5 =	simm.s32 $0xFFFFFFFF;
	p2 =	slt.u32 s8, $0xFFFFF086  }
0x1c: {  	p1 =	slt.u32 s9, $0xF7A;
	s5 =	simm.s32 @!p2 $0x0  }
0x1d: {  	s5 =	simm.s32 @p1 $0x1;
	p0 =	seq.s32 s7, s2  }
0x1e: {  	s7 =	smul.u32 @!p0 $0xF7A, s2;
	p2 =	seq.s32 @!p0 s5, $0x0  }
0x1f: {  	s9 =	smul.u32 $0xF7A, s1;
	s8 =	simm.s32 @!p0 $0x1BF5;
	p2 =	por !p2, p0  }
0x20: {  	[sflag:s8] =	ssyncset.s32 @!p0 $0xFFFFF086;
	s6 =	sadd.s32 @!p0 s3, s7;
	s7 =	simm.s32 @!p0 $0x108  }
0x21: {  	s3 =	sadd.s32 s3, s9;
	s6 =	sadd.s32 @!p0 $0x88, s6;
	s7 =	simm.s32 @p2 $0x1082  }
0x22: {  	[simem:s7], [sflag:s8] =	dma.local @!p0 [hbm:s6], $0xF7A  }
0x23: {  	s9 =	sor.u32 $0xD0000000, s2;
	s6 =	simm.s32 $0x108;
	_ =	swait.ge @!p0 [sflag:s8], $0x0  }
0x24: {  	s3 =	sadd.s32 $0x88, s3;
	s6 =	simm.s32 @!p1 $0x1082;
	[sflag:s4] =	ssyncset.s32 $0xFFFFF086  }
0x25: {  	[simem:s6], [sflag:s4] =	dma.local [hbm:s3], $0xF7A  }
0x26: {  	[smem:$0x3F86] =	sst s1;
	(tag) =	ssettag s2;
	_ =	strace s9  }
0x27: {  	s1 =	sld [smem:$0x3F96]  }
0x28: {  	s2 =	sld [smem:$0x3F97]  }
0x29: {  	s4 =	sld [smem:$0x3F99]  }
0x2a: {  	p0 =	seq.s32 s5, $0x0;
	s5 =	sld [smem:$0x3F9A]  }
0x2b: {  	s6 =	sld [smem:$0x3F9B]  }
0x2c: {  	s7 =	sld [smem:$0x3F9C]  }
0x2d: {  	s3 =	simm.s32 $0x108;
	s8 =	sld [smem:$0x3F9D]  }
0x2e: {  	s3 =	simm.s32 @!p0 $0x1082;
	s9 =	sld [smem:$0x3F9E]  }
0x2f: {  	lr =	sadd.s32 s0, s3;
	s0 =	sld [smem:$0x3F95]  }
0x30: {  	s3 =	sld [smem:$0x3F98]  }
0x31: {  	[smem:$0x3FA1] =	sst s10  }
0x32: {  	s10 =	sld [smem:$0x3F9F];
	_ =	sdelay $0x3  }
0x33: {  	p0 =	seq.s32 s10, $0x1;
	s10 =	sld [smem:$0x3FA1];
	_ =	sdelay $0x3  }
0x34: {  	[smem:$0x3FA1] =	sst s10  }
0x35: {  	s10 =	sld [smem:$0x3FA0];
	_ =	sdelay $0x3  }
0x36: {  	p1 =	seq.s32 s10, $0x1;
	s10 =	sld [smem:$0x3FA1];
	_ =	sdelay $0x3  }
0x37: {  	[smem:$0x3FA1] =	sst s10  }
0x38: {  	s10 =	sld [smem:$0x3FA2]  }
0x39: {  	_ = 	snop;
	(pc) =	sbr.ind lr, $3  }
0x3a: {  	_ = 	snop  }
0x3b: {  	_ = 	snop  }
0x3c: {  	p2 =	seq.s32 s10, $0x1;
	s10 =	sld [smem:$0x3FA1]  }
0x3d: {  	_ =	shalt  }
0x3e: {  	_ =	shalt  }
0x3f: {  	_ =	shalt  }
0x40: {  	_ =	shalt  }
0x41: {  	_ =	shalt  }
0x42: {  	_ =	shalt  }
0x43: {  	_ =	shalt  }
0x44: {  	_ =	shalt  }
0x45: {  	_ =	shalt  }
0x46: {  	_ =	shalt  }
0x47: {  	_ =	shalt  }
0x48: {  	_ =	shalt  }
0x49: {  	_ =	shalt  }
0x4a: {  	_ =	shalt  }
0x4b: {  	_ =	shalt  }
0x4c: {  	_ =	shalt  }
0x4d: {  	_ =	shalt  }
0x4e: {  	_ =	shalt  }
0x4f: {  	_ =	shalt  }
0x50: {  	_ =	shalt  }
0x51: {  	_ =	shalt  }
0x52: {  	_ =	shalt  }
0x53: {  	_ =	shalt  }
0x54: {  	_ =	shalt  }
0x55: {  	_ =	shalt  }
0x56: {  	_ =	shalt  }
0x57: {  	_ =	shalt  }
0x58: {  	_ =	shalt  }
0x59: {  	_ =	shalt  }
0x5a: {  	_ =	shalt  }
0x5b: {  	_ =	shalt  }
0x5c: {  	_ =	shalt  }
0x5d: {  	_ =	shalt  }
0x5e: {  	_ =	shalt  }
0x5f: {  	_ =	shalt  }
0x60: {  	_ =	shalt  }
0x61: {  	_ =	shalt  }
0x62: {  	_ =	shalt  }
0x63: {  	_ =	shalt  }
0x64: {  	_ =	shalt  }
0x65: {  	_ =	shalt  }
0x66: {  	_ =	shalt  }
0x67: {  	_ =	shalt  }
0x68: {  	_ =	shalt  }
0x69: {  	_ =	shalt  }
0x6a: {  	_ =	shalt  }
0x6b: {  	_ =	shalt  }
0x6c: {  	_ =	shalt  }
0x6d: {  	_ =	shalt  }
0x6e: {  	_ =	shalt  }
0x6f: {  	_ =	shalt  }
0x70: {  	_ =	shalt  }
0x71: {  	_ =	shalt  }
0x72: {  	_ =	shalt  }
0x73: {  	_ =	shalt  }
0x74: {  	_ =	shalt  }
0x75: {  	_ =	shalt  }
0x76: {  	_ =	shalt  }
0x77: {  	_ =	shalt  }
0x78: {  	_ =	shalt  }
0x79: {  	_ =	shalt  }
0x7a: {  	_ =	shalt  }
0x7b: {  	_ =	shalt  }
0x7c: {  	_ =	shalt  }
0x7d: {  	_ =	shalt  }
0x7e: {  	_ =	shalt  }
0x7f: {  	_ =	shalt  }
0x80: {  	_ =	shalt  }
0x81: {  	_ =	shalt  }
0x82: {  	_ =	shalt  }
0x83: {  	_ =	shalt  }
0x84: {  	_ =	shalt  }
0x85: {  	_ =	shalt  }
0x86: {  	_ =	shalt  }
0x87: {  	_ =	shalt  }
.Lfunc_end0:
.L_simem_size_0:
called_computation.3_lowered:
.L_overlay_start_0:
0x88: {  	s2 =	sld [smem:$0x3FD9]  }
0x89: {  	s3 =	sld [smem:$0x3FFE];
	_ =	sdelay $0x1  }
0x8a: {  	s1 =	srdreg.scid  }
0x8b: {  	s0 =	sand.u32 $0x1, s1  }
0x8c: {  	s17 =	sshll.u32 s0, $0xA;
	s2 =	sadd.s32 s3, s2  }
0x8d: {  	s2 =	sadd.s32 s2, s17  }
0x8e: {  	[smem:$0x3FAD] =	sst s2  }
0x8f: {  	_ = 	snop  }
0x90: {  	(tm) =	ssettm $0x1  }
0x91: {  	s18 =	sld [smem:$0x3FFB];
	_ =	sdelay $0x3  }
0x92: {  	_ =	strace s18  }
0x93: {  	s2 =	sld [smem:$0x3FFC];
	_ =	sdelay $0x3  }
0x94: {  	_ =	strace s2  }
0x95: {  	s2 =	sld [smem:$0x3FFD];
	_ =	sdelay $0x3  }
0x96: {  	_ =	strace s2  }
0x97: {  	_ =	strace $0x8FFFFFFF  }
0x98: {  	s19 =	sld [smem:$0x3FDB];
	_ =	sdelay $0x1  }
0x99: {  	s20 =	simm.s32 $_scs_section_size  }
0x9a: {  	s4 =	simm.s32 $_size__tile_overlayer_lowered;
	s5 =	simm.s32 $_tile_overlayer_lowered  }
0x9b: {  	s6 =	simm.s32 $0x1BFF;
	s21 =	sshll.u32 s5, $0x1;
	s3 =	sadd.s32 s20, s19  }
0x9c: {  	s22 =	simm.s32 $0x0;
	s4 =	sshll.u32 s4, $0x1;
	s5 =	sadd.s32 s21, s3  }
0x9d: {  	[timem:s22], [sflag:s6] =	dma.local [hbm:s5], s4  }
0x9e: {  	_ =	swait.ge [sflag:s6], s4  }
0x9f: {  	s4 =	ssub.s32 $0x0, s4;
	[sflag:s6] =	ssyncset.done $0x0  }
0xa0: {  	[sflag:s6] =	ssyncadd.s32 s4;
	_ =	sdelay $0x1  }
0xa1: {  	s23 =	simm.s32 $0x1B8B  }
0xa2: {  	_ =	swait.ge [sflag:s23], $0x1  }
0xa3: {  	[sflag:s23] =	ssyncset.done $0x0  }
0xa4: {  	[sflag:s23] =	ssyncadd.s32 $0xFFFFFFFF  }
0xa5: {  	s4 =	sld [smem:$0x0]  }
0xa6: {  	s5 =	sand.u32 $0xFFFFFFFE, s1  }
0xa7: {  	p0 =	sne.s32 s1, s5  }
0xa8: {  	s5 =	sshll.u32 @p0 s5, $0xE  }
0xa9: {  	s5 =	sadd.s32 @p0 $0x11B8D, s5;
	s6 =	sshll.u32 @p0 s4, $0x11  }
0xaa: {  	s5 =	sor.u32 @p0 s6, s5  }
0xab: {  	[sflag:s5] =	ssyncadd.remote.s32 @p0 $0x1;
	_ =	sdelay $0x1  }
0xac: {  	s5 =	simm.s32 @p0 $0x1B8D  }
0xad: {  	_ =	swait.eq @p0 [sflag:s5], $0x1  }
0xae: {  	[sflag:s5] =	ssyncadd.s32 @p0 $0xFFFFFFFF  }
0xaf: {  	s6 =	sshll.u32 @!p0 s1, $0xE  }
0xb0: {  	s6 =	sor.u32 @!p0 $0x4000, s6;
	s5 =	simm.s32 @!p0 $0x1B8D  }
0xb1: {  	s4 =	sshll.u32 @!p0 s4, $0x11;
	s6 =	sadd.s32 @!p0 $0x11B8D, s6;
	_ =	swait.eq @!p0 [sflag:s5], $0x1  }
0xb2: {  	s4 =	sor.u32 @!p0 s4, s6;
	[sflag:s5] =	ssyncadd.s32 @!p0 $0xFFFFFFFF  }
0xb3: {  	s25 =	simm.s32 $0x1B8E;
	s24 =	sld [smem:$0x3FFE];
	[sflag:s4] =	ssyncadd.remote.s32 @!p0 $0x1  }
0xb4: {  	s26 =	simm.s32 $execute0_lowered;
	[smem:$0x3FD2] =	sst s25  }
0xb5: {  	s5 =	sshll.u32 s26, $0x1;
	_ =	strace $0x8000004F;
	[dreg:$0x1] =	wrdreg $0xFFFFFFFF  }
0xb6: {  	s28 =	simm.s32 $_size_execute0_lowered;
	s3 =	sadd.s32 s3, s5;
	[dreg:$0x0] =	wrdreg $0x0  }
0xb7: {  	s5 =	sshll.u32 s28, $0x1;
	[dreg:$0x2] =	wrdreg s3  }
0xb8: {  	[dreg:$0x3] =	wrdreg s5  }
0xb9: {  	[dreg:$0x4] =	wrdreg $0xC0  }
0xba: {  	_ =	task [dreg:s22], $0x5FFFF  }
0xbb: {  	[dreg:$0x1] =	wrdreg $0xFFFFFFFF  }
0xbc: {  	[dreg:$0x0] =	wrdreg $0x60  }
0xbd: {  	[dreg:$0x2] =	wrdreg s24  }
0xbe: {  	[dreg:$0x3] =	wrdreg $0xB  }
0xbf: {  	_ =	task.clear_ibuf [dreg:s22], $0x4FFFF;
	_ =	strace $0x9000004F  }
0xc0: {  	s29 =	simm.s32 $0xB;
	_ =	strace $0x80000051  }
0xc1: {  	_ =	swait.ge [sflag:s29], $0x1  }
0xc2: {  	[sflag:s29] =	ssyncadd.s32 $0xFFFFFFFF  }
0xc3: {  	_ =	strace $0x90000051  }
0xc4: {  	_ =	sfence  }
0xc5: {  	s30 =	sld [smem:$0x0];
	_ =	sdelay $0x2  }
0xc6: {  	s31 =	sshll.u32 s1, $0xD;
	s1 =	sshrl.u32 s1, $0x2  }
0xc7: {  	s4 =	sand.u32 $0x4000, s31;
	s1 =	sadd.s32 s1, s30  }
0xc8: {  	s0 =	sor.u32 s4, s0;
	s1 =	sshll.u32 s1, $0x11  }
0xc9: {  	s0 =	sor.u32 s1, s0  }
0xca: {  	s0 =	sadd.s32 $0x8F2B, s0  }
0xcb: {  	[sflag:s0] =	ssyncadd.remote.s32 $0x1  }
0xcc: {  	_ =	sfence.sel $0xFFFF  }
0xcd: {  	[dreg:$0x0] =	wrdreg $0xFFFFFFFF;
	(pc) =	sbr.abs _section_cstart, $3  }
0xce: {  	[dreg:$0x1] =	wrdreg $0xFFFFFFFF  }
0xcf: {  	_ =	task.clear_ibuf [dreg:s22], $0x2FFFF;
	_ =	strace $0x9FFFFFFF  }
0xd0: {  	(tm) =	ssettm $0x7FFFFFFF  }
0xd1: {  	_ =	shalt  }
tec
execute0_lowered:
.L_overlay_start_1:
0x0: {  	(tag) =	ssettag $0x1  }
0x1: {  	s1 =	srdreg.scid  }
0x2: {  	s0 =	stileid.u32;
	s24 =	sand.u32 $0x1, s1  }
0x3: {  	s30 =	sshll.u32 s0, $0xA;
	s2 =	sshll.u32 s24, $0x9  }
0x4: {  	s21 =	rddreg [dreg:$0x0];
	s4 =	simm.s32 $0x200;
	s10 =	sor.u32 s2, s30  }
0x5: {  	s5 =	simm.s32 $0x4000;
	s2 =	simm.s32 $0x0;
	s3 =	sshrl.u32 s10, $0x3  }
0x6: {  	s6 =	simm.s32 $0x5;
	[smem:$0x7FF] =	sst s2;
	s3 =	sadd.s32 s3, s21  }
0x7: {  	s1 =	rddreg [dreg:$0x1];
	_ =	strace $0x80000050;
	s3 =	sadd.s32 $0x102600, s3  }
0x8: {  	[tilespmem:s2], [sflag:$0x5] =	stream.strided.gather [hbm4b:s3+s4], $0x800, s5, s4, $0x38;
	[tilespmem:$0x8800] =	vst v63  }
0x9: {  	_ =	swait.ge [sflag:s6], $0x800  }
0xa: {  	s9 =	simm.s32 $0x800;
	[sflag:s6] =	ssyncset.done $0x0  }
0xb: {  	s11 =	simm.s32 $0x1;
	s7 =	sadd.s32 $0x5BFA00, s21;
	[sflag:s6] =	ssyncadd.s32 $0xFFFFF800  }
0xc: {  	[tilespmem:s9], [sflag:$0x1] =	stream.indirect.gather [hbm4b:s7+s4], $0x20, s2, s4, $0xb8;
	[tilespmem:$0x8800] =	vst v63  }
0xd: {  	s8 =	sadd.s32 $0x55DE00, s21;
	s12 =	sshll.u32 s10, $0x4;
	s10 =	simm.s32 $0x4800  }
0xe: {  	[tilespmem:s10], [sflag:$0x2] =	stream.indirect.gather [hbm4b:s8+s4], $0x20, s4, s4, $0xb8;
	[tilespmem:$0x8800] =	vst v63  }
0xf: {  	s13 =	simm.s32 $0x20;
	_ =	swait.ge [sflag:s11], $0x4000  }
0x10: {  	s14 =	simm.s32 $0x80;
	s25 =	sadd.s32 s12, s21;
	[sflag:s11] =	ssyncset.done $0x0  }
0x11: {  	s15 =	simm.s32 $0x3;
	s12 =	sadd.s32 $0x621600, s25;
	[sflag:s11] =	ssyncadd.s32 $0xFFFFC000  }
0x12: {  	[hbm4b:s12+s13] =	stream.strided.scatter [tilespmem:s9], [sflag:$0x3], $0x4000, s14, s13, $0x38;
	[tilespmem:$0x8800] =	vst v63  }
0x13: {  	_ =	swait.ge [sflag:s15], $0x4000  }
0x14: {  	s17 =	simm.s32 $0x400;
	[sflag:s15] =	ssyncset.done $0x0  }
0x15: {  	s18 =	simm.s32 $0x2;
	s16 =	sadd.s32 $0x4FC200, s21;
	[sflag:s15] =	ssyncadd.s32 $0xFFFFC000  }
0x16: {  	[tilespmem:s9], [sflag:$0x1] =	stream.indirect.gather [hbm4b:s16+s4], $0x20, s17, s4, $0xb8;
	[tilespmem:$0x8800] =	vst v63  }
0x17: {  	_ =	swait.ge [sflag:s18], $0x4000  }
0x18: {  	[sflag:s18] =	ssyncset.done $0x0  }
0x19: {  	s19 =	simm.s32 $0x4;
	s20 =	sadd.s32 $0x621604, s25;
	[sflag:s18] =	ssyncadd.s32 $0xFFFFC000  }
0x1a: {  	[hbm4b:s20+s13] =	stream.strided.scatter [tilespmem:s10], [sflag:$0x4], $0x4000, s14, s13, $0x38;
	[tilespmem:$0x8800] =	vst v63  }
0x1b: {  	_ =	swait.ge [sflag:s19], $0x4000  }
0x1c: {  	[sflag:s19] =	ssyncset.done $0x0  }
0x1d: {  	s22 =	simm.s32 $0x600;
	s21 =	sadd.s32 $0x49A600, s21;
	[sflag:s19] =	ssyncadd.s32 $0xFFFFC000  }
0x1e: {  	[tilespmem:s10], [sflag:$0x2] =	stream.indirect.gather [hbm4b:s21+s4], $0x20, s22, s4, $0xb8;
	[tilespmem:$0x8800] =	vst v63  }
0x1f: {  	_ =	swait.ge [sflag:s11], $0x4000  }
0x20: {  	s26 =	ssub.s32 $0x2, s24;
	[sflag:s11] =	ssyncset.done $0x0  }
0x21: {  	s31 =	sshrl.u32 s26, $0x1;
	s23 =	sadd.s32 $0x621608, s25;
	[sflag:s11] =	ssyncadd.s32 $0xFFFFC000  }
0x22: {  	[hbm4b:s23+s13] =	stream.strided.scatter [tilespmem:s9], [sflag:$0x3], $0x4000, s14, s13, $0x38;
	[tilespmem:$0x8800] =	vst v63  }
0x23: {  	s24 =	sadd.s32 $0x62160C, s25;
	s25 =	ssub.s32 s26, s31;
	_ =	swait.ge [sflag:s18], $0x4000  }
0x24: {  	s25 =	smax.u32 s25, $0x1;
	[sflag:s18] =	ssyncset.done $0x0  }
0x25: {  	p0 =	sne.s32 s25, $0x1;
	[sflag:s18] =	ssyncadd.s32 $0xFFFFC000  }
0x26: {  	[hbm4b:s24+s13] =	stream.strided.scatter [tilespmem:s10], [sflag:$0x4], $0x4000, s14, s13, $0x38;
	[tilespmem:$0x8800] =	vst v63  }
.Ltmp0:
0x27: {  	_ =	swait.ge [sflag:s15], $0x4000;
	(pc) =	sbr.rel @!p0 .LBB2_2-.Ltmp0, $4  }
0x28: {  	[sflag:s15] =	ssyncset.done $0x0  }
0x29: {  	[sflag:s15] =	ssyncadd.s32 $0xFFFFC000  }
0x2a: {  	_ =	swait.ge [sflag:s19], $0x4000  }
0x2b: {  	s25 =	sadd.s32 $0xFFFFFFFF, s25;
	[sflag:s19] =	ssyncset.done $0x0  }
.LBB2_1:
0x2c: {  	p0 =	sne.s32 s25, $0x1;
	s25 =	sadd.s32 $0xFFFFFFFF, s25;
	[sflag:s19] =	ssyncadd.s32 $0xFFFFC000  }
0x2d: {  	[tilespmem:s2], [sflag:$0x5] =	stream.strided.gather [hbm4b:s3+s4], $0x800, s5, s4, $0x38;
	[tilespmem:$0x8800] =	vst v63  }
0x2e: {  	_ =	swait.ge [sflag:s6], $0x800  }
0x2f: {  	[sflag:s6] =	ssyncset.done $0x0  }
0x30: {  	[sflag:s6] =	ssyncadd.s32 $0xFFFFF800  }
0x31: {  	[tilespmem:s9], [sflag:$0x1] =	stream.indirect.gather [hbm4b:s7+s4], $0x20, s2, s4, $0xb8;
	[tilespmem:$0x8800] =	vst v63  }
0x32: {  	_ = 	snop  }
0x33: {  	[tilespmem:s10], [sflag:$0x2] =	stream.indirect.gather [hbm4b:s8+s4], $0x20, s4, s4, $0xb8;
	[tilespmem:$0x8800] =	vst v63  }
0x34: {  	_ =	swait.ge [sflag:s11], $0x4000  }
0x35: {  	[sflag:s11] =	ssyncset.done $0x0  }
0x36: {  	[sflag:s11] =	ssyncadd.s32 $0xFFFFC000  }
0x37: {  	[hbm4b:s12+s13] =	stream.strided.scatter [tilespmem:s9], [sflag:$0x3], $0x4000, s14, s13, $0x38;
	[tilespmem:$0x8800] =	vst v63  }
0x38: {  	_ =	swait.ge [sflag:s15], $0x4000  }
0x39: {  	[sflag:s15] =	ssyncset.done $0x0  }
0x3a: {  	[sflag:s15] =	ssyncadd.s32 $0xFFFFC000  }
0x3b: {  	[tilespmem:s9], [sflag:$0x1] =	stream.indirect.gather [hbm4b:s16+s4], $0x20, s17, s4, $0xb8;
	[tilespmem:$0x8800] =	vst v63  }
0x3c: {  	_ =	swait.ge [sflag:s18], $0x4000  }
0x3d: {  	[sflag:s18] =	ssyncset.done $0x0  }
0x3e: {  	[sflag:s18] =	ssyncadd.s32 $0xFFFFC000  }
0x3f: {  	[hbm4b:s20+s13] =	stream.strided.scatter [tilespmem:s10], [sflag:$0x4], $0x4000, s14, s13, $0x38;
	[tilespmem:$0x8800] =	vst v63  }
0x40: {  	_ =	swait.ge [sflag:s19], $0x4000  }
0x41: {  	[sflag:s19] =	ssyncset.done $0x0  }
0x42: {  	[sflag:s19] =	ssyncadd.s32 $0xFFFFC000  }
0x43: {  	[tilespmem:s10], [sflag:$0x2] =	stream.indirect.gather [hbm4b:s21+s4], $0x20, s22, s4, $0xb8;
	[tilespmem:$0x8800] =	vst v63  }
0x44: {  	_ =	swait.ge [sflag:s11], $0x4000  }
0x45: {  	[sflag:s11] =	ssyncset.done $0x0  }
0x46: {  	[sflag:s11] =	ssyncadd.s32 $0xFFFFC000  }
0x47: {  	[hbm4b:s23+s13] =	stream.strided.scatter [tilespmem:s9], [sflag:$0x3], $0x4000, s14, s13, $0x38;
	[tilespmem:$0x8800] =	vst v63  }
0x48: {  	_ =	swait.ge [sflag:s18], $0x4000  }
0x49: {  	[sflag:s18] =	ssyncset.done $0x0  }
0x4a: {  	[sflag:s18] =	ssyncadd.s32 $0xFFFFC000  }
0x4b: {  	[hbm4b:s24+s13] =	stream.strided.scatter [tilespmem:s10], [sflag:$0x4], $0x4000, s14, s13, $0x38;
	[tilespmem:$0x8800] =	vst v63  }
.Ltmp1:
0x4c: {  	_ =	swait.ge [sflag:s15], $0x4000;
	(pc) =	sbr.rel @p0 .LBB2_1-.Ltmp1, $4  }
0x4d: {  	[sflag:s15] =	ssyncset.done $0x0  }
0x4e: {  	[sflag:s15] =	ssyncadd.s32 $0xFFFFC000  }
0x4f: {  	_ =	swait.ge [sflag:s19], $0x4000  }
0x50: {  	[sflag:s19] =	ssyncset.done $0x0  }
.LBB2_2:
0x51: {  	[sflag:s19] =	ssyncadd.s32 $0xFFFFC000  }
0x52: {  	_ =	sfence.sel $0x180000  }
0x53: {  	[bflag:$0x0] =	sbarrier.arrive $0xFFFF  }
0x54: {  	p0 =	sne.s32 s0, $0x0;
	_ =	strace $0x90000050  }
0x55: {  	s0 =	sadd.s32 @!p0 $0x100000, s1;
	[bflag:$0x2] =	sbarrier.arrive $0xFFFF  }
0x56: {  	[sflag:s0] =	ssyncadd.tile.s32 @!p0 $0x1;
	_ =	shalt  }
.Lfunc_end2:
_tile_overlayer_lowered:
.L_overlay_start_2:
0x57: {  	(tag) =	ssettag $0x2  }
0x58: {  	s0 =	rddreg [dreg:$0x0];
	s2 =	stileid.u32  }
0x59: {  	s1 =	rddreg [dreg:$0x1];
	p0 =	sne.s32 s2, $0x0  }
0x5a: {  	s3 =	rddreg [dreg:$0x2];
	[bflag:$0x3] =	sbarrier.arrive $0xFFFF;
	s2 =	simm.s32 @!p0 $0x1C05  }
0x5b: {  	[timem:s3], [sflag:s2] =	dma.local @!p0 [hbm:s0], s1  }
0x5c: {  	s0 =	simm.s32 @!p0 $0x5  }
0x5d: {  	_ =	swait.ge @!p0 [sflag:s0], s1  }
0x5e: {  	s1 =	ssub.s32 @!p0 $0x0, s1;
	[sflag:s0] =	ssyncset.done @!p0 $0x0  }
0x5f: {  	[sflag:s0] =	ssyncadd.s32 @!p0 s1  }
0x60: {  	[bflag:$0x3] =	sbarrier.arrive $0xFFFF  }
0x61: {  	_ =	shalt  }

// kernel: _run.18.cloned.1.call-start
scs
__scs_entry_jumppad:
0x0: {  	(pc) =	sbr.rel $0x88, $3  }
0x1: {  	(tag) =	ssettag $0x0;
	lr =	simm.s32 $0x1  }
0x2: {  	[smem:$0x3F86] =	sst lr;
	_ =	strace $0xD0000000  }
0x3: {  	_ = 	snop  }
0x4: {  	_ = 	snop  }
0x5: {  	_ = 	snop  }
0x6: {  	_ = 	snop  }
0x7: {  	_ = 	snop  }
__scs_overlays_trampoline_lowered:
0x8: {  	[smem:$0x3F95] =	sst s0  }
0x9: {  	[smem:$0x3F96] =	sst s1  }
0xa: {  	[smem:$0x3F97] =	sst s2  }
0xb: {  	[smem:$0x3F98] =	sst s3  }
0xc: {  	[smem:$0x3F99] =	sst s4  }
0xd: {  	[smem:$0x3F9A] =	sst s5  }
0xe: {  	[smem:$0x3F9B] =	sst s6  }
0xf: {  	[smem:$0x3F9C] =	sst s7  }
0x10: {  	[smem:$0x3F9D] =	sst s8  }
0x11: {  	[smem:$0x3F9E] =	sst s9;
	s0 =	simm.s32 @!p0 $0x0  }
0x12: {  	s1 =	sld [smem:$0x3F84];
	s0 =	simm.s32 @p0 $0x1  }
0x13: {  	[smem:$0x3F9F] =	sst s0;
	s0 =	simm.s32 @!p1 $0x0  }
0x14: {  	s2 =	sld [smem:$0x3F83];
	s0 =	simm.s32 @p1 $0x1  }
0x15: {  	[smem:$0x3FA0] =	sst s0;
	s0 =	simm.s32 @!p2 $0x0  }
0x16: {  	s3 =	sld [smem:$0x3FDB];
	s0 =	simm.s32 @p2 $0x1  }
0x17: {  	s4 =	simm.s32 $0x1BF5;
	[smem:$0x3FA2] =	sst s0  }
0x18: {  	s0 =	sld [smem:$0x3F85];
	_ =	swait.ge [sflag:s4], $0x0  }
0x19: {  	s7 =	sld [smem:$0x3F86]  }
0x1a: {  	s8 =	sadd.s32 $0xFFFFE003, lr  }
0x1b: {  	s9 =	sadd.s32 $0xFFFFFEF7, lr;
	s5 =	simm.s32 $0xFFFFFFFF;
	p2 =	slt.u32 s8, $0xFFFFF086  }
0x1c: {  	p1 =	slt.u32 s9, $0xF7A;
	s5 =	simm.s32 @!p2 $0x0  }
0x1d: {  	s5 =	simm.s32 @p1 $0x1;
	p0 =	seq.s32 s7, s2  }
0x1e: {  	s7 =	smul.u32 @!p0 $0xF7A, s2;
	p2 =	seq.s32 @!p0 s5, $0x0  }
0x1f: {  	s9 =	smul.u32 $0xF7A, s1;
	s8 =	simm.s32 @!p0 $0x1BF5;
	p2 =	por !p2, p0  }
0x20: {  	[sflag:s8] =	ssyncset.s32 @!p0 $0xFFFFF086;
	s6 =	sadd.s32 @!p0 s3, s7;
	s7 =	simm.s32 @!p0 $0x108  }
0x21: {  	s3 =	sadd.s32 s3, s9;
	s6 =	sadd.s32 @!p0 $0x88, s6;
	s7 =	simm.s32 @p2 $0x1082  }
0x22: {  	[simem:s7], [sflag:s8] =	dma.local @!p0 [hbm:s6], $0xF7A  }
0x23: {  	s9 =	sor.u32 $0xD0000000, s2;
	s6 =	simm.s32 $0x108;
	_ =	swait.ge @!p0 [sflag:s8], $0x0  }
0x24: {  	s3 =	sadd.s32 $0x88, s3;
	s6 =	simm.s32 @!p1 $0x1082;
	[sflag:s4] =	ssyncset.s32 $0xFFFFF086  }
0x25: {  	[simem:s6], [sflag:s4] =	dma.local [hbm:s3], $0xF7A  }
0x26: {  	[smem:$0x3F86] =	sst s1;
	(tag) =	ssettag s2;
	_ =	strace s9  }
0x27: {  	s1 =	sld [smem:$0x3F96]  }
0x28: {  	s2 =	sld [smem:$0x3F97]  }
0x29: {  	s4 =	sld [smem:$0x3F99]  }
0x2a: {  	p0 =	seq.s32 s5, $0x0;
	s5 =	sld [smem:$0x3F9A]  }
0x2b: {  	s6 =	sld [smem:$0x3F9B]  }
0x2c: {  	s7 =	sld [smem:$0x3F9C]  }
0x2d: {  	s3 =	simm.s32 $0x108;
	s8 =	sld [smem:$0x3F9D]  }
0x2e: {  	s3 =	simm.s32 @!p0 $0x1082;
	s9 =	sld [smem:$0x3F9E]  }
0x2f: {  	lr =	sadd.s32 s0, s3;
	s0 =	sld [smem:$0x3F95]  }
0x30: {  	s3 =	sld [smem:$0x3F98]  }
0x31: {  	[smem:$0x3FA1] =	sst s10  }
0x32: {  	s10 =	sld [smem:$0x3F9F];
	_ =	sdelay $0x3  }
0x33: {  	p0 =	seq.s32 s10, $0x1;
	s10 =	sld [smem:$0x3FA1];
	_ =	sdelay $0x3  }
0x34: {  	[smem:$0x3FA1] =	sst s10  }
0x35: {  	s10 =	sld [smem:$0x3FA0];
	_ =	sdelay $0x3  }
0x36: {  	p1 =	seq.s32 s10, $0x1;
	s10 =	sld [smem:$0x3FA1];
	_ =	sdelay $0x3  }
0x37: {  	[smem:$0x3FA1] =	sst s10  }
0x38: {  	s10 =	sld [smem:$0x3FA2]  }
0x39: {  	_ = 	snop;
	(pc) =	sbr.ind lr, $3  }
0x3a: {  	_ = 	snop  }
0x3b: {  	_ = 	snop  }
0x3c: {  	p2 =	seq.s32 s10, $0x1;
	s10 =	sld [smem:$0x3FA1]  }
0x3d: {  	_ =	shalt  }
0x3e: {  	_ =	shalt  }
0x3f: {  	_ =	shalt  }
0x40: {  	_ =	shalt  }
0x41: {  	_ =	shalt  }
0x42: {  	_ =	shalt  }
0x43: {  	_ =	shalt  }
0x44: {  	_ =	shalt  }
0x45: {  	_ =	shalt  }
0x46: {  	_ =	shalt  }
0x47: {  	_ =	shalt  }
0x48: {  	_ =	shalt  }
0x49: {  	_ =	shalt  }
0x4a: {  	_ =	shalt  }
0x4b: {  	_ =	shalt  }
0x4c: {  	_ =	shalt  }
0x4d: {  	_ =	shalt  }
0x4e: {  	_ =	shalt  }
0x4f: {  	_ =	shalt  }
0x50: {  	_ =	shalt  }
0x51: {  	_ =	shalt  }
0x52: {  	_ =	shalt  }
0x53: {  	_ =	shalt  }
0x54: {  	_ =	shalt  }
0x55: {  	_ =	shalt  }
0x56: {  	_ =	shalt  }
0x57: {  	_ =	shalt  }
0x58: {  	_ =	shalt  }
0x59: {  	_ =	shalt  }
0x5a: {  	_ =	shalt  }
0x5b: {  	_ =	shalt  }
0x5c: {  	_ =	shalt  }
0x5d: {  	_ =	shalt  }
0x5e: {  	_ =	shalt  }
0x5f: {  	_ =	shalt  }
0x60: {  	_ =	shalt  }
0x61: {  	_ =	shalt  }
0x62: {  	_ =	shalt  }
0x63: {  	_ =	shalt  }
0x64: {  	_ =	shalt  }
0x65: {  	_ =	shalt  }
0x66: {  	_ =	shalt  }
0x67: {  	_ =	shalt  }
0x68: {  	_ =	shalt  }
0x69: {  	_ =	shalt  }
0x6a: {  	_ =	shalt  }
0x6b: {  	_ =	shalt  }
0x6c: {  	_ =	shalt  }
0x6d: {  	_ =	shalt  }
0x6e: {  	_ =	shalt  }
0x6f: {  	_ =	shalt  }
0x70: {  	_ =	shalt  }
0x71: {  	_ =	shalt  }
0x72: {  	_ =	shalt  }
0x73: {  	_ =	shalt  }
0x74: {  	_ =	shalt  }
0x75: {  	_ =	shalt  }
0x76: {  	_ =	shalt  }
0x77: {  	_ =	shalt  }
0x78: {  	_ =	shalt  }
0x79: {  	_ =	shalt  }
0x7a: {  	_ =	shalt  }
0x7b: {  	_ =	shalt  }
0x7c: {  	_ =	shalt  }
0x7d: {  	_ =	shalt  }
0x7e: {  	_ =	shalt  }
0x7f: {  	_ =	shalt  }
0x80: {  	_ =	shalt  }
0x81: {  	_ =	shalt  }
0x82: {  	_ =	shalt  }
0x83: {  	_ =	shalt  }
0x84: {  	_ =	shalt  }
0x85: {  	_ =	shalt  }
0x86: {  	_ =	shalt  }
0x87: {  	_ =	shalt  }
.Lfunc_end0:
.L_simem_size_0:
called_computation.4_lowered:
.L_overlay_start_0:
0x88: {  	s2 =	sld [smem:$0x3FD9]  }
0x89: {  	s3 =	sld [smem:$0x3FFE];
	_ =	sdelay $0x1  }
0x8a: {  	s1 =	srdreg.scid  }
0x8b: {  	s0 =	sand.u32 $0x1, s1  }
0x8c: {  	s17 =	sshll.u32 s0, $0xA;
	s2 =	sadd.s32 s3, s2  }
0x8d: {  	s2 =	sadd.s32 s2, s17  }
0x8e: {  	[smem:$0x3FAD] =	sst s2  }
0x8f: {  	_ = 	snop  }
0x90: {  	(tm) =	ssettm $0x1  }
0x91: {  	s18 =	sld [smem:$0x3FFB];
	_ =	sdelay $0x3  }
0x92: {  	_ =	strace s18  }
0x93: {  	s2 =	sld [smem:$0x3FFC];
	_ =	sdelay $0x3  }
0x94: {  	_ =	strace s2  }
0x95: {  	s2 =	sld [smem:$0x3FFD];
	_ =	sdelay $0x3  }
0x96: {  	_ =	strace s2  }
0x97: {  	_ =	strace $0x8FFFFFFF  }
0x98: {  	s19 =	sld [smem:$0x3FDB];
	_ =	sdelay $0x1  }
0x99: {  	s20 =	simm.s32 $_scs_section_size  }
0x9a: {  	s4 =	simm.s32 $_size__tile_overlayer_lowered;
	s5 =	simm.s32 $_tile_overlayer_lowered  }
0x9b: {  	s6 =	simm.s32 $0x1BFF;
	s21 =	sshll.u32 s5, $0x1;
	s3 =	sadd.s32 s20, s19  }
0x9c: {  	s22 =	simm.s32 $0x0;
	s4 =	sshll.u32 s4, $0x1;
	s5 =	sadd.s32 s21, s3  }
0x9d: {  	[timem:s22], [sflag:s6] =	dma.local [hbm:s5], s4  }
0x9e: {  	_ =	swait.ge [sflag:s6], s4  }
0x9f: {  	s4 =	ssub.s32 $0x0, s4;
	[sflag:s6] =	ssyncset.done $0x0  }
0xa0: {  	[sflag:s6] =	ssyncadd.s32 s4;
	_ =	sdelay $0x1  }
0xa1: {  	s23 =	simm.s32 $0x1B8B  }
0xa2: {  	_ =	swait.ge [sflag:s23], $0x1  }
0xa3: {  	[sflag:s23] =	ssyncset.done $0x0  }
0xa4: {  	[sflag:s23] =	ssyncadd.s32 $0xFFFFFFFF  }
0xa5: {  	s4 =	sld [smem:$0x0]  }
0xa6: {  	s5 =	sand.u32 $0xFFFFFFFE, s1  }
0xa7: {  	p0 =	sne.s32 s1, s5  }
0xa8: {  	s5 =	sshll.u32 @p0 s5, $0xE  }
0xa9: {  	s5 =	sadd.s32 @p0 $0x11B8D, s5;
	s6 =	sshll.u32 @p0 s4, $0x11  }
0xaa: {  	s5 =	sor.u32 @p0 s6, s5  }
0xab: {  	[sflag:s5] =	ssyncadd.remote.s32 @p0 $0x1;
	_ =	sdelay $0x1  }
0xac: {  	s5 =	simm.s32 @p0 $0x1B8D  }
0xad: {  	_ =	swait.eq @p0 [sflag:s5], $0x1  }
0xae: {  	[sflag:s5] =	ssyncadd.s32 @p0 $0xFFFFFFFF  }
0xaf: {  	s6 =	sshll.u32 @!p0 s1, $0xE  }
0xb0: {  	s6 =	sor.u32 @!p0 $0x4000, s6;
	s5 =	simm.s32 @!p0 $0x1B8D  }
0xb1: {  	s4 =	sshll.u32 @!p0 s4, $0x11;
	s6 =	sadd.s32 @!p0 $0x11B8D, s6;
	_ =	swait.eq @!p0 [sflag:s5], $0x1  }
0xb2: {  	s4 =	sor.u32 @!p0 s4, s6;
	[sflag:s5] =	ssyncadd.s32 @!p0 $0xFFFFFFFF  }
0xb3: {  	s25 =	simm.s32 $0x1B8E;
	s24 =	sld [smem:$0x3FFE];
	[sflag:s4] =	ssyncadd.remote.s32 @!p0 $0x1  }
0xb4: {  	s26 =	simm.s32 $execute0_lowered;
	[smem:$0x3FD2] =	sst s25  }
0xb5: {  	s5 =	sshll.u32 s26, $0x1;
	_ =	strace $0x80000052;
	[dreg:$0x1] =	wrdreg $0xFFFFFFFF  }
0xb6: {  	s28 =	simm.s32 $_size_execute0_lowered;
	s3 =	sadd.s32 s3, s5;
	[dreg:$0x0] =	wrdreg $0x0  }
0xb7: {  	s5 =	sshll.u32 s28, $0x1;
	[dreg:$0x2] =	wrdreg s3  }
0xb8: {  	[dreg:$0x3] =	wrdreg s5  }
0xb9: {  	[dreg:$0x4] =	wrdreg $0xC0  }
0xba: {  	_ =	task [dreg:s22], $0x5FFFF  }
0xbb: {  	[dreg:$0x1] =	wrdreg $0xFFFFFFFF  }
0xbc: {  	[dreg:$0x0] =	wrdreg $0x60  }
0xbd: {  	[dreg:$0x2] =	wrdreg s24  }
0xbe: {  	[dreg:$0x3] =	wrdreg $0xC  }
0xbf: {  	_ =	task.clear_ibuf [dreg:s22], $0x4FFFF;
	_ =	strace $0x90000052  }
0xc0: {  	s29 =	simm.s32 $0xC;
	_ =	strace $0x80000054  }
0xc1: {  	_ =	swait.ge [sflag:s29], $0x1  }
0xc2: {  	[sflag:s29] =	ssyncadd.s32 $0xFFFFFFFF  }
0xc3: {  	_ =	strace $0x90000054  }
0xc4: {  	_ =	sfence  }
0xc5: {  	s30 =	sld [smem:$0x0];
	_ =	sdelay $0x2  }
0xc6: {  	s31 =	sshll.u32 s1, $0xD;
	s1 =	sshrl.u32 s1, $0x2  }
0xc7: {  	s4 =	sand.u32 $0x4000, s31;
	s1 =	sadd.s32 s1, s30  }
0xc8: {  	s0 =	sor.u32 s4, s0;
	s1 =	sshll.u32 s1, $0x11  }
0xc9: {  	s0 =	sor.u32 s1, s0  }
0xca: {  	s0 =	sadd.s32 $0x8F2B, s0  }
0xcb: {  	[sflag:s0] =	ssyncadd.remote.s32 $0x1  }
0xcc: {  	_ =	sfence.sel $0xFFFF  }
0xcd: {  	[dreg:$0x0] =	wrdreg $0xFFFFFFFF;
	(pc) =	sbr.abs _section_cstart, $3  }
0xce: {  	[dreg:$0x1] =	wrdreg $0xFFFFFFFF  }
0xcf: {  	_ =	task.clear_ibuf [dreg:s22], $0x2FFFF;
	_ =	strace $0x9FFFFFFF  }
0xd0: {  	(tm) =	ssettm $0x7FFFFFFF  }
0xd1: {  	_ =	shalt  }
tec
execute0_lowered:
.L_overlay_start_1:
0x0: {  	(tag) =	ssettag $0x1  }
0x1: {  	s1 =	srdreg.scid  }
0x2: {  	s0 =	stileid.u32;
	s24 =	sand.u32 $0x1, s1  }
0x3: {  	s30 =	sshll.u32 s0, $0xA;
	s2 =	sshll.u32 s24, $0x9  }
0x4: {  	s21 =	rddreg [dreg:$0x0];
	s4 =	simm.s32 $0x200;
	s10 =	sor.u32 s2, s30  }
0x5: {  	s5 =	simm.s32 $0x4000;
	s2 =	simm.s32 $0x0;
	s3 =	sshrl.u32 s10, $0x3  }
0x6: {  	s6 =	simm.s32 $0x5;
	[smem:$0x7FF] =	sst s2;
	s3 =	sadd.s32 s3, s21  }
0x7: {  	s1 =	rddreg [dreg:$0x1];
	_ =	strace $0x80000053;
	s3 =	sadd.s32 $0x104600, s3  }
0x8: {  	[tilespmem:s2], [sflag:$0x5] =	stream.strided.gather [hbm4b:s3+s4], $0x800, s5, s4, $0x38;
	[tilespmem:$0x8800] =	vst v63  }
0x9: {  	_ =	swait.ge [sflag:s6], $0x800  }
0xa: {  	s9 =	simm.s32 $0x800;
	[sflag:s6] =	ssyncset.done $0x0  }
0xb: {  	s11 =	simm.s32 $0x1;
	s7 =	sadd.s32 $0x786A00, s21;
	[sflag:s6] =	ssyncadd.s32 $0xFFFFF800  }
0xc: {  	[tilespmem:s9], [sflag:$0x1] =	stream.indirect.gather [hbm4b:s7+s4], $0x20, s2, s4, $0xb8;
	[tilespmem:$0x8800] =	vst v63  }
0xd: {  	s8 =	sadd.s32 $0x724E00, s21;
	s12 =	sshll.u32 s10, $0x4;
	s10 =	simm.s32 $0x4800  }
0xe: {  	[tilespmem:s10], [sflag:$0x2] =	stream.indirect.gather [hbm4b:s8+s4], $0x20, s4, s4, $0xb8;
	[tilespmem:$0x8800] =	vst v63  }
0xf: {  	s13 =	simm.s32 $0x20;
	_ =	swait.ge [sflag:s11], $0x4000  }
0x10: {  	s14 =	simm.s32 $0x80;
	s25 =	sadd.s32 s12, s21;
	[sflag:s11] =	ssyncset.done $0x0  }
0x11: {  	s15 =	simm.s32 $0x3;
	s12 =	sadd.s32 $0x7E8600, s25;
	[sflag:s11] =	ssyncadd.s32 $0xFFFFC000  }
0x12: {  	[hbm4b:s12+s13] =	stream.strided.scatter [tilespmem:s9], [sflag:$0x3], $0x4000, s14, s13, $0x38;
	[tilespmem:$0x8800] =	vst v63  }
0x13: {  	_ =	swait.ge [sflag:s15], $0x4000  }
0x14: {  	s17 =	simm.s32 $0x400;
	[sflag:s15] =	ssyncset.done $0x0  }
0x15: {  	s18 =	simm.s32 $0x2;
	s16 =	sadd.s32 $0x6C3200, s21;
	[sflag:s15] =	ssyncadd.s32 $0xFFFFC000  }
0x16: {  	[tilespmem:s9], [sflag:$0x1] =	stream.indirect.gather [hbm4b:s16+s4], $0x20, s17, s4, $0xb8;
	[tilespmem:$0x8800] =	vst v63  }
0x17: {  	_ =	swait.ge [sflag:s18], $0x4000  }
0x18: {  	[sflag:s18] =	ssyncset.done $0x0  }
0x19: {  	s19 =	simm.s32 $0x4;
	s20 =	sadd.s32 $0x7E8604, s25;
	[sflag:s18] =	ssyncadd.s32 $0xFFFFC000  }
0x1a: {  	[hbm4b:s20+s13] =	stream.strided.scatter [tilespmem:s10], [sflag:$0x4], $0x4000, s14, s13, $0x38;
	[tilespmem:$0x8800] =	vst v63  }
0x1b: {  	_ =	swait.ge [sflag:s19], $0x4000  }
0x1c: {  	[sflag:s19] =	ssyncset.done $0x0  }
0x1d: {  	s22 =	simm.s32 $0x600;
	s21 =	sadd.s32 $0x661600, s21;
	[sflag:s19] =	ssyncadd.s32 $0xFFFFC000  }
0x1e: {  	[tilespmem:s10], [sflag:$0x2] =	stream.indirect.gather [hbm4b:s21+s4], $0x20, s22, s4, $0xb8;
	[tilespmem:$0x8800] =	vst v63  }
0x1f: {  	_ =	swait.ge [sflag:s11], $0x4000  }
0x20: {  	s26 =	ssub.s32 $0x2, s24;
	[sflag:s11] =	ssyncset.done $0x0  }
0x21: {  	s31 =	sshrl.u32 s26, $0x1;
	s23 =	sadd.s32 $0x7E8608, s25;
	[sflag:s11] =	ssyncadd.s32 $0xFFFFC000  }
0x22: {  	[hbm4b:s23+s13] =	stream.strided.scatter [tilespmem:s9], [sflag:$0x3], $0x4000, s14, s13, $0x38;
	[tilespmem:$0x8800] =	vst v63  }
0x23: {  	s24 =	sadd.s32 $0x7E860C, s25;
	s25 =	ssub.s32 s26, s31;
	_ =	swait.ge [sflag:s18], $0x4000  }
0x24: {  	s25 =	smax.u32 s25, $0x1;
	[sflag:s18] =	ssyncset.done $0x0  }
0x25: {  	p0 =	sne.s32 s25, $0x1;
	[sflag:s18] =	ssyncadd.s32 $0xFFFFC000  }
0x26: {  	[hbm4b:s24+s13] =	stream.strided.scatter [tilespmem:s10], [sflag:$0x4], $0x4000, s14, s13, $0x38;
	[tilespmem:$0x8800] =	vst v63  }
.Ltmp0:
0x27: {  	_ =	swait.ge [sflag:s15], $0x4000;
	(pc) =	sbr.rel @!p0 .LBB2_2-.Ltmp0, $4  }
0x28: {  	[sflag:s15] =	ssyncset.done $0x0  }
0x29: {  	[sflag:s15] =	ssyncadd.s32 $0xFFFFC000  }
0x2a: {  	_ =	swait.ge [sflag:s19], $0x4000  }
0x2b: {  	s25 =	sadd.s32 $0xFFFFFFFF, s25;
	[sflag:s19] =	ssyncset.done $0x0  }
.LBB2_1:
0x2c: {  	p0 =	sne.s32 s25, $0x1;
	s25 =	sadd.s32 $0xFFFFFFFF, s25;
	[sflag:s19] =	ssyncadd.s32 $0xFFFFC000  }
0x2d: {  	[tilespmem:s2], [sflag:$0x5] =	stream.strided.gather [hbm4b:s3+s4], $0x800, s5, s4, $0x38;
	[tilespmem:$0x8800] =	vst v63  }
0x2e: {  	_ =	swait.ge [sflag:s6], $0x800  }
0x2f: {  	[sflag:s6] =	ssyncset.done $0x0  }
0x30: {  	[sflag:s6] =	ssyncadd.s32 $0xFFFFF800  }
0x31: {  	[tilespmem:s9], [sflag:$0x1] =	stream.indirect.gather [hbm4b:s7+s4], $0x20, s2, s4, $0xb8;
	[tilespmem:$0x8800] =	vst v63  }
0x32: {  	_ = 	snop  }
0x33: {  	[tilespmem:s10], [sflag:$0x2] =	stream.indirect.gather [hbm4b:s8+s4], $0x20, s4, s4, $0xb8;
	[tilespmem:$0x8800] =	vst v63  }
0x34: {  	_ =	swait.ge [sflag:s11], $0x4000  }
0x35: {  	[sflag:s11] =	ssyncset.done $0x0  }
0x36: {  	[sflag:s11] =	ssyncadd.s32 $0xFFFFC000  }
0x37: {  	[hbm4b:s12+s13] =	stream.strided.scatter [tilespmem:s9], [sflag:$0x3], $0x4000, s14, s13, $0x38;
	[tilespmem:$0x8800] =	vst v63  }
0x38: {  	_ =	swait.ge [sflag:s15], $0x4000  }
0x39: {  	[sflag:s15] =	ssyncset.done $0x0  }
0x3a: {  	[sflag:s15] =	ssyncadd.s32 $0xFFFFC000  }
0x3b: {  	[tilespmem:s9], [sflag:$0x1] =	stream.indirect.gather [hbm4b:s16+s4], $0x20, s17, s4, $0xb8;
	[tilespmem:$0x8800] =	vst v63  }
0x3c: {  	_ =	swait.ge [sflag:s18], $0x4000  }
0x3d: {  	[sflag:s18] =	ssyncset.done $0x0  }
0x3e: {  	[sflag:s18] =	ssyncadd.s32 $0xFFFFC000  }
0x3f: {  	[hbm4b:s20+s13] =	stream.strided.scatter [tilespmem:s10], [sflag:$0x4], $0x4000, s14, s13, $0x38;
	[tilespmem:$0x8800] =	vst v63  }
0x40: {  	_ =	swait.ge [sflag:s19], $0x4000  }
0x41: {  	[sflag:s19] =	ssyncset.done $0x0  }
0x42: {  	[sflag:s19] =	ssyncadd.s32 $0xFFFFC000  }
0x43: {  	[tilespmem:s10], [sflag:$0x2] =	stream.indirect.gather [hbm4b:s21+s4], $0x20, s22, s4, $0xb8;
	[tilespmem:$0x8800] =	vst v63  }
0x44: {  	_ =	swait.ge [sflag:s11], $0x4000  }
0x45: {  	[sflag:s11] =	ssyncset.done $0x0  }
0x46: {  	[sflag:s11] =	ssyncadd.s32 $0xFFFFC000  }
0x47: {  	[hbm4b:s23+s13] =	stream.strided.scatter [tilespmem:s9], [sflag:$0x3], $0x4000, s14, s13, $0x38;
	[tilespmem:$0x8800] =	vst v63  }
0x48: {  	_ =	swait.ge [sflag:s18], $0x4000  }
0x49: {  	[sflag:s18] =	ssyncset.done $0x0  }
0x4a: {  	[sflag:s18] =	ssyncadd.s32 $0xFFFFC000  }
0x4b: {  	[hbm4b:s24+s13] =	stream.strided.scatter [tilespmem:s10], [sflag:$0x4], $0x4000, s14, s13, $0x38;
	[tilespmem:$0x8800] =	vst v63  }
.Ltmp1:
0x4c: {  	_ =	swait.ge [sflag:s15], $0x4000;
	(pc) =	sbr.rel @p0 .LBB2_1-.Ltmp1, $4  }
0x4d: {  	[sflag:s15] =	ssyncset.done $0x0  }
0x4e: {  	[sflag:s15] =	ssyncadd.s32 $0xFFFFC000  }
0x4f: {  	_ =	swait.ge [sflag:s19], $0x4000  }
0x50: {  	[sflag:s19] =	ssyncset.done $0x0  }
.LBB2_2:
0x51: {  	[sflag:s19] =	ssyncadd.s32 $0xFFFFC000  }
0x52: {  	_ =	sfence.sel $0x180000  }
0x53: {  	[bflag:$0x0] =	sbarrier.arrive $0xFFFF  }
0x54: {  	p0 =	sne.s32 s0, $0x0;
	_ =	strace $0x90000053  }
0x55: {  	s0 =	sadd.s32 @!p0 $0x100000, s1;
	[bflag:$0x2] =	sbarrier.arrive $0xFFFF  }
0x56: {  	[sflag:s0] =	ssyncadd.tile.s32 @!p0 $0x1;
	_ =	shalt  }
.Lfunc_end2:
_tile_overlayer_lowered:
.L_overlay_start_2:
0x57: {  	(tag) =	ssettag $0x2  }
0x58: {  	s0 =	rddreg [dreg:$0x0];
	s2 =	stileid.u32  }
0x59: {  	s1 =	rddreg [dreg:$0x1];
	p0 =	sne.s32 s2, $0x0  }
0x5a: {  	s3 =	rddreg [dreg:$0x2];
	[bflag:$0x3] =	sbarrier.arrive $0xFFFF;
	s2 =	simm.s32 @!p0 $0x1C05  }
0x5b: {  	[timem:s3], [sflag:s2] =	dma.local @!p0 [hbm:s0], s1  }
0x5c: {  	s0 =	simm.s32 @!p0 $0x5  }
0x5d: {  	_ =	swait.ge @!p0 [sflag:s0], s1  }
0x5e: {  	s1 =	ssub.s32 @!p0 $0x0, s1;
	[sflag:s0] =	ssyncset.done @!p0 $0x0  }
0x5f: {  	[sflag:s0] =	ssyncadd.s32 @!p0 s1  }
0x60: {  	[bflag:$0x3] =	sbarrier.arrive $0xFFFF  }
0x61: {  	_ =	shalt  }

// kernel: _run.21.cloned.1.call-start
scs
__scs_entry_jumppad:
0x0: {  	(pc) =	sbr.rel $0x88, $3  }
0x1: {  	(tag) =	ssettag $0x0;
	lr =	simm.s32 $0x1  }
0x2: {  	[smem:$0x3F86] =	sst lr;
	_ =	strace $0xD0000000  }
0x3: {  	_ = 	snop  }
0x4: {  	_ = 	snop  }
0x5: {  	_ = 	snop  }
0x6: {  	_ = 	snop  }
0x7: {  	_ = 	snop  }
__scs_overlays_trampoline_lowered:
0x8: {  	[smem:$0x3F95] =	sst s0  }
0x9: {  	[smem:$0x3F96] =	sst s1  }
0xa: {  	[smem:$0x3F97] =	sst s2  }
0xb: {  	[smem:$0x3F98] =	sst s3  }
0xc: {  	[smem:$0x3F99] =	sst s4  }
0xd: {  	[smem:$0x3F9A] =	sst s5  }
0xe: {  	[smem:$0x3F9B] =	sst s6  }
0xf: {  	[smem:$0x3F9C] =	sst s7  }
0x10: {  	[smem:$0x3F9D] =	sst s8  }
0x11: {  	[smem:$0x3F9E] =	sst s9;
	s0 =	simm.s32 @!p0 $0x0  }
0x12: {  	s1 =	sld [smem:$0x3F84];
	s0 =	simm.s32 @p0 $0x1  }
0x13: {  	[smem:$0x3F9F] =	sst s0;
	s0 =	simm.s32 @!p1 $0x0  }
0x14: {  	s2 =	sld [smem:$0x3F83];
	s0 =	simm.s32 @p1 $0x1  }
0x15: {  	[smem:$0x3FA0] =	sst s0;
	s0 =	simm.s32 @!p2 $0x0  }
0x16: {  	s3 =	sld [smem:$0x3FDB];
	s0 =	simm.s32 @p2 $0x1  }
0x17: {  	s4 =	simm.s32 $0x1BF5;
	[smem:$0x3FA2] =	sst s0  }
0x18: {  	s0 =	sld [smem:$0x3F85];
	_ =	swait.ge [sflag:s4], $0x0  }
0x19: {  	s7 =	sld [smem:$0x3F86]  }
0x1a: {  	s8 =	sadd.s32 $0xFFFFE003, lr  }
0x1b: {  	s9 =	sadd.s32 $0xFFFFFEF7, lr;
	s5 =	simm.s32 $0xFFFFFFFF;
	p2 =	slt.u32 s8, $0xFFFFF086  }
0x1c: {  	p1 =	slt.u32 s9, $0xF7A;
	s5 =	simm.s32 @!p2 $0x0  }
0x1d: {  	s5 =	simm.s32 @p1 $0x1;
	p0 =	seq.s32 s7, s2  }
0x1e: {  	s7 =	smul.u32 @!p0 $0xF7A, s2;
	p2 =	seq.s32 @!p0 s5, $0x0  }
0x1f: {  	s9 =	smul.u32 $0xF7A, s1;
	s8 =	simm.s32 @!p0 $0x1BF5;
	p2 =	por !p2, p0  }
0x20: {  	[sflag:s8] =	ssyncset.s32 @!p0 $0xFFFFF086;
	s6 =	sadd.s32 @!p0 s3, s7;
	s7 =	simm.s32 @!p0 $0x108  }
0x21: {  	s3 =	sadd.s32 s3, s9;
	s6 =	sadd.s32 @!p0 $0x88, s6;
	s7 =	simm.s32 @p2 $0x1082  }
0x22: {  	[simem:s7], [sflag:s8] =	dma.local @!p0 [hbm:s6], $0xF7A  }
0x23: {  	s9 =	sor.u32 $0xD0000000, s2;
	s6 =	simm.s32 $0x108;
	_ =	swait.ge @!p0 [sflag:s8], $0x0  }
0x24: {  	s3 =	sadd.s32 $0x88, s3;
	s6 =	simm.s32 @!p1 $0x1082;
	[sflag:s4] =	ssyncset.s32 $0xFFFFF086  }
0x25: {  	[simem:s6], [sflag:s4] =	dma.local [hbm:s3], $0xF7A  }
0x26: {  	[smem:$0x3F86] =	sst s1;
	(tag) =	ssettag s2;
	_ =	strace s9  }
0x27: {  	s1 =	sld [smem:$0x3F96]  }
0x28: {  	s2 =	sld [smem:$0x3F97]  }
0x29: {  	s4 =	sld [smem:$0x3F99]  }
0x2a: {  	p0 =	seq.s32 s5, $0x0;
	s5 =	sld [smem:$0x3F9A]  }
0x2b: {  	s6 =	sld [smem:$0x3F9B]  }
0x2c: {  	s7 =	sld [smem:$0x3F9C]  }
0x2d: {  	s3 =	simm.s32 $0x108;
	s8 =	sld [smem:$0x3F9D]  }
0x2e: {  	s3 =	simm.s32 @!p0 $0x1082;
	s9 =	sld [smem:$0x3F9E]  }
0x2f: {  	lr =	sadd.s32 s0, s3;
	s0 =	sld [smem:$0x3F95]  }
0x30: {  	s3 =	sld [smem:$0x3F98]  }
0x31: {  	[smem:$0x3FA1] =	sst s10  }
0x32: {  	s10 =	sld [smem:$0x3F9F];
	_ =	sdelay $0x3  }
0x33: {  	p0 =	seq.s32 s10, $0x1;
	s10 =	sld [smem:$0x3FA1];
	_ =	sdelay $0x3  }
0x34: {  	[smem:$0x3FA1] =	sst s10  }
0x35: {  	s10 =	sld [smem:$0x3FA0];
	_ =	sdelay $0x3  }
0x36: {  	p1 =	seq.s32 s10, $0x1;
	s10 =	sld [smem:$0x3FA1];
	_ =	sdelay $0x3  }
0x37: {  	[smem:$0x3FA1] =	sst s10  }
0x38: {  	s10 =	sld [smem:$0x3FA2]  }
0x39: {  	_ = 	snop;
	(pc) =	sbr.ind lr, $3  }
0x3a: {  	_ = 	snop  }
0x3b: {  	_ = 	snop  }
0x3c: {  	p2 =	seq.s32 s10, $0x1;
	s10 =	sld [smem:$0x3FA1]  }
0x3d: {  	_ =	shalt  }
0x3e: {  	_ =	shalt  }
0x3f: {  	_ =	shalt  }
0x40: {  	_ =	shalt  }
0x41: {  	_ =	shalt  }
0x42: {  	_ =	shalt  }
0x43: {  	_ =	shalt  }
0x44: {  	_ =	shalt  }
0x45: {  	_ =	shalt  }
0x46: {  	_ =	shalt  }
0x47: {  	_ =	shalt  }
0x48: {  	_ =	shalt  }
0x49: {  	_ =	shalt  }
0x4a: {  	_ =	shalt  }
0x4b: {  	_ =	shalt  }
0x4c: {  	_ =	shalt  }
0x4d: {  	_ =	shalt  }
0x4e: {  	_ =	shalt  }
0x4f: {  	_ =	shalt  }
0x50: {  	_ =	shalt  }
0x51: {  	_ =	shalt  }
0x52: {  	_ =	shalt  }
0x53: {  	_ =	shalt  }
0x54: {  	_ =	shalt  }
0x55: {  	_ =	shalt  }
0x56: {  	_ =	shalt  }
0x57: {  	_ =	shalt  }
0x58: {  	_ =	shalt  }
0x59: {  	_ =	shalt  }
0x5a: {  	_ =	shalt  }
0x5b: {  	_ =	shalt  }
0x5c: {  	_ =	shalt  }
0x5d: {  	_ =	shalt  }
0x5e: {  	_ =	shalt  }
0x5f: {  	_ =	shalt  }
0x60: {  	_ =	shalt  }
0x61: {  	_ =	shalt  }
0x62: {  	_ =	shalt  }
0x63: {  	_ =	shalt  }
0x64: {  	_ =	shalt  }
0x65: {  	_ =	shalt  }
0x66: {  	_ =	shalt  }
0x67: {  	_ =	shalt  }
0x68: {  	_ =	shalt  }
0x69: {  	_ =	shalt  }
0x6a: {  	_ =	shalt  }
0x6b: {  	_ =	shalt  }
0x6c: {  	_ =	shalt  }
0x6d: {  	_ =	shalt  }
0x6e: {  	_ =	shalt  }
0x6f: {  	_ =	shalt  }
0x70: {  	_ =	shalt  }
0x71: {  	_ =	shalt  }
0x72: {  	_ =	shalt  }
0x73: {  	_ =	shalt  }
0x74: {  	_ =	shalt  }
0x75: {  	_ =	shalt  }
0x76: {  	_ =	shalt  }
0x77: {  	_ =	shalt  }
0x78: {  	_ =	shalt  }
0x79: {  	_ =	shalt  }
0x7a: {  	_ =	shalt  }
0x7b: {  	_ =	shalt  }
0x7c: {  	_ =	shalt  }
0x7d: {  	_ =	shalt  }
0x7e: {  	_ =	shalt  }
0x7f: {  	_ =	shalt  }
0x80: {  	_ =	shalt  }
0x81: {  	_ =	shalt  }
0x82: {  	_ =	shalt  }
0x83: {  	_ =	shalt  }
0x84: {  	_ =	shalt  }
0x85: {  	_ =	shalt  }
0x86: {  	_ =	shalt  }
0x87: {  	_ =	shalt  }
.Lfunc_end0:
.L_simem_size_0:
called_computation.5_lowered:
.L_overlay_start_0:
0x88: {  	s2 =	sld [smem:$0x3FD9]  }
0x89: {  	s3 =	sld [smem:$0x3FFE];
	_ =	sdelay $0x1  }
0x8a: {  	s1 =	srdreg.scid  }
0x8b: {  	s0 =	sand.u32 $0x1, s1  }
0x8c: {  	s17 =	sshll.u32 s0, $0xA;
	s2 =	sadd.s32 s3, s2  }
0x8d: {  	s2 =	sadd.s32 s2, s17  }
0x8e: {  	[smem:$0x3FAD] =	sst s2  }
0x8f: {  	_ = 	snop  }
0x90: {  	(tm) =	ssettm $0x1  }
0x91: {  	s18 =	sld [smem:$0x3FFB];
	_ =	sdelay $0x3  }
0x92: {  	_ =	strace s18  }
0x93: {  	s2 =	sld [smem:$0x3FFC];
	_ =	sdelay $0x3  }
0x94: {  	_ =	strace s2  }
0x95: {  	s2 =	sld [smem:$0x3FFD];
	_ =	sdelay $0x3  }
0x96: {  	_ =	strace s2  }
0x97: {  	_ =	strace $0x8FFFFFFF  }
0x98: {  	s19 =	sld [smem:$0x3FDB];
	_ =	sdelay $0x1  }
0x99: {  	s20 =	simm.s32 $_scs_section_size  }
0x9a: {  	s4 =	simm.s32 $_size__tile_overlayer_lowered;
	s5 =	simm.s32 $_tile_overlayer_lowered  }
0x9b: {  	s6 =	simm.s32 $0x1BFF;
	s21 =	sshll.u32 s5, $0x1;
	s3 =	sadd.s32 s20, s19  }
0x9c: {  	s22 =	simm.s32 $0x0;
	s4 =	sshll.u32 s4, $0x1;
	s5 =	sadd.s32 s21, s3  }
0x9d: {  	[timem:s22], [sflag:s6] =	dma.local [hbm:s5], s4  }
0x9e: {  	_ =	swait.ge [sflag:s6], s4  }
0x9f: {  	s4 =	ssub.s32 $0x0, s4;
	[sflag:s6] =	ssyncset.done $0x0  }
0xa0: {  	[sflag:s6] =	ssyncadd.s32 s4;
	_ =	sdelay $0x1  }
0xa1: {  	s23 =	simm.s32 $0x1B8B  }
0xa2: {  	_ =	swait.ge [sflag:s23], $0x1  }
0xa3: {  	[sflag:s23] =	ssyncset.done $0x0  }
0xa4: {  	[sflag:s23] =	ssyncadd.s32 $0xFFFFFFFF  }
0xa5: {  	s4 =	sld [smem:$0x0]  }
0xa6: {  	s5 =	sand.u32 $0xFFFFFFFE, s1  }
0xa7: {  	p0 =	sne.s32 s1, s5  }
0xa8: {  	s5 =	sshll.u32 @p0 s5, $0xE  }
0xa9: {  	s5 =	sadd.s32 @p0 $0x11B8D, s5;
	s6 =	sshll.u32 @p0 s4, $0x11  }
0xaa: {  	s5 =	sor.u32 @p0 s6, s5  }
0xab: {  	[sflag:s5] =	ssyncadd.remote.s32 @p0 $0x1;
	_ =	sdelay $0x1  }
0xac: {  	s5 =	simm.s32 @p0 $0x1B8D  }
0xad: {  	_ =	swait.eq @p0 [sflag:s5], $0x1  }
0xae: {  	[sflag:s5] =	ssyncadd.s32 @p0 $0xFFFFFFFF  }
0xaf: {  	s6 =	sshll.u32 @!p0 s1, $0xE  }
0xb0: {  	s6 =	sor.u32 @!p0 $0x4000, s6;
	s5 =	simm.s32 @!p0 $0x1B8D  }
0xb1: {  	s4 =	sshll.u32 @!p0 s4, $0x11;
	s6 =	sadd.s32 @!p0 $0x11B8D, s6;
	_ =	swait.eq @!p0 [sflag:s5], $0x1  }
0xb2: {  	s4 =	sor.u32 @!p0 s4, s6;
	[sflag:s5] =	ssyncadd.s32 @!p0 $0xFFFFFFFF  }
0xb3: {  	s25 =	simm.s32 $0x1B8E;
	s24 =	sld [smem:$0x3FFE];
	[sflag:s4] =	ssyncadd.remote.s32 @!p0 $0x1  }
0xb4: {  	s26 =	simm.s32 $execute0_lowered;
	[smem:$0x3FD2] =	sst s25  }
0xb5: {  	s5 =	sshll.u32 s26, $0x1;
	_ =	strace $0x80000055;
	[dreg:$0x1] =	wrdreg $0xFFFFFFFF  }
0xb6: {  	s28 =	simm.s32 $_size_execute0_lowered;
	s3 =	sadd.s32 s3, s5;
	[dreg:$0x0] =	wrdreg $0x0  }
0xb7: {  	s5 =	sshll.u32 s28, $0x1;
	[dreg:$0x2] =	wrdreg s3  }
0xb8: {  	[dreg:$0x3] =	wrdreg s5  }
0xb9: {  	[dreg:$0x4] =	wrdreg $0xC0  }
0xba: {  	_ =	task [dreg:s22], $0x5FFFF  }
0xbb: {  	[dreg:$0x1] =	wrdreg $0xFFFFFFFF  }
0xbc: {  	[dreg:$0x0] =	wrdreg $0x60  }
0xbd: {  	[dreg:$0x2] =	wrdreg s24  }
0xbe: {  	[dreg:$0x3] =	wrdreg $0xD  }
0xbf: {  	_ =	task.clear_ibuf [dreg:s22], $0x4FFFF;
	_ =	strace $0x90000055  }
0xc0: {  	s29 =	simm.s32 $0xD;
	_ =	strace $0x80000057  }
0xc1: {  	_ =	swait.ge [sflag:s29], $0x1  }
0xc2: {  	[sflag:s29] =	ssyncadd.s32 $0xFFFFFFFF  }
0xc3: {  	_ =	strace $0x90000057  }
0xc4: {  	_ =	sfence  }
0xc5: {  	s30 =	sld [smem:$0x0];
	_ =	sdelay $0x2  }
0xc6: {  	s31 =	sshll.u32 s1, $0xD;
	s1 =	sshrl.u32 s1, $0x2  }
0xc7: {  	s4 =	sand.u32 $0x4000, s31;
	s1 =	sadd.s32 s1, s30  }
0xc8: {  	s0 =	sor.u32 s4, s0;
	s1 =	sshll.u32 s1, $0x11  }
0xc9: {  	s0 =	sor.u32 s1, s0  }
0xca: {  	s0 =	sadd.s32 $0x8F2B, s0  }
0xcb: {  	[sflag:s0] =	ssyncadd.remote.s32 $0x1  }
0xcc: {  	_ =	sfence.sel $0xFFFF  }
0xcd: {  	[dreg:$0x0] =	wrdreg $0xFFFFFFFF;
	(pc) =	sbr.abs _section_cstart, $3  }
0xce: {  	[dreg:$0x1] =	wrdreg $0xFFFFFFFF  }
0xcf: {  	_ =	task.clear_ibuf [dreg:s22], $0x2FFFF;
	_ =	strace $0x9FFFFFFF  }
0xd0: {  	(tm) =	ssettm $0x7FFFFFFF  }
0xd1: {  	_ =	shalt  }
tec
execute0_lowered:
.L_overlay_start_1:
0x0: {  	(tag) =	ssettag $0x1  }
0x1: {  	s1 =	srdreg.scid  }
0x2: {  	s0 =	stileid.u32;
	s24 =	sand.u32 $0x1, s1  }
0x3: {  	s30 =	sshll.u32 s0, $0xA;
	s2 =	sshll.u32 s24, $0x9  }
0x4: {  	s21 =	rddreg [dreg:$0x0];
	s4 =	simm.s32 $0x200;
	s10 =	sor.u32 s2, s30  }
0x5: {  	s5 =	simm.s32 $0x4000;
	s2 =	simm.s32 $0x0;
	s3 =	sshrl.u32 s10, $0x3  }
0x6: {  	s6 =	simm.s32 $0x5;
	[smem:$0x7FF] =	sst s2;
	s3 =	sadd.s32 s3, s21  }
0x7: {  	s1 =	rddreg [dreg:$0x1];
	_ =	strace $0x80000056;
	s3 =	sadd.s32 $0x106600, s3  }
0x8: {  	[tilespmem:s2], [sflag:$0x5] =	stream.strided.gather [hbm4b:s3+s4], $0x800, s5, s4, $0x38;
	[tilespmem:$0x8800] =	vst v63  }
0x9: {  	_ =	swait.ge [sflag:s6], $0x800  }
0xa: {  	s9 =	simm.s32 $0x800;
	[sflag:s6] =	ssyncset.done $0x0  }
0xb: {  	s11 =	simm.s32 $0x1;
	s7 =	sadd.s32 $0x94DA00, s21;
	[sflag:s6] =	ssyncadd.s32 $0xFFFFF800  }
0xc: {  	[tilespmem:s9], [sflag:$0x1] =	stream.indirect.gather [hbm4b:s7+s4], $0x20, s2, s4, $0xb8;
	[tilespmem:$0x8800] =	vst v63  }
0xd: {  	s8 =	sadd.s32 $0x8EBE00, s21;
	s12 =	sshll.u32 s10, $0x4;
	s10 =	simm.s32 $0x4800  }
0xe: {  	[tilespmem:s10], [sflag:$0x2] =	stream.indirect.gather [hbm4b:s8+s4], $0x20, s4, s4, $0xb8;
	[tilespmem:$0x8800] =	vst v63  }
0xf: {  	s13 =	simm.s32 $0x20;
	_ =	swait.ge [sflag:s11], $0x4000  }
0x10: {  	s14 =	simm.s32 $0x80;
	s25 =	sadd.s32 s12, s21;
	[sflag:s11] =	ssyncset.done $0x0  }
0x11: {  	s15 =	simm.s32 $0x3;
	s12 =	sadd.s32 $0x9AF600, s25;
	[sflag:s11] =	ssyncadd.s32 $0xFFFFC000  }
0x12: {  	[hbm4b:s12+s13] =	stream.strided.scatter [tilespmem:s9], [sflag:$0x3], $0x4000, s14, s13, $0x38;
	[tilespmem:$0x8800] =	vst v63  }
0x13: {  	_ =	swait.ge [sflag:s15], $0x4000  }
0x14: {  	s17 =	simm.s32 $0x400;
	[sflag:s15] =	ssyncset.done $0x0  }
0x15: {  	s18 =	simm.s32 $0x2;
	s16 =	sadd.s32 $0x88A200, s21;
	[sflag:s15] =	ssyncadd.s32 $0xFFFFC000  }
0x16: {  	[tilespmem:s9], [sflag:$0x1] =	stream.indirect.gather [hbm4b:s16+s4], $0x20, s17, s4, $0xb8;
	[tilespmem:$0x8800] =	vst v63  }
0x17: {  	_ =	swait.ge [sflag:s18], $0x4000  }
0x18: {  	[sflag:s18] =	ssyncset.done $0x0  }
0x19: {  	s19 =	simm.s32 $0x4;
	s20 =	sadd.s32 $0x9AF604, s25;
	[sflag:s18] =	ssyncadd.s32 $0xFFFFC000  }
0x1a: {  	[hbm4b:s20+s13] =	stream.strided.scatter [tilespmem:s10], [sflag:$0x4], $0x4000, s14, s13, $0x38;
	[tilespmem:$0x8800] =	vst v63  }
0x1b: {  	_ =	swait.ge [sflag:s19], $0x4000  }
0x1c: {  	[sflag:s19] =	ssyncset.done $0x0  }
0x1d: {  	s22 =	simm.s32 $0x600;
	s21 =	sadd.s32 $0x828600, s21;
	[sflag:s19] =	ssyncadd.s32 $0xFFFFC000  }
0x1e: {  	[tilespmem:s10], [sflag:$0x2] =	stream.indirect.gather [hbm4b:s21+s4], $0x20, s22, s4, $0xb8;
	[tilespmem:$0x8800] =	vst v63  }
0x1f: {  	_ =	swait.ge [sflag:s11], $0x4000  }
0x20: {  	s26 =	ssub.s32 $0x2, s24;
	[sflag:s11] =	ssyncset.done $0x0  }
0x21: {  	s31 =	sshrl.u32 s26, $0x1;
	s23 =	sadd.s32 $0x9AF608, s25;
	[sflag:s11] =	ssyncadd.s32 $0xFFFFC000  }
0x22: {  	[hbm4b:s23+s13] =	stream.strided.scatter [tilespmem:s9], [sflag:$0x3], $0x4000, s14, s13, $0x38;
	[tilespmem:$0x8800] =	vst v63  }
0x23: {  	s24 =	sadd.s32 $0x9AF60C, s25;
	s25 =	ssub.s32 s26, s31;
	_ =	swait.ge [sflag:s18], $0x4000  }
0x24: {  	s25 =	smax.u32 s25, $0x1;
	[sflag:s18] =	ssyncset.done $0x0  }
0x25: {  	p0 =	sne.s32 s25, $0x1;
	[sflag:s18] =	ssyncadd.s32 $0xFFFFC000  }
0x26: {  	[hbm4b:s24+s13] =	stream.strided.scatter [tilespmem:s10], [sflag:$0x4], $0x4000, s14, s13, $0x38;
	[tilespmem:$0x8800] =	vst v63  }
.Ltmp0:
0x27: {  	_ =	swait.ge [sflag:s15], $0x4000;
	(pc) =	sbr.rel @!p0 .LBB2_2-.Ltmp0, $4  }
0x28: {  	[sflag:s15] =	ssyncset.done $0x0  }
0x29: {  	[sflag:s15] =	ssyncadd.s32 $0xFFFFC000  }
0x2a: {  	_ =	swait.ge [sflag:s19], $0x4000  }
0x2b: {  	s25 =	sadd.s32 $0xFFFFFFFF, s25;
	[sflag:s19] =	ssyncset.done $0x0  }
.LBB2_1:
0x2c: {  	p0 =	sne.s32 s25, $0x1;
	s25 =	sadd.s32 $0xFFFFFFFF, s25;
	[sflag:s19] =	ssyncadd.s32 $0xFFFFC000  }
0x2d: {  	[tilespmem:s2], [sflag:$0x5] =	stream.strided.gather [hbm4b:s3+s4], $0x800, s5, s4, $0x38;
	[tilespmem:$0x8800] =	vst v63  }
0x2e: {  	_ =	swait.ge [sflag:s6], $0x800  }
0x2f: {  	[sflag:s6] =	ssyncset.done $0x0  }
0x30: {  	[sflag:s6] =	ssyncadd.s32 $0xFFFFF800  }
0x31: {  	[tilespmem:s9], [sflag:$0x1] =	stream.indirect.gather [hbm4b:s7+s4], $0x20, s2, s4, $0xb8;
	[tilespmem:$0x8800] =	vst v63  }
0x32: {  	_ = 	snop  }
0x33: {  	[tilespmem:s10], [sflag:$0x2] =	stream.indirect.gather [hbm4b:s8+s4], $0x20, s4, s4, $0xb8;
	[tilespmem:$0x8800] =	vst v63  }
0x34: {  	_ =	swait.ge [sflag:s11], $0x4000  }
0x35: {  	[sflag:s11] =	ssyncset.done $0x0  }
0x36: {  	[sflag:s11] =	ssyncadd.s32 $0xFFFFC000  }
0x37: {  	[hbm4b:s12+s13] =	stream.strided.scatter [tilespmem:s9], [sflag:$0x3], $0x4000, s14, s13, $0x38;
	[tilespmem:$0x8800] =	vst v63  }
0x38: {  	_ =	swait.ge [sflag:s15], $0x4000  }
0x39: {  	[sflag:s15] =	ssyncset.done $0x0  }
0x3a: {  	[sflag:s15] =	ssyncadd.s32 $0xFFFFC000  }
0x3b: {  	[tilespmem:s9], [sflag:$0x1] =	stream.indirect.gather [hbm4b:s16+s4], $0x20, s17, s4, $0xb8;
	[tilespmem:$0x8800] =	vst v63  }
0x3c: {  	_ =	swait.ge [sflag:s18], $0x4000  }
0x3d: {  	[sflag:s18] =	ssyncset.done $0x0  }
0x3e: {  	[sflag:s18] =	ssyncadd.s32 $0xFFFFC000  }
0x3f: {  	[hbm4b:s20+s13] =	stream.strided.scatter [tilespmem:s10], [sflag:$0x4], $0x4000, s14, s13, $0x38;
	[tilespmem:$0x8800] =	vst v63  }
0x40: {  	_ =	swait.ge [sflag:s19], $0x4000  }
0x41: {  	[sflag:s19] =	ssyncset.done $0x0  }
0x42: {  	[sflag:s19] =	ssyncadd.s32 $0xFFFFC000  }
0x43: {  	[tilespmem:s10], [sflag:$0x2] =	stream.indirect.gather [hbm4b:s21+s4], $0x20, s22, s4, $0xb8;
	[tilespmem:$0x8800] =	vst v63  }
0x44: {  	_ =	swait.ge [sflag:s11], $0x4000  }
0x45: {  	[sflag:s11] =	ssyncset.done $0x0  }
0x46: {  	[sflag:s11] =	ssyncadd.s32 $0xFFFFC000  }
0x47: {  	[hbm4b:s23+s13] =	stream.strided.scatter [tilespmem:s9], [sflag:$0x3], $0x4000, s14, s13, $0x38;
	[tilespmem:$0x8800] =	vst v63  }
0x48: {  	_ =	swait.ge [sflag:s18], $0x4000  }
0x49: {  	[sflag:s18] =	ssyncset.done $0x0  }
0x4a: {  	[sflag:s18] =	ssyncadd.s32 $0xFFFFC000  }
0x4b: {  	[hbm4b:s24+s13] =	stream.strided.scatter [tilespmem:s10], [sflag:$0x4], $0x4000, s14, s13, $0x38;
	[tilespmem:$0x8800] =	vst v63  }
.Ltmp1:
0x4c: {  	_ =	swait.ge [sflag:s15], $0x4000;
	(pc) =	sbr.rel @p0 .LBB2_1-.Ltmp1, $4  }
0x4d: {  	[sflag:s15] =	ssyncset.done $0x0  }
0x4e: {  	[sflag:s15] =	ssyncadd.s32 $0xFFFFC000  }
0x4f: {  	_ =	swait.ge [sflag:s19], $0x4000  }
0x50: {  	[sflag:s19] =	ssyncset.done $0x0  }
.LBB2_2:
0x51: {  	[sflag:s19] =	ssyncadd.s32 $0xFFFFC000  }
0x52: {  	_ =	sfence.sel $0x180000  }
0x53: {  	[bflag:$0x0] =	sbarrier.arrive $0xFFFF  }
0x54: {  	p0 =	sne.s32 s0, $0x0;
	_ =	strace $0x90000056  }
0x55: {  	s0 =	sadd.s32 @!p0 $0x100000, s1;
	[bflag:$0x2] =	sbarrier.arrive $0xFFFF  }
0x56: {  	[sflag:s0] =	ssyncadd.tile.s32 @!p0 $0x1;
	_ =	shalt  }
.Lfunc_end2:
_tile_overlayer_lowered:
.L_overlay_start_2:
0x57: {  	(tag) =	ssettag $0x2  }
0x58: {  	s0 =	rddreg [dreg:$0x0];
	s2 =	stileid.u32  }
0x59: {  	s1 =	rddreg [dreg:$0x1];
	p0 =	sne.s32 s2, $0x0  }
0x5a: {  	s3 =	rddreg [dreg:$0x2];
	[bflag:$0x3] =	sbarrier.arrive $0xFFFF;
	s2 =	simm.s32 @!p0 $0x1C05  }
0x5b: {  	[timem:s3], [sflag:s2] =	dma.local @!p0 [hbm:s0], s1  }
0x5c: {  	s0 =	simm.s32 @!p0 $0x5  }
0x5d: {  	_ =	swait.ge @!p0 [sflag:s0], s1  }
0x5e: {  	s1 =	ssub.s32 @!p0 $0x0, s1;
	[sflag:s0] =	ssyncset.done @!p0 $0x0  }
0x5f: {  	[sflag:s0] =	ssyncadd.s32 @!p0 s1  }
0x60: {  	[bflag:$0x3] =	sbarrier.arrive $0xFFFF  }
0x61: {  	_ =	shalt  }

// kernel: _run.24.cloned.1.call-start
scs
__scs_entry_jumppad:
0x0: {  	(pc) =	sbr.rel $0x88, $3  }
0x1: {  	(tag) =	ssettag $0x0;
	lr =	simm.s32 $0x1  }
0x2: {  	[smem:$0x3F86] =	sst lr;
	_ =	strace $0xD0000000  }
0x3: {  	_ = 	snop  }
0x4: {  	_ = 	snop  }
0x5: {  	_ = 	snop  }
0x6: {  	_ = 	snop  }
0x7: {  	_ = 	snop  }
__scs_overlays_trampoline_lowered:
0x8: {  	[smem:$0x3F95] =	sst s0  }
0x9: {  	[smem:$0x3F96] =	sst s1  }
0xa: {  	[smem:$0x3F97] =	sst s2  }
0xb: {  	[smem:$0x3F98] =	sst s3  }
0xc: {  	[smem:$0x3F99] =	sst s4  }
0xd: {  	[smem:$0x3F9A] =	sst s5  }
0xe: {  	[smem:$0x3F9B] =	sst s6  }
0xf: {  	[smem:$0x3F9C] =	sst s7  }
0x10: {  	[smem:$0x3F9D] =	sst s8  }
0x11: {  	[smem:$0x3F9E] =	sst s9;
	s0 =	simm.s32 @!p0 $0x0  }
0x12: {  	s1 =	sld [smem:$0x3F84];
	s0 =	simm.s32 @p0 $0x1  }
0x13: {  	[smem:$0x3F9F] =	sst s0;
	s0 =	simm.s32 @!p1 $0x0  }
0x14: {  	s2 =	sld [smem:$0x3F83];
	s0 =	simm.s32 @p1 $0x1  }
0x15: {  	[smem:$0x3FA0] =	sst s0;
	s0 =	simm.s32 @!p2 $0x0  }
0x16: {  	s3 =	sld [smem:$0x3FDB];
	s0 =	simm.s32 @p2 $0x1  }
0x17: {  	s4 =	simm.s32 $0x1BF5;
	[smem:$0x3FA2] =	sst s0  }
0x18: {  	s0 =	sld [smem:$0x3F85];
	_ =	swait.ge [sflag:s4], $0x0  }
0x19: {  	s7 =	sld [smem:$0x3F86]  }
0x1a: {  	s8 =	sadd.s32 $0xFFFFE003, lr  }
0x1b: {  	s9 =	sadd.s32 $0xFFFFFEF7, lr;
	s5 =	simm.s32 $0xFFFFFFFF;
	p2 =	slt.u32 s8, $0xFFFFF086  }
0x1c: {  	p1 =	slt.u32 s9, $0xF7A;
	s5 =	simm.s32 @!p2 $0x0  }
0x1d: {  	s5 =	simm.s32 @p1 $0x1;
	p0 =	seq.s32 s7, s2  }
0x1e: {  	s7 =	smul.u32 @!p0 $0xF7A, s2;
	p2 =	seq.s32 @!p0 s5, $0x0  }
0x1f: {  	s9 =	smul.u32 $0xF7A, s1;
	s8 =	simm.s32 @!p0 $0x1BF5;
	p2 =	por !p2, p0  }
0x20: {  	[sflag:s8] =	ssyncset.s32 @!p0 $0xFFFFF086;
	s6 =	sadd.s32 @!p0 s3, s7;
	s7 =	simm.s32 @!p0 $0x108  }
0x21: {  	s3 =	sadd.s32 s3, s9;
	s6 =	sadd.s32 @!p0 $0x88, s6;
	s7 =	simm.s32 @p2 $0x1082  }
0x22: {  	[simem:s7], [sflag:s8] =	dma.local @!p0 [hbm:s6], $0xF7A  }
0x23: {  	s9 =	sor.u32 $0xD0000000, s2;
	s6 =	simm.s32 $0x108;
	_ =	swait.ge @!p0 [sflag:s8], $0x0  }
0x24: {  	s3 =	sadd.s32 $0x88, s3;
	s6 =	simm.s32 @!p1 $0x1082;
	[sflag:s4] =	ssyncset.s32 $0xFFFFF086  }
0x25: {  	[simem:s6], [sflag:s4] =	dma.local [hbm:s3], $0xF7A  }
0x26: {  	[smem:$0x3F86] =	sst s1;
	(tag) =	ssettag s2;
	_ =	strace s9  }
0x27: {  	s1 =	sld [smem:$0x3F96]  }
0x28: {  	s2 =	sld [smem:$0x3F97]  }
0x29: {  	s4 =	sld [smem:$0x3F99]  }
0x2a: {  	p0 =	seq.s32 s5, $0x0;
	s5 =	sld [smem:$0x3F9A]  }
0x2b: {  	s6 =	sld [smem:$0x3F9B]  }
0x2c: {  	s7 =	sld [smem:$0x3F9C]  }
0x2d: {  	s3 =	simm.s32 $0x108;
	s8 =	sld [smem:$0x3F9D]  }
0x2e: {  	s3 =	simm.s32 @!p0 $0x1082;
	s9 =	sld [smem:$0x3F9E]  }
0x2f: {  	lr =	sadd.s32 s0, s3;
	s0 =	sld [smem:$0x3F95]  }
0x30: {  	s3 =	sld [smem:$0x3F98]  }
0x31: {  	[smem:$0x3FA1] =	sst s10  }
0x32: {  	s10 =	sld [smem:$0x3F9F];
	_ =	sdelay $0x3  }
0x33: {  	p0 =	seq.s32 s10, $0x1;
	s10 =	sld [smem:$0x3FA1];
	_ =	sdelay $0x3  }
0x34: {  	[smem:$0x3FA1] =	sst s10  }
0x35: {  	s10 =	sld [smem:$0x3FA0];
	_ =	sdelay $0x3  }
0x36: {  	p1 =	seq.s32 s10, $0x1;
	s10 =	sld [smem:$0x3FA1];
	_ =	sdelay $0x3  }
0x37: {  	[smem:$0x3FA1] =	sst s10  }
0x38: {  	s10 =	sld [smem:$0x3FA2]  }
0x39: {  	_ = 	snop;
	(pc) =	sbr.ind lr, $3  }
0x3a: {  	_ = 	snop  }
0x3b: {  	_ = 	snop  }
0x3c: {  	p2 =	seq.s32 s10, $0x1;
	s10 =	sld [smem:$0x3FA1]  }
0x3d: {  	_ =	shalt  }
0x3e: {  	_ =	shalt  }
0x3f: {  	_ =	shalt  }
0x40: {  	_ =	shalt  }
0x41: {  	_ =	shalt  }
0x42: {  	_ =	shalt  }
0x43: {  	_ =	shalt  }
0x44: {  	_ =	shalt  }
0x45: {  	_ =	shalt  }
0x46: {  	_ =	shalt  }
0x47: {  	_ =	shalt  }
0x48: {  	_ =	shalt  }
0x49: {  	_ =	shalt  }
0x4a: {  	_ =	shalt  }
0x4b: {  	_ =	shalt  }
0x4c: {  	_ =	shalt  }
0x4d: {  	_ =	shalt  }
0x4e: {  	_ =	shalt  }
0x4f: {  	_ =	shalt  }
0x50: {  	_ =	shalt  }
0x51: {  	_ =	shalt  }
0x52: {  	_ =	shalt  }
0x53: {  	_ =	shalt  }
0x54: {  	_ =	shalt  }
0x55: {  	_ =	shalt  }
0x56: {  	_ =	shalt  }
0x57: {  	_ =	shalt  }
0x58: {  	_ =	shalt  }
0x59: {  	_ =	shalt  }
0x5a: {  	_ =	shalt  }
0x5b: {  	_ =	shalt  }
0x5c: {  	_ =	shalt  }
0x5d: {  	_ =	shalt  }
0x5e: {  	_ =	shalt  }
0x5f: {  	_ =	shalt  }
0x60: {  	_ =	shalt  }
0x61: {  	_ =	shalt  }
0x62: {  	_ =	shalt  }
0x63: {  	_ =	shalt  }
0x64: {  	_ =	shalt  }
0x65: {  	_ =	shalt  }
0x66: {  	_ =	shalt  }
0x67: {  	_ =	shalt  }
0x68: {  	_ =	shalt  }
0x69: {  	_ =	shalt  }
0x6a: {  	_ =	shalt  }
0x6b: {  	_ =	shalt  }
0x6c: {  	_ =	shalt  }
0x6d: {  	_ =	shalt  }
0x6e: {  	_ =	shalt  }
0x6f: {  	_ =	shalt  }
0x70: {  	_ =	shalt  }
0x71: {  	_ =	shalt  }
0x72: {  	_ =	shalt  }
0x73: {  	_ =	shalt  }
0x74: {  	_ =	shalt  }
0x75: {  	_ =	shalt  }
0x76: {  	_ =	shalt  }
0x77: {  	_ =	shalt  }
0x78: {  	_ =	shalt  }
0x79: {  	_ =	shalt  }
0x7a: {  	_ =	shalt  }
0x7b: {  	_ =	shalt  }
0x7c: {  	_ =	shalt  }
0x7d: {  	_ =	shalt  }
0x7e: {  	_ =	shalt  }
0x7f: {  	_ =	shalt  }
0x80: {  	_ =	shalt  }
0x81: {  	_ =	shalt  }
0x82: {  	_ =	shalt  }
0x83: {  	_ =	shalt  }
0x84: {  	_ =	shalt  }
0x85: {  	_ =	shalt  }
0x86: {  	_ =	shalt  }
0x87: {  	_ =	shalt  }
.Lfunc_end0:
.L_simem_size_0:
called_computation.6_lowered:
.L_overlay_start_0:
0x88: {  	s2 =	sld [smem:$0x3FD9]  }
0x89: {  	s3 =	sld [smem:$0x3FFE];
	_ =	sdelay $0x1  }
0x8a: {  	s1 =	srdreg.scid  }
0x8b: {  	s0 =	sand.u32 $0x1, s1  }
0x8c: {  	s17 =	sshll.u32 s0, $0xA;
	s2 =	sadd.s32 s3, s2  }
0x8d: {  	s2 =	sadd.s32 s2, s17  }
0x8e: {  	[smem:$0x3FAD] =	sst s2  }
0x8f: {  	_ = 	snop  }
0x90: {  	s18 =	sld [smem:$0x3FD0];
	(tm) =	ssettm $0x1  }
0x91: {  	s19 =	sld [smem:$0x3FFB];
	_ =	sdelay $0x3  }
0x92: {  	_ =	strace s19  }
0x93: {  	s2 =	sld [smem:$0x3FFC];
	_ =	sdelay $0x3  }
0x94: {  	_ =	strace s2  }
0x95: {  	s2 =	sld [smem:$0x3FFD];
	_ =	sdelay $0x3  }
0x96: {  	_ =	strace s2  }
0x97: {  	_ =	strace $0x8FFFFFFF  }
0x98: {  	s20 =	sld [smem:$0x3FDB];
	_ =	sdelay $0x1  }
0x99: {  	s4 =	simm.s32 $_scs_section_size  }
0x9a: {  	s5 =	simm.s32 $_size__tile_overlayer_lowered;
	s6 =	simm.s32 $_tile_overlayer_lowered  }
0x9b: {  	s7 =	simm.s32 $0x1BFF;
	s21 =	sshll.u32 s6, $0x1;
	s4 =	sadd.s32 s4, s20  }
0x9c: {  	s22 =	simm.s32 $0x0;
	s5 =	sshll.u32 s5, $0x1;
	s6 =	sadd.s32 s21, s4  }
0x9d: {  	[timem:s22], [sflag:s7] =	dma.local [hbm:s6], s5  }
0x9e: {  	_ =	swait.ge [sflag:s7], s5  }
0x9f: {  	s5 =	ssub.s32 $0x0, s5;
	[sflag:s7] =	ssyncset.done $0x0  }
0xa0: {  	[sflag:s7] =	ssyncadd.s32 s5;
	_ =	sdelay $0x1  }
0xa1: {  	s23 =	simm.s32 $0x1B8B  }
0xa2: {  	_ =	swait.ge [sflag:s23], $0x1  }
0xa3: {  	[sflag:s23] =	ssyncset.done $0x0  }
0xa4: {  	[sflag:s23] =	ssyncadd.s32 $0xFFFFFFFF  }
0xa5: {  	s5 =	sld [smem:$0x0]  }
0xa6: {  	s6 =	sand.u32 $0xFFFFFFFE, s1  }
0xa7: {  	p0 =	sne.s32 s1, s6  }
0xa8: {  	s6 =	sshll.u32 @p0 s6, $0xE  }
0xa9: {  	s6 =	sadd.s32 @p0 $0x11B8D, s6;
	s7 =	sshll.u32 @p0 s5, $0x11  }
0xaa: {  	s6 =	sor.u32 @p0 s7, s6  }
0xab: {  	[sflag:s6] =	ssyncadd.remote.s32 @p0 $0x1;
	_ =	sdelay $0x1  }
0xac: {  	s6 =	simm.s32 @p0 $0x1B8D  }
0xad: {  	_ =	swait.eq @p0 [sflag:s6], $0x1  }
0xae: {  	[sflag:s6] =	ssyncadd.s32 @p0 $0xFFFFFFFF  }
0xaf: {  	s7 =	sshll.u32 @!p0 s1, $0xE  }
0xb0: {  	s7 =	sor.u32 @!p0 $0x4000, s7;
	s6 =	simm.s32 @!p0 $0x1B8D  }
0xb1: {  	s5 =	sshll.u32 @!p0 s5, $0x11;
	s7 =	sadd.s32 @!p0 $0x11B8D, s7;
	_ =	swait.eq @!p0 [sflag:s6], $0x1  }
0xb2: {  	s5 =	sor.u32 @!p0 s5, s7;
	[sflag:s6] =	ssyncadd.s32 @!p0 $0xFFFFFFFF  }
0xb3: {  	s25 =	simm.s32 $0x1B8E;
	s24 =	sld [smem:$0x3FFE];
	[sflag:s5] =	ssyncadd.remote.s32 @!p0 $0x1  }
0xb4: {  	s26 =	simm.s32 $execute0_lowered;
	[smem:$0x3FD2] =	sst s25  }
0xb5: {  	s6 =	sshll.u32 s26, $0x1;
	_ =	strace $0x80000058;
	[dreg:$0x1] =	wrdreg $0xFFFFFFFF  }
0xb6: {  	s28 =	simm.s32 $_size_execute0_lowered;
	s4 =	sadd.s32 s4, s6;
	[dreg:$0x0] =	wrdreg $0x0  }
0xb7: {  	s6 =	sshll.u32 s28, $0x1;
	[dreg:$0x2] =	wrdreg s4  }
0xb8: {  	[dreg:$0x3] =	wrdreg s6  }
0xb9: {  	[dreg:$0x4] =	wrdreg $0xC0  }
0xba: {  	_ =	task [dreg:s22], $0x5FFFF  }
0xbb: {  	[dreg:$0x1] =	wrdreg $0xFFFFFFFF  }
0xbc: {  	[dreg:$0x0] =	wrdreg $0x60  }
0xbd: {  	[dreg:$0x2] =	wrdreg s24  }
0xbe: {  	[dreg:$0x3] =	wrdreg s18  }
0xbf: {  	[dreg:$0x4] =	wrdreg $0xE  }
0xc0: {  	_ =	task.clear_ibuf [dreg:s22], $0x5FFFF;
	_ =	strace $0x90000058  }
0xc1: {  	s29 =	simm.s32 $0xE;
	_ =	strace $0x8000005A  }
0xc2: {  	_ =	swait.ge [sflag:s29], $0x1  }
0xc3: {  	[sflag:s29] =	ssyncadd.s32 $0xFFFFFFFF  }
0xc4: {  	_ =	strace $0x9000005A  }
0xc5: {  	_ =	sfence  }
0xc6: {  	s30 =	sld [smem:$0x0];
	_ =	sdelay $0x2  }
0xc7: {  	s31 =	sshll.u32 s1, $0xD;
	s1 =	sshrl.u32 s1, $0x2  }
0xc8: {  	s4 =	sand.u32 $0x4000, s31;
	s1 =	sadd.s32 s1, s30  }
0xc9: {  	s0 =	sor.u32 s4, s0;
	s1 =	sshll.u32 s1, $0x11  }
0xca: {  	s0 =	sor.u32 s1, s0  }
0xcb: {  	s0 =	sadd.s32 $0x8F2B, s0  }
0xcc: {  	[sflag:s0] =	ssyncadd.remote.s32 $0x1  }
0xcd: {  	_ =	sfence.sel $0xFFFF  }
0xce: {  	[dreg:$0x0] =	wrdreg $0xFFFFFFFF;
	(pc) =	sbr.abs _section_cstart, $3  }
0xcf: {  	[dreg:$0x1] =	wrdreg $0xFFFFFFFF  }
0xd0: {  	_ =	task.clear_ibuf [dreg:s22], $0x2FFFF;
	_ =	strace $0x9FFFFFFF  }
0xd1: {  	(tm) =	ssettm $0x7FFFFFFF  }
tec
execute0_lowered:
.L_overlay_start_1:
0x0: {  	(tag) =	ssettag $0x1  }
0x1: {  	s1 =	srdreg.scid  }
0x2: {  	s0 =	stileid.u32;
	s24 =	sand.u32 $0x1, s1  }
0x3: {  	s21 =	rddreg [dreg:$0x0];
	s31 =	sshll.u32 s0, $0xA;
	s2 =	sshll.u32 s24, $0x9  }
0x4: {  	s12 =	rddreg [dreg:$0x1];
	s4 =	simm.s32 $0x200;
	s13 =	sor.u32 s2, s31  }
0x5: {  	s5 =	simm.s32 $0x4000;
	s2 =	simm.s32 $0x0;
	s3 =	sshrl.u32 s13, $0x3  }
0x6: {  	s6 =	simm.s32 $0x5;
	[smem:$0x7FF] =	sst s2;
	s3 =	sadd.s32 s3, s21  }
0x7: {  	s1 =	rddreg [dreg:$0x2];
	_ =	strace $0x80000059;
	s3 =	sadd.s32 $0x108600, s3  }
0x8: {  	[tilespmem:s2], [sflag:$0x5] =	stream.strided.gather [hbm4b:s3+s4], $0x800, s5, s4, $0x38;
	[tilespmem:$0x8800] =	vst v63  }
0x9: {  	_ =	swait.ge [sflag:s6], $0x800  }
0xa: {  	[sflag:s6] =	ssyncset.done $0x0  }
0xb: {  	s8 =	simm.s32 $0x800;
	s7 =	sadd.s32 $0xB14A00, s21;
	[sflag:s6] =	ssyncadd.s32 $0xFFFFF800  }
0xc: {  	[tilespmem:s8], [sflag:$0x1] =	stream.indirect.gather [hbm4b:s7+s4], $0x20, s2, s4, $0xb8;
	[tilespmem:$0x8800] =	vst v63  }
0xd: {  	s10 =	simm.s32 $0x4800;
	s11 =	simm.s32 $0x1;
	s9 =	sadd.s32 $0xAB2E00, s21  }
0xe: {  	[tilespmem:s10], [sflag:$0x2] =	stream.indirect.gather [hbm4b:s9+s4], $0x20, s4, s4, $0xb8;
	[tilespmem:$0x8800] =	vst v63  }
0xf: {  	s14 =	simm.s32 $0x80;
	_ =	swait.ge [sflag:s11], $0x4000  }
0x10: {  	s15 =	simm.s32 $0x3;
	s13 =	sshll.u32 s13, $0x4;
	[sflag:s11] =	ssyncset.done $0x0  }
0x11: {  	s12 =	sadd.s32 s12, s13;
	s13 =	simm.s32 $0x20;
	[sflag:s11] =	ssyncadd.s32 $0xFFFFC000  }
0x12: {  	[hbm4b:s12+s13] =	stream.strided.scatter [tilespmem:s8], [sflag:$0x3], $0x4000, s14, s13, $0x38;
	[tilespmem:$0x8800] =	vst v63  }
0x13: {  	_ =	swait.ge [sflag:s15], $0x4000  }
0x14: {  	s17 =	simm.s32 $0x400;
	[sflag:s15] =	ssyncset.done $0x0  }
0x15: {  	s18 =	simm.s32 $0x2;
	s16 =	sadd.s32 $0xA51200, s21;
	[sflag:s15] =	ssyncadd.s32 $0xFFFFC000  }
0x16: {  	[tilespmem:s8], [sflag:$0x1] =	stream.indirect.gather [hbm4b:s16+s4], $0x20, s17, s4, $0xb8;
	[tilespmem:$0x8800] =	vst v63  }
0x17: {  	_ =	swait.ge [sflag:s18], $0x4000  }
0x18: {  	[sflag:s18] =	ssyncset.done $0x0  }
0x19: {  	s19 =	simm.s32 $0x4;
	s20 =	sadd.s32 $0x4, s12;
	[sflag:s18] =	ssyncadd.s32 $0xFFFFC000  }
0x1a: {  	[hbm4b:s20+s13] =	stream.strided.scatter [tilespmem:s10], [sflag:$0x4], $0x4000, s14, s13, $0x38;
	[tilespmem:$0x8800] =	vst v63  }
0x1b: {  	_ =	swait.ge [sflag:s19], $0x4000  }
0x1c: {  	[sflag:s19] =	ssyncset.done $0x0  }
0x1d: {  	s22 =	simm.s32 $0x600;
	s21 =	sadd.s32 $0x9EF600, s21;
	[sflag:s19] =	ssyncadd.s32 $0xFFFFC000  }
0x1e: {  	[tilespmem:s10], [sflag:$0x2] =	stream.indirect.gather [hbm4b:s21+s4], $0x20, s22, s4, $0xb8;
	[tilespmem:$0x8800] =	vst v63  }
0x1f: {  	_ =	swait.ge [sflag:s11], $0x4000  }
0x20: {  	s25 =	ssub.s32 $0x2, s24;
	[sflag:s11] =	ssyncset.done $0x0  }
0x21: {  	s26 =	sshrl.u32 s25, $0x1;
	s23 =	sadd.s32 $0x8, s12;
	[sflag:s11] =	ssyncadd.s32 $0xFFFFC000  }
0x22: {  	[hbm4b:s23+s13] =	stream.strided.scatter [tilespmem:s8], [sflag:$0x3], $0x4000, s14, s13, $0x38;
	[tilespmem:$0x8800] =	vst v63  }
0x23: {  	s25 =	ssub.s32 s25, s26;
	_ =	swait.ge [sflag:s18], $0x4000  }
0x24: {  	s25 =	smax.u32 s25, $0x1;
	[sflag:s18] =	ssyncset.done $0x0  }
0x25: {  	s24 =	sadd.s32 $0xC, s12;
	p0 =	sne.s32 s25, $0x1;
	[sflag:s18] =	ssyncadd.s32 $0xFFFFC000  }
0x26: {  	[hbm4b:s24+s13] =	stream.strided.scatter [tilespmem:s10], [sflag:$0x4], $0x4000, s14, s13, $0x38;
	[tilespmem:$0x8800] =	vst v63  }
.Ltmp0:
0x27: {  	_ =	swait.ge [sflag:s15], $0x4000;
	(pc) =	sbr.rel @!p0 .LBB2_2-.Ltmp0, $4  }
0x28: {  	[sflag:s15] =	ssyncset.done $0x0  }
0x29: {  	[sflag:s15] =	ssyncadd.s32 $0xFFFFC000  }
0x2a: {  	_ =	swait.ge [sflag:s19], $0x4000  }
0x2b: {  	s25 =	sadd.s32 $0xFFFFFFFF, s25;
	[sflag:s19] =	ssyncset.done $0x0  }
.LBB2_1:
0x2c: {  	p0 =	sne.s32 s25, $0x1;
	s25 =	sadd.s32 $0xFFFFFFFF, s25;
	[sflag:s19] =	ssyncadd.s32 $0xFFFFC000  }
0x2d: {  	[tilespmem:s2], [sflag:$0x5] =	stream.strided.gather [hbm4b:s3+s4], $0x800, s5, s4, $0x38;
	[tilespmem:$0x8800] =	vst v63  }
0x2e: {  	_ =	swait.ge [sflag:s6], $0x800  }
0x2f: {  	[sflag:s6] =	ssyncset.done $0x0  }
0x30: {  	[sflag:s6] =	ssyncadd.s32 $0xFFFFF800  }
0x31: {  	[tilespmem:s8], [sflag:$0x1] =	stream.indirect.gather [hbm4b:s7+s4], $0x20, s2, s4, $0xb8;
	[tilespmem:$0x8800] =	vst v63  }
0x32: {  	_ = 	snop  }
0x33: {  	[tilespmem:s10], [sflag:$0x2] =	stream.indirect.gather [hbm4b:s9+s4], $0x20, s4, s4, $0xb8;
	[tilespmem:$0x8800] =	vst v63  }
0x34: {  	_ =	swait.ge [sflag:s11], $0x4000  }
0x35: {  	[sflag:s11] =	ssyncset.done $0x0  }
0x36: {  	[sflag:s11] =	ssyncadd.s32 $0xFFFFC000  }
0x37: {  	[hbm4b:s12+s13] =	stream.strided.scatter [tilespmem:s8], [sflag:$0x3], $0x4000, s14, s13, $0x38;
	[tilespmem:$0x8800] =	vst v63  }
0x38: {  	_ =	swait.ge [sflag:s15], $0x4000  }
0x39: {  	[sflag:s15] =	ssyncset.done $0x0  }
0x3a: {  	[sflag:s15] =	ssyncadd.s32 $0xFFFFC000  }
0x3b: {  	[tilespmem:s8], [sflag:$0x1] =	stream.indirect.gather [hbm4b:s16+s4], $0x20, s17, s4, $0xb8;
	[tilespmem:$0x8800] =	vst v63  }
0x3c: {  	_ =	swait.ge [sflag:s18], $0x4000  }
0x3d: {  	[sflag:s18] =	ssyncset.done $0x0  }
0x3e: {  	[sflag:s18] =	ssyncadd.s32 $0xFFFFC000  }
0x3f: {  	[hbm4b:s20+s13] =	stream.strided.scatter [tilespmem:s10], [sflag:$0x4], $0x4000, s14, s13, $0x38;
	[tilespmem:$0x8800] =	vst v63  }
0x40: {  	_ =	swait.ge [sflag:s19], $0x4000  }
0x41: {  	[sflag:s19] =	ssyncset.done $0x0  }
0x42: {  	[sflag:s19] =	ssyncadd.s32 $0xFFFFC000  }
0x43: {  	[tilespmem:s10], [sflag:$0x2] =	stream.indirect.gather [hbm4b:s21+s4], $0x20, s22, s4, $0xb8;
	[tilespmem:$0x8800] =	vst v63  }
0x44: {  	_ =	swait.ge [sflag:s11], $0x4000  }
0x45: {  	[sflag:s11] =	ssyncset.done $0x0  }
0x46: {  	[sflag:s11] =	ssyncadd.s32 $0xFFFFC000  }
0x47: {  	[hbm4b:s23+s13] =	stream.strided.scatter [tilespmem:s8], [sflag:$0x3], $0x4000, s14, s13, $0x38;
	[tilespmem:$0x8800] =	vst v63  }
0x48: {  	_ =	swait.ge [sflag:s18], $0x4000  }
0x49: {  	[sflag:s18] =	ssyncset.done $0x0  }
0x4a: {  	[sflag:s18] =	ssyncadd.s32 $0xFFFFC000  }
0x4b: {  	[hbm4b:s24+s13] =	stream.strided.scatter [tilespmem:s10], [sflag:$0x4], $0x4000, s14, s13, $0x38;
	[tilespmem:$0x8800] =	vst v63  }
.Ltmp1:
0x4c: {  	_ =	swait.ge [sflag:s15], $0x4000;
	(pc) =	sbr.rel @p0 .LBB2_1-.Ltmp1, $4  }
0x4d: {  	[sflag:s15] =	ssyncset.done $0x0  }
0x4e: {  	[sflag:s15] =	ssyncadd.s32 $0xFFFFC000  }
0x4f: {  	_ =	swait.ge [sflag:s19], $0x4000  }
0x50: {  	[sflag:s19] =	ssyncset.done $0x0  }
.LBB2_2:
0x51: {  	[sflag:s19] =	ssyncadd.s32 $0xFFFFC000  }
0x52: {  	_ =	sfence.sel $0x180000  }
0x53: {  	[bflag:$0x0] =	sbarrier.arrive $0xFFFF  }
0x54: {  	p0 =	sne.s32 s0, $0x0;
	_ =	strace $0x90000059  }
0x55: {  	s0 =	sadd.s32 @!p0 $0x100000, s1;
	[bflag:$0x2] =	sbarrier.arrive $0xFFFF  }
0x56: {  	[sflag:s0] =	ssyncadd.tile.s32 @!p0 $0x1;
	_ =	shalt  }
.Lfunc_end2:
_tile_overlayer_lowered:
.L_overlay_start_2:
0x57: {  	(tag) =	ssettag $0x2  }
0x58: {  	s0 =	rddreg [dreg:$0x0];
	s2 =	stileid.u32  }
0x59: {  	s1 =	rddreg [dreg:$0x1];
	p0 =	sne.s32 s2, $0x0  }
0x5a: {  	s3 =	rddreg [dreg:$0x2];
	[bflag:$0x3] =	sbarrier.arrive $0xFFFF;
	s2 =	simm.s32 @!p0 $0x1C05  }
0x5b: {  	[timem:s3], [sflag:s2] =	dma.local @!p0 [hbm:s0], s1  }
0x5c: {  	s0 =	simm.s32 @!p0 $0x5  }
0x5d: {  	_ =	swait.ge @!p0 [sflag:s0], s1  }
0x5e: {  	s1 =	ssub.s32 @!p0 $0x0, s1;
	[sflag:s0] =	ssyncset.done @!p0 $0x0  }
0x5f: {  	[sflag:s0] =	ssyncadd.s32 @!p0 s1  }
0x60: {  	[bflag:$0x3] =	sbarrier.arrive $0xFFFF  }
0x61: {  	_ =	shalt  }

// kernel: _run.27.cloned.1.call-start
scs
__scs_entry_jumppad:
0x0: {  	(pc) =	sbr.rel $0x88, $3  }
0x1: {  	(tag) =	ssettag $0x0;
	lr =	simm.s32 $0x1  }
0x2: {  	[smem:$0x3F86] =	sst lr;
	_ =	strace $0xD0000000  }
0x3: {  	_ = 	snop  }
0x4: {  	_ = 	snop  }
0x5: {  	_ = 	snop  }
0x6: {  	_ = 	snop  }
0x7: {  	_ = 	snop  }
__scs_overlays_trampoline_lowered:
0x8: {  	[smem:$0x3F95] =	sst s0  }
0x9: {  	[smem:$0x3F96] =	sst s1  }
0xa: {  	[smem:$0x3F97] =	sst s2  }
0xb: {  	[smem:$0x3F98] =	sst s3  }
0xc: {  	[smem:$0x3F99] =	sst s4  }
0xd: {  	[smem:$0x3F9A] =	sst s5  }
0xe: {  	[smem:$0x3F9B] =	sst s6  }
0xf: {  	[smem:$0x3F9C] =	sst s7  }
0x10: {  	[smem:$0x3F9D] =	sst s8  }
0x11: {  	[smem:$0x3F9E] =	sst s9;
	s0 =	simm.s32 @!p0 $0x0  }
0x12: {  	s1 =	sld [smem:$0x3F84];
	s0 =	simm.s32 @p0 $0x1  }
0x13: {  	[smem:$0x3F9F] =	sst s0;
	s0 =	simm.s32 @!p1 $0x0  }
0x14: {  	s2 =	sld [smem:$0x3F83];
	s0 =	simm.s32 @p1 $0x1  }
0x15: {  	[smem:$0x3FA0] =	sst s0;
	s0 =	simm.s32 @!p2 $0x0  }
0x16: {  	s3 =	sld [smem:$0x3FDB];
	s0 =	simm.s32 @p2 $0x1  }
0x17: {  	s4 =	simm.s32 $0x1BF5;
	[smem:$0x3FA2] =	sst s0  }
0x18: {  	s0 =	sld [smem:$0x3F85];
	_ =	swait.ge [sflag:s4], $0x0  }
0x19: {  	s7 =	sld [smem:$0x3F86]  }
0x1a: {  	s8 =	sadd.s32 $0xFFFFE003, lr  }
0x1b: {  	s9 =	sadd.s32 $0xFFFFFEF7, lr;
	s5 =	simm.s32 $0xFFFFFFFF;
	p2 =	slt.u32 s8, $0xFFFFF086  }
0x1c: {  	p1 =	slt.u32 s9, $0xF7A;
	s5 =	simm.s32 @!p2 $0x0  }
0x1d: {  	s5 =	simm.s32 @p1 $0x1;
	p0 =	seq.s32 s7, s2  }
0x1e: {  	s7 =	smul.u32 @!p0 $0xF7A, s2;
	p2 =	seq.s32 @!p0 s5, $0x0  }
0x1f: {  	s9 =	smul.u32 $0xF7A, s1;
	s8 =	simm.s32 @!p0 $0x1BF5;
	p2 =	por !p2, p0  }
0x20: {  	[sflag:s8] =	ssyncset.s32 @!p0 $0xFFFFF086;
	s6 =	sadd.s32 @!p0 s3, s7;
	s7 =	simm.s32 @!p0 $0x108  }
0x21: {  	s3 =	sadd.s32 s3, s9;
	s6 =	sadd.s32 @!p0 $0x88, s6;
	s7 =	simm.s32 @p2 $0x1082  }
0x22: {  	[simem:s7], [sflag:s8] =	dma.local @!p0 [hbm:s6], $0xF7A  }
0x23: {  	s9 =	sor.u32 $0xD0000000, s2;
	s6 =	simm.s32 $0x108;
	_ =	swait.ge @!p0 [sflag:s8], $0x0  }
0x24: {  	s3 =	sadd.s32 $0x88, s3;
	s6 =	simm.s32 @!p1 $0x1082;
	[sflag:s4] =	ssyncset.s32 $0xFFFFF086  }
0x25: {  	[simem:s6], [sflag:s4] =	dma.local [hbm:s3], $0xF7A  }
0x26: {  	[smem:$0x3F86] =	sst s1;
	(tag) =	ssettag s2;
	_ =	strace s9  }
0x27: {  	s1 =	sld [smem:$0x3F96]  }
0x28: {  	s2 =	sld [smem:$0x3F97]  }
0x29: {  	s4 =	sld [smem:$0x3F99]  }
0x2a: {  	p0 =	seq.s32 s5, $0x0;
	s5 =	sld [smem:$0x3F9A]  }
0x2b: {  	s6 =	sld [smem:$0x3F9B]  }
0x2c: {  	s7 =	sld [smem:$0x3F9C]  }
0x2d: {  	s3 =	simm.s32 $0x108;
	s8 =	sld [smem:$0x3F9D]  }
0x2e: {  	s3 =	simm.s32 @!p0 $0x1082;
	s9 =	sld [smem:$0x3F9E]  }
0x2f: {  	lr =	sadd.s32 s0, s3;
	s0 =	sld [smem:$0x3F95]  }
0x30: {  	s3 =	sld [smem:$0x3F98]  }
0x31: {  	[smem:$0x3FA1] =	sst s10  }
0x32: {  	s10 =	sld [smem:$0x3F9F];
	_ =	sdelay $0x3  }
0x33: {  	p0 =	seq.s32 s10, $0x1;
	s10 =	sld [smem:$0x3FA1];
	_ =	sdelay $0x3  }
0x34: {  	[smem:$0x3FA1] =	sst s10  }
0x35: {  	s10 =	sld [smem:$0x3FA0];
	_ =	sdelay $0x3  }
0x36: {  	p1 =	seq.s32 s10, $0x1;
	s10 =	sld [smem:$0x3FA1];
	_ =	sdelay $0x3  }
0x37: {  	[smem:$0x3FA1] =	sst s10  }
0x38: {  	s10 =	sld [smem:$0x3FA2]  }
0x39: {  	_ = 	snop;
	(pc) =	sbr.ind lr, $3  }
0x3a: {  	_ = 	snop  }
0x3b: {  	_ = 	snop  }
0x3c: {  	p2 =	seq.s32 s10, $0x1;
	s10 =	sld [smem:$0x3FA1]  }
0x3d: {  	_ =	shalt  }
0x3e: {  	_ =	shalt  }
0x3f: {  	_ =	shalt  }
0x40: {  	_ =	shalt  }
0x41: {  	_ =	shalt  }
0x42: {  	_ =	shalt  }
0x43: {  	_ =	shalt  }
0x44: {  	_ =	shalt  }
0x45: {  	_ =	shalt  }
0x46: {  	_ =	shalt  }
0x47: {  	_ =	shalt  }
0x48: {  	_ =	shalt  }
0x49: {  	_ =	shalt  }
0x4a: {  	_ =	shalt  }
0x4b: {  	_ =	shalt  }
0x4c: {  	_ =	shalt  }
0x4d: {  	_ =	shalt  }
0x4e: {  	_ =	shalt  }
0x4f: {  	_ =	shalt  }
0x50: {  	_ =	shalt  }
0x51: {  	_ =	shalt  }
0x52: {  	_ =	shalt  }
0x53: {  	_ =	shalt  }
0x54: {  	_ =	shalt  }
0x55: {  	_ =	shalt  }
0x56: {  	_ =	shalt  }
0x57: {  	_ =	shalt  }
0x58: {  	_ =	shalt  }
0x59: {  	_ =	shalt  }
0x5a: {  	_ =	shalt  }
0x5b: {  	_ =	shalt  }
0x5c: {  	_ =	shalt  }
0x5d: {  	_ =	shalt  }
0x5e: {  	_ =	shalt  }
0x5f: {  	_ =	shalt  }
0x60: {  	_ =	shalt  }
0x61: {  	_ =	shalt  }
0x62: {  	_ =	shalt  }
0x63: {  	_ =	shalt  }
0x64: {  	_ =	shalt  }
0x65: {  	_ =	shalt  }
0x66: {  	_ =	shalt  }
0x67: {  	_ =	shalt  }
0x68: {  	_ =	shalt  }
0x69: {  	_ =	shalt  }
0x6a: {  	_ =	shalt  }
0x6b: {  	_ =	shalt  }
0x6c: {  	_ =	shalt  }
0x6d: {  	_ =	shalt  }
0x6e: {  	_ =	shalt  }
0x6f: {  	_ =	shalt  }
0x70: {  	_ =	shalt  }
0x71: {  	_ =	shalt  }
0x72: {  	_ =	shalt  }
0x73: {  	_ =	shalt  }
0x74: {  	_ =	shalt  }
0x75: {  	_ =	shalt  }
0x76: {  	_ =	shalt  }
0x77: {  	_ =	shalt  }
0x78: {  	_ =	shalt  }
0x79: {  	_ =	shalt  }
0x7a: {  	_ =	shalt  }
0x7b: {  	_ =	shalt  }
0x7c: {  	_ =	shalt  }
0x7d: {  	_ =	shalt  }
0x7e: {  	_ =	shalt  }
0x7f: {  	_ =	shalt  }
0x80: {  	_ =	shalt  }
0x81: {  	_ =	shalt  }
0x82: {  	_ =	shalt  }
0x83: {  	_ =	shalt  }
0x84: {  	_ =	shalt  }
0x85: {  	_ =	shalt  }
0x86: {  	_ =	shalt  }
0x87: {  	_ =	shalt  }
.Lfunc_end0:
.L_simem_size_0:
called_computation.7_lowered:
.L_overlay_start_0:
0x88: {  	s2 =	sld [smem:$0x3FD9]  }
0x89: {  	s3 =	sld [smem:$0x3FFE];
	_ =	sdelay $0x1  }
0x8a: {  	s1 =	srdreg.scid  }
0x8b: {  	s0 =	sand.u32 $0x1, s1  }
0x8c: {  	s16 =	sshll.u32 s0, $0xA;
	s2 =	sadd.s32 s3, s2  }
0x8d: {  	s2 =	sadd.s32 s2, s16  }
0x8e: {  	[smem:$0x3FAD] =	sst s2  }
0x8f: {  	_ = 	snop  }
0x90: {  	(tm) =	ssettm $0x1  }
0x91: {  	s17 =	sld [smem:$0x3FFB];
	_ =	sdelay $0x3  }
0x92: {  	_ =	strace s17  }
0x93: {  	s2 =	sld [smem:$0x3FFC];
	_ =	sdelay $0x3  }
0x94: {  	_ =	strace s2  }
0x95: {  	s2 =	sld [smem:$0x3FFD];
	_ =	sdelay $0x3  }
0x96: {  	_ =	strace s2  }
0x97: {  	_ =	strace $0x8FFFFFFF  }
0x98: {  	s18 =	sld [smem:$0x3FDB];
	_ =	sdelay $0x1  }
0x99: {  	s19 =	simm.s32 $_scs_section_size  }
0x9a: {  	s4 =	simm.s32 $_size__tile_overlayer_lowered;
	s5 =	simm.s32 $_tile_overlayer_lowered  }
0x9b: {  	s22 =	simm.s32 $0x1BFF;
	s21 =	sshll.u32 s5, $0x1;
	s2 =	sadd.s32 s19, s18  }
0x9c: {  	s6 =	simm.s32 $0x0;
	s20 =	sshll.u32 s4, $0x1;
	s4 =	sadd.s32 s21, s2  }
0x9d: {  	[timem:s6], [sflag:s22] =	dma.local [hbm:s4], s20  }
0x9e: {  	_ =	swait.ge [sflag:s22], s20  }
0x9f: {  	s3 =	ssub.s32 $0x0, s20;
	[sflag:s22] =	ssyncset.done $0x0  }
0xa0: {  	[sflag:s22] =	ssyncadd.s32 s3;
	_ =	sdelay $0x1  }
0xa1: {  	s23 =	simm.s32 $0x1B8B  }
0xa2: {  	_ =	swait.ge [sflag:s23], $0x1  }
0xa3: {  	[sflag:s23] =	ssyncset.done $0x0  }
0xa4: {  	s25 =	simm.s32 $0x1B8E;
	s24 =	sld [smem:$0x3FFE];
	[sflag:s23] =	ssyncadd.s32 $0xFFFFFFFF  }
0xa5: {  	s26 =	simm.s32 $execute0_lowered;
	[smem:$0x3FD2] =	sst s25  }
0xa6: {  	s4 =	sshll.u32 s26, $0x1;
	_ =	strace $0x80000046;
	[dreg:$0x1] =	wrdreg $0xFFFFFFFF  }
0xa7: {  	s28 =	simm.s32 $_size_execute0_lowered;
	s2 =	sadd.s32 s2, s4;
	[dreg:$0x0] =	wrdreg $0x0  }
0xa8: {  	s4 =	sshll.u32 s28, $0x1;
	[dreg:$0x2] =	wrdreg s2  }
0xa9: {  	[dreg:$0x3] =	wrdreg s4  }
0xaa: {  	[dreg:$0x4] =	wrdreg $0xC0  }
0xab: {  	_ =	task [dreg:s6], $0x5FFFF  }
0xac: {  	[dreg:$0x1] =	wrdreg $0xFFFFFFFF  }
0xad: {  	[dreg:$0x0] =	wrdreg $0x60  }
0xae: {  	[dreg:$0x2] =	wrdreg s24  }
0xaf: {  	[dreg:$0x3] =	wrdreg $0xF  }
0xb0: {  	_ =	task.clear_ibuf [dreg:s6], $0x4FFFF;
	_ =	strace $0x90000046  }
0xb1: {  	s29 =	simm.s32 $0xF;
	_ =	strace $0x80000048  }
0xb2: {  	_ =	swait.ge [sflag:s29], $0x1  }
0xb3: {  	[sflag:s29] =	ssyncadd.s32 $0xFFFFFFFF  }
0xb4: {  	_ =	strace $0x90000048  }
0xb5: {  	_ =	sfence  }
0xb6: {  	s30 =	sld [smem:$0x0];
	_ =	sdelay $0x2  }
0xb7: {  	s31 =	sshll.u32 s1, $0xD;
	s1 =	sshrl.u32 s1, $0x2  }
0xb8: {  	s3 =	sand.u32 $0x4000, s31;
	s1 =	sadd.s32 s1, s30  }
0xb9: {  	s0 =	sor.u32 s3, s0;
	s1 =	sshll.u32 s1, $0x11  }
0xba: {  	s0 =	sor.u32 s1, s0  }
0xbb: {  	s0 =	sadd.s32 $0x8F2B, s0  }
0xbc: {  	[sflag:s0] =	ssyncadd.remote.s32 $0x1  }
0xbd: {  	_ =	sfence.sel $0xFFFF  }
0xbe: {  	[dreg:$0x0] =	wrdreg $0xFFFFFFFF;
	(pc) =	sbr.abs _section_cstart, $3  }
0xbf: {  	[dreg:$0x1] =	wrdreg $0xFFFFFFFF  }
0xc0: {  	_ =	task.clear_ibuf [dreg:s6], $0x2FFFF;
	_ =	strace $0x9FFFFFFF  }
0xc1: {  	(tm) =	ssettm $0x7FFFFFFF  }
tec
execute0_lowered:
.L_overlay_start_1:
0x0: {  	(tag) =	ssettag $0x1  }
0x1: {  	s1 =	srdreg.scid  }
0x2: {  	s0 =	stileid.u32;
	s16 =	sand.u32 $0x1, s1  }
0x3: {  	s31 =	sshll.u32 s0, $0xA;
	s2 =	sshll.u32 s16, $0x9  }
0x4: {  	s12 =	rddreg [dreg:$0x0];
	s4 =	simm.s32 $0x200;
	s10 =	sor.u32 s2, s31  }
0x5: {  	s5 =	simm.s32 $0x4000;
	s2 =	simm.s32 $0x0;
	s3 =	sshrl.u32 s10, $0x3  }
0x6: {  	s6 =	simm.s32 $0x5;
	[smem:$0x7FF] =	sst s2;
	s3 =	sadd.s32 s3, s12  }
0x7: {  	s1 =	rddreg [dreg:$0x1];
	_ =	strace $0x80000047;
	s3 =	sadd.s32 $0xDF600, s3  }
0x8: {  	[tilespmem:s2], [sflag:$0x5] =	stream.strided.gather [hbm4b:s3+s4], $0x400, s5, s4, $0x38;
	[tilespmem:$0x8400] =	vst v63  }
0x9: {  	_ =	swait.ge [sflag:s6], $0x400  }
0xa: {  	s9 =	simm.s32 $0x400;
	s11 =	simm.s32 $0x1;
	[sflag:s6] =	ssyncset.done $0x0  }
0xb: {  	s14 =	simm.s32 $0x40;
	s7 =	sadd.s32 $0x7DA00, s12;
	[sflag:s6] =	ssyncadd.s32 $0xFFFFFC00  }
0xc: {  	[tilespmem:s9], [sflag:$0x1] =	stream.indirect.gather [hbm4b:s7+s4], $0x20, s2, s4, $0xb8;
	[tilespmem:$0x8400] =	vst v63  }
0xd: {  	s8 =	sadd.s32 $0x1BE00, s12;
	s13 =	sshll.u32 s10, $0x3;
	s10 =	simm.s32 $0x4400  }
0xe: {  	[tilespmem:s10], [sflag:$0x2] =	stream.indirect.gather [hbm4b:s8+s4], $0x20, s4, s4, $0xb8;
	[tilespmem:$0x8400] =	vst v63  }
0xf: {  	s15 =	simm.s32 $0x2;
	s18 =	ssub.s32 $0x2, s16;
	_ =	swait.ge [sflag:s11], $0x4000  }
0x10: {  	s19 =	sshrl.u32 s18, $0x1;
	s17 =	sadd.s32 s13, s12;
	[sflag:s11] =	ssyncset.done $0x0  }
0x11: {  	s13 =	simm.s32 $0x20;
	s12 =	sadd.s32 $0xE0600, s17;
	[sflag:s11] =	ssyncadd.s32 $0xFFFFC000  }
0x12: {  	[hbm4b:s12+s13] =	stream.strided.scatter [tilespmem:s9], [sflag:$0x3], $0x4000, s14, s13, $0x38;
	[tilespmem:$0x8400] =	vst v63  }
0x13: {  	s18 =	ssub.s32 s18, s19;
	_ =	swait.ge [sflag:s15], $0x4000  }
0x14: {  	s19 =	smax.u32 s18, $0x1;
	s16 =	sadd.s32 $0xE0604, s17;
	[sflag:s15] =	ssyncset.done $0x0  }
0x15: {  	s17 =	simm.s32 $0x3;
	p0 =	sne.s32 s19, $0x1;
	[sflag:s15] =	ssyncadd.s32 $0xFFFFC000  }
0x16: {  	[hbm4b:s16+s13] =	stream.strided.scatter [tilespmem:s10], [sflag:$0x4], $0x4000, s14, s13, $0x38;
	[tilespmem:$0x8400] =	vst v63  }
.Ltmp0:
0x17: {  	_ =	swait.ge [sflag:s17], $0x4000;
	(pc) =	sbr.rel @!p0 .LBB2_2-.Ltmp0, $4  }
0x18: {  	[sflag:s17] =	ssyncset.done $0x0  }
0x19: {  	s18 =	simm.s32 $0x4;
	[sflag:s17] =	ssyncadd.s32 $0xFFFFC000  }
0x1a: {  	_ =	swait.ge [sflag:s18], $0x4000  }
0x1b: {  	s19 =	sadd.s32 $0xFFFFFFFF, s19;
	[sflag:s18] =	ssyncset.done $0x0  }
.LBB2_1:
0x1c: {  	p0 =	sne.s32 s19, $0x1;
	s19 =	sadd.s32 $0xFFFFFFFF, s19;
	[sflag:s18] =	ssyncadd.s32 $0xFFFFC000  }
0x1d: {  	[tilespmem:s2], [sflag:$0x5] =	stream.strided.gather [hbm4b:s3+s4], $0x400, s5, s4, $0x38;
	[tilespmem:$0x8400] =	vst v63  }
0x1e: {  	_ =	swait.ge [sflag:s6], $0x400  }
0x1f: {  	[sflag:s6] =	ssyncset.done $0x0  }
0x20: {  	[sflag:s6] =	ssyncadd.s32 $0xFFFFFC00  }
0x21: {  	[tilespmem:s9], [sflag:$0x1] =	stream.indirect.gather [hbm4b:s7+s4], $0x20, s2, s4, $0xb8;
	[tilespmem:$0x8400] =	vst v63  }
0x22: {  	_ = 	snop  }
0x23: {  	[tilespmem:s10], [sflag:$0x2] =	stream.indirect.gather [hbm4b:s8+s4], $0x20, s4, s4, $0xb8;
	[tilespmem:$0x8400] =	vst v63  }
0x24: {  	_ =	swait.ge [sflag:s11], $0x4000  }
0x25: {  	[sflag:s11] =	ssyncset.done $0x0  }
0x26: {  	[sflag:s11] =	ssyncadd.s32 $0xFFFFC000  }
0x27: {  	[hbm4b:s12+s13] =	stream.strided.scatter [tilespmem:s9], [sflag:$0x3], $0x4000, s14, s13, $0x38;
	[tilespmem:$0x8400] =	vst v63  }
0x28: {  	_ =	swait.ge [sflag:s15], $0x4000  }
0x29: {  	[sflag:s15] =	ssyncset.done $0x0  }
0x2a: {  	[sflag:s15] =	ssyncadd.s32 $0xFFFFC000  }
0x2b: {  	[hbm4b:s16+s13] =	stream.strided.scatter [tilespmem:s10], [sflag:$0x4], $0x4000, s14, s13, $0x38;
	[tilespmem:$0x8400] =	vst v63  }
.Ltmp1:
0x2c: {  	_ =	swait.ge [sflag:s17], $0x4000;
	(pc) =	sbr.rel @p0 .LBB2_1-.Ltmp1, $4  }
0x2d: {  	[sflag:s17] =	ssyncset.done $0x0  }
0x2e: {  	[sflag:s17] =	ssyncadd.s32 $0xFFFFC000  }
0x2f: {  	_ =	swait.ge [sflag:s18], $0x4000  }
0x30: {  	[sflag:s18] =	ssyncset.done $0x0  }
.LBB2_2:
0x31: {  	[sflag:s18] =	ssyncadd.s32 $0xFFFFC000  }
0x32: {  	_ =	sfence.sel $0x180000  }
0x33: {  	[bflag:$0x0] =	sbarrier.arrive $0xFFFF  }
0x34: {  	p0 =	sne.s32 s0, $0x0;
	_ =	strace $0x90000047  }
0x35: {  	s0 =	sadd.s32 @!p0 $0x100000, s1;
	[bflag:$0x2] =	sbarrier.arrive $0xFFFF  }
0x36: {  	[sflag:s0] =	ssyncadd.tile.s32 @!p0 $0x1;
	_ =	shalt  }
.Lfunc_end2:
_tile_overlayer_lowered:
.L_overlay_start_2:
0x37: {  	(tag) =	ssettag $0x2  }
0x38: {  	s0 =	rddreg [dreg:$0x0];
	s2 =	stileid.u32  }
0x39: {  	s1 =	rddreg [dreg:$0x1];
	p0 =	sne.s32 s2, $0x0  }
0x3a: {  	s3 =	rddreg [dreg:$0x2];
	[bflag:$0x3] =	sbarrier.arrive $0xFFFF;
	s2 =	simm.s32 @!p0 $0x1C05  }
0x3b: {  	[timem:s3], [sflag:s2] =	dma.local @!p0 [hbm:s0], s1  }
0x3c: {  	s0 =	simm.s32 @!p0 $0x5  }
0x3d: {  	_ =	swait.ge @!p0 [sflag:s0], s1  }
0x3e: {  	s1 =	ssub.s32 @!p0 $0x0, s1;
	[sflag:s0] =	ssyncset.done @!p0 $0x0  }
0x3f: {  	[sflag:s0] =	ssyncadd.s32 @!p0 s1  }
0x40: {  	[bflag:$0x3] =	sbarrier.arrive $0xFFFF  }
0x41: {  	_ =	shalt  }

// kernel: _run.9.cloned.1.call-start
scs
__scs_entry_jumppad:
0x0: {  	(pc) =	sbr.rel $0x88, $3  }
0x1: {  	(tag) =	ssettag $0x0;
	lr =	simm.s32 $0x1  }
0x2: {  	[smem:$0x3F86] =	sst lr;
	_ =	strace $0xD0000000  }
0x3: {  	_ = 	snop  }
0x4: {  	_ = 	snop  }
0x5: {  	_ = 	snop  }
0x6: {  	_ = 	snop  }
0x7: {  	_ = 	snop  }
__scs_overlays_trampoline_lowered:
0x8: {  	[smem:$0x3F95] =	sst s0  }
0x9: {  	[smem:$0x3F96] =	sst s1  }
0xa: {  	[smem:$0x3F97] =	sst s2  }
0xb: {  	[smem:$0x3F98] =	sst s3  }
0xc: {  	[smem:$0x3F99] =	sst s4  }
0xd: {  	[smem:$0x3F9A] =	sst s5  }
0xe: {  	[smem:$0x3F9B] =	sst s6  }
0xf: {  	[smem:$0x3F9C] =	sst s7  }
0x10: {  	[smem:$0x3F9D] =	sst s8  }
0x11: {  	[smem:$0x3F9E] =	sst s9;
	s0 =	simm.s32 @!p0 $0x0  }
0x12: {  	s1 =	sld [smem:$0x3F84];
	s0 =	simm.s32 @p0 $0x1  }
0x13: {  	[smem:$0x3F9F] =	sst s0;
	s0 =	simm.s32 @!p1 $0x0  }
0x14: {  	s2 =	sld [smem:$0x3F83];
	s0 =	simm.s32 @p1 $0x1  }
0x15: {  	[smem:$0x3FA0] =	sst s0;
	s0 =	simm.s32 @!p2 $0x0  }
0x16: {  	s3 =	sld [smem:$0x3FDB];
	s0 =	simm.s32 @p2 $0x1  }
0x17: {  	s4 =	simm.s32 $0x1BF5;
	[smem:$0x3FA2] =	sst s0  }
0x18: {  	s0 =	sld [smem:$0x3F85];
	_ =	swait.ge [sflag:s4], $0x0  }
0x19: {  	s7 =	sld [smem:$0x3F86]  }
0x1a: {  	s8 =	sadd.s32 $0xFFFFE003, lr  }
0x1b: {  	s9 =	sadd.s32 $0xFFFFFEF7, lr;
	s5 =	simm.s32 $0xFFFFFFFF;
	p2 =	slt.u32 s8, $0xFFFFF086  }
0x1c: {  	p1 =	slt.u32 s9, $0xF7A;
	s5 =	simm.s32 @!p2 $0x0  }
0x1d: {  	s5 =	simm.s32 @p1 $0x1;
	p0 =	seq.s32 s7, s2  }
0x1e: {  	s7 =	smul.u32 @!p0 $0xF7A, s2;
	p2 =	seq.s32 @!p0 s5, $0x0  }
0x1f: {  	s9 =	smul.u32 $0xF7A, s1;
	s8 =	simm.s32 @!p0 $0x1BF5;
	p2 =	por !p2, p0  }
0x20: {  	[sflag:s8] =	ssyncset.s32 @!p0 $0xFFFFF086;
	s6 =	sadd.s32 @!p0 s3, s7;
	s7 =	simm.s32 @!p0 $0x108  }
0x21: {  	s3 =	sadd.s32 s3, s9;
	s6 =	sadd.s32 @!p0 $0x88, s6;
	s7 =	simm.s32 @p2 $0x1082  }
0x22: {  	[simem:s7], [sflag:s8] =	dma.local @!p0 [hbm:s6], $0xF7A  }
0x23: {  	s9 =	sor.u32 $0xD0000000, s2;
	s6 =	simm.s32 $0x108;
	_ =	swait.ge @!p0 [sflag:s8], $0x0  }
0x24: {  	s3 =	sadd.s32 $0x88, s3;
	s6 =	simm.s32 @!p1 $0x1082;
	[sflag:s4] =	ssyncset.s32 $0xFFFFF086  }
0x25: {  	[simem:s6], [sflag:s4] =	dma.local [hbm:s3], $0xF7A  }
0x26: {  	[smem:$0x3F86] =	sst s1;
	(tag) =	ssettag s2;
	_ =	strace s9  }
0x27: {  	s1 =	sld [smem:$0x3F96]  }
0x28: {  	s2 =	sld [smem:$0x3F97]  }
0x29: {  	s4 =	sld [smem:$0x3F99]  }
0x2a: {  	p0 =	seq.s32 s5, $0x0;
	s5 =	sld [smem:$0x3F9A]  }
0x2b: {  	s6 =	sld [smem:$0x3F9B]  }
0x2c: {  	s7 =	sld [smem:$0x3F9C]  }
0x2d: {  	s3 =	simm.s32 $0x108;
	s8 =	sld [smem:$0x3F9D]  }
0x2e: {  	s3 =	simm.s32 @!p0 $0x1082;
	s9 =	sld [smem:$0x3F9E]  }
0x2f: {  	lr =	sadd.s32 s0, s3;
	s0 =	sld [smem:$0x3F95]  }
0x30: {  	s3 =	sld [smem:$0x3F98]  }
0x31: {  	[smem:$0x3FA1] =	sst s10  }
0x32: {  	s10 =	sld [smem:$0x3F9F];
	_ =	sdelay $0x3  }
0x33: {  	p0 =	seq.s32 s10, $0x1;
	s10 =	sld [smem:$0x3FA1];
	_ =	sdelay $0x3  }
0x34: {  	[smem:$0x3FA1] =	sst s10  }
0x35: {  	s10 =	sld [smem:$0x3FA0];
	_ =	sdelay $0x3  }
0x36: {  	p1 =	seq.s32 s10, $0x1;
	s10 =	sld [smem:$0x3FA1];
	_ =	sdelay $0x3  }
0x37: {  	[smem:$0x3FA1] =	sst s10  }
0x38: {  	s10 =	sld [smem:$0x3FA2]  }
0x39: {  	_ = 	snop;
	(pc) =	sbr.ind lr, $3  }
0x3a: {  	_ = 	snop  }
0x3b: {  	_ = 	snop  }
0x3c: {  	p2 =	seq.s32 s10, $0x1;
	s10 =	sld [smem:$0x3FA1]  }
0x3d: {  	_ =	shalt  }
0x3e: {  	_ =	shalt  }
0x3f: {  	_ =	shalt  }
0x40: {  	_ =	shalt  }
0x41: {  	_ =	shalt  }
0x42: {  	_ =	shalt  }
0x43: {  	_ =	shalt  }
0x44: {  	_ =	shalt  }
0x45: {  	_ =	shalt  }
0x46: {  	_ =	shalt  }
0x47: {  	_ =	shalt  }
0x48: {  	_ =	shalt  }
0x49: {  	_ =	shalt  }
0x4a: {  	_ =	shalt  }
0x4b: {  	_ =	shalt  }
0x4c: {  	_ =	shalt  }
0x4d: {  	_ =	shalt  }
0x4e: {  	_ =	shalt  }
0x4f: {  	_ =	shalt  }
0x50: {  	_ =	shalt  }
0x51: {  	_ =	shalt  }
0x52: {  	_ =	shalt  }
0x53: {  	_ =	shalt  }
0x54: {  	_ =	shalt  }
0x55: {  	_ =	shalt  }
0x56: {  	_ =	shalt  }
0x57: {  	_ =	shalt  }
0x58: {  	_ =	shalt  }
0x59: {  	_ =	shalt  }
0x5a: {  	_ =	shalt  }
0x5b: {  	_ =	shalt  }
0x5c: {  	_ =	shalt  }
0x5d: {  	_ =	shalt  }
0x5e: {  	_ =	shalt  }
0x5f: {  	_ =	shalt  }
0x60: {  	_ =	shalt  }
0x61: {  	_ =	shalt  }
0x62: {  	_ =	shalt  }
0x63: {  	_ =	shalt  }
0x64: {  	_ =	shalt  }
0x65: {  	_ =	shalt  }
0x66: {  	_ =	shalt  }
0x67: {  	_ =	shalt  }
0x68: {  	_ =	shalt  }
0x69: {  	_ =	shalt  }
0x6a: {  	_ =	shalt  }
0x6b: {  	_ =	shalt  }
0x6c: {  	_ =	shalt  }
0x6d: {  	_ =	shalt  }
0x6e: {  	_ =	shalt  }
0x6f: {  	_ =	shalt  }
0x70: {  	_ =	shalt  }
0x71: {  	_ =	shalt  }
0x72: {  	_ =	shalt  }
0x73: {  	_ =	shalt  }
0x74: {  	_ =	shalt  }
0x75: {  	_ =	shalt  }
0x76: {  	_ =	shalt  }
0x77: {  	_ =	shalt  }
0x78: {  	_ =	shalt  }
0x79: {  	_ =	shalt  }
0x7a: {  	_ =	shalt  }
0x7b: {  	_ =	shalt  }
0x7c: {  	_ =	shalt  }
0x7d: {  	_ =	shalt  }
0x7e: {  	_ =	shalt  }
0x7f: {  	_ =	shalt  }
0x80: {  	_ =	shalt  }
0x81: {  	_ =	shalt  }
0x82: {  	_ =	shalt  }
0x83: {  	_ =	shalt  }
0x84: {  	_ =	shalt  }
0x85: {  	_ =	shalt  }
0x86: {  	_ =	shalt  }
0x87: {  	_ =	shalt  }
.Lfunc_end0:
.L_simem_size_0:
called_computation.1_lowered:
.L_overlay_start_0:
0x88: {  	s2 =	sld [smem:$0x3FD9]  }
0x89: {  	s3 =	sld [smem:$0x3FFE];
	_ =	sdelay $0x1  }
0x8a: {  	s1 =	srdreg.scid  }
0x8b: {  	s0 =	sand.u32 $0x1, s1  }
0x8c: {  	s17 =	sshll.u32 s0, $0xA;
	s2 =	sadd.s32 s3, s2  }
0x8d: {  	s2 =	sadd.s32 s2, s17  }
0x8e: {  	[smem:$0x3FAD] =	sst s2  }
0x8f: {  	_ = 	snop  }
0x90: {  	(tm) =	ssettm $0x1  }
0x91: {  	s18 =	sld [smem:$0x3FFB];
	_ =	sdelay $0x3  }
0x92: {  	_ =	strace s18  }
0x93: {  	s2 =	sld [smem:$0x3FFC];
	_ =	sdelay $0x3  }
0x94: {  	_ =	strace s2  }
0x95: {  	s2 =	sld [smem:$0x3FFD];
	_ =	sdelay $0x3  }
0x96: {  	_ =	strace s2  }
0x97: {  	_ =	strace $0x8FFFFFFF  }
0x98: {  	s19 =	sld [smem:$0x3FDB];
	_ =	sdelay $0x1  }
0x99: {  	s20 =	simm.s32 $_scs_section_size  }
0x9a: {  	s4 =	simm.s32 $_size__tile_overlayer_lowered;
	s5 =	simm.s32 $_tile_overlayer_lowered  }
0x9b: {  	s6 =	simm.s32 $0x1BFF;
	s21 =	sshll.u32 s5, $0x1;
	s3 =	sadd.s32 s20, s19  }
0x9c: {  	s22 =	simm.s32 $0x0;
	s4 =	sshll.u32 s4, $0x1;
	s5 =	sadd.s32 s21, s3  }
0x9d: {  	[timem:s22], [sflag:s6] =	dma.local [hbm:s5], s4  }
0x9e: {  	_ =	swait.ge [sflag:s6], s4  }
0x9f: {  	s4 =	ssub.s32 $0x0, s4;
	[sflag:s6] =	ssyncset.done $0x0  }
0xa0: {  	[sflag:s6] =	ssyncadd.s32 s4;
	_ =	sdelay $0x1  }
0xa1: {  	s23 =	simm.s32 $0x1B8B  }
0xa2: {  	_ =	swait.ge [sflag:s23], $0x1  }
0xa3: {  	[sflag:s23] =	ssyncset.done $0x0  }
0xa4: {  	[sflag:s23] =	ssyncadd.s32 $0xFFFFFFFF  }
0xa5: {  	s4 =	sld [smem:$0x0]  }
0xa6: {  	s5 =	sand.u32 $0xFFFFFFFE, s1  }
0xa7: {  	p0 =	sne.s32 s1, s5  }
0xa8: {  	s5 =	sshll.u32 @p0 s5, $0xE  }
0xa9: {  	s5 =	sadd.s32 @p0 $0x11B8D, s5;
	s6 =	sshll.u32 @p0 s4, $0x11  }
0xaa: {  	s5 =	sor.u32 @p0 s6, s5  }
0xab: {  	[sflag:s5] =	ssyncadd.remote.s32 @p0 $0x1;
	_ =	sdelay $0x1  }
0xac: {  	s5 =	simm.s32 @p0 $0x1B8D  }
0xad: {  	_ =	swait.eq @p0 [sflag:s5], $0x1  }
0xae: {  	[sflag:s5] =	ssyncadd.s32 @p0 $0xFFFFFFFF  }
0xaf: {  	s6 =	sshll.u32 @!p0 s1, $0xE  }
0xb0: {  	s6 =	sor.u32 @!p0 $0x4000, s6;
	s5 =	simm.s32 @!p0 $0x1B8D  }
0xb1: {  	s4 =	sshll.u32 @!p0 s4, $0x11;
	s6 =	sadd.s32 @!p0 $0x11B8D, s6;
	_ =	swait.eq @!p0 [sflag:s5], $0x1  }
0xb2: {  	s4 =	sor.u32 @!p0 s4, s6;
	[sflag:s5] =	ssyncadd.s32 @!p0 $0xFFFFFFFF  }
0xb3: {  	s25 =	simm.s32 $0x1B8E;
	s24 =	sld [smem:$0x3FFE];
	[sflag:s4] =	ssyncadd.remote.s32 @!p0 $0x1  }
0xb4: {  	s26 =	simm.s32 $execute0_lowered;
	[smem:$0x3FD2] =	sst s25  }
0xb5: {  	s5 =	sshll.u32 s26, $0x1;
	_ =	strace $0x80000049;
	[dreg:$0x1] =	wrdreg $0xFFFFFFFF  }
0xb6: {  	s28 =	simm.s32 $_size_execute0_lowered;
	s3 =	sadd.s32 s3, s5;
	[dreg:$0x0] =	wrdreg $0x0  }
0xb7: {  	s5 =	sshll.u32 s28, $0x1;
	[dreg:$0x2] =	wrdreg s3  }
0xb8: {  	[dreg:$0x3] =	wrdreg s5  }
0xb9: {  	[dreg:$0x4] =	wrdreg $0xC0  }
0xba: {  	_ =	task [dreg:s22], $0x5FFFF  }
0xbb: {  	[dreg:$0x1] =	wrdreg $0xFFFFFFFF  }
0xbc: {  	[dreg:$0x0] =	wrdreg $0x60  }
0xbd: {  	[dreg:$0x2] =	wrdreg s24  }
0xbe: {  	[dreg:$0x3] =	wrdreg $0x9  }
0xbf: {  	_ =	task.clear_ibuf [dreg:s22], $0x4FFFF;
	_ =	strace $0x90000049  }
0xc0: {  	s29 =	simm.s32 $0x9;
	_ =	strace $0x8000004B  }
0xc1: {  	_ =	swait.ge [sflag:s29], $0x1  }
0xc2: {  	[sflag:s29] =	ssyncadd.s32 $0xFFFFFFFF  }
0xc3: {  	_ =	strace $0x9000004B  }
0xc4: {  	_ =	sfence  }
0xc5: {  	s30 =	sld [smem:$0x0];
	_ =	sdelay $0x2  }
0xc6: {  	s31 =	sshll.u32 s1, $0xD;
	s1 =	sshrl.u32 s1, $0x2  }
0xc7: {  	s4 =	sand.u32 $0x4000, s31;
	s1 =	sadd.s32 s1, s30  }
0xc8: {  	s0 =	sor.u32 s4, s0;
	s1 =	sshll.u32 s1, $0x11  }
0xc9: {  	s0 =	sor.u32 s1, s0  }
0xca: {  	s0 =	sadd.s32 $0x8F2B, s0  }
0xcb: {  	[sflag:s0] =	ssyncadd.remote.s32 $0x1  }
0xcc: {  	_ =	sfence.sel $0xFFFF  }
0xcd: {  	[dreg:$0x0] =	wrdreg $0xFFFFFFFF;
	(pc) =	sbr.abs _section_cstart, $3  }
0xce: {  	[dreg:$0x1] =	wrdreg $0xFFFFFFFF  }
0xcf: {  	_ =	task.clear_ibuf [dreg:s22], $0x2FFFF;
	_ =	strace $0x9FFFFFFF  }
0xd0: {  	(tm) =	ssettm $0x7FFFFFFF  }
0xd1: {  	_ =	shalt  }
tec
execute0_lowered:
.L_overlay_start_1:
0x0: {  	(tag) =	ssettag $0x1  }
0x1: {  	s1 =	srdreg.scid  }
0x2: {  	s0 =	stileid.u32;
	s24 =	sand.u32 $0x1, s1  }
0x3: {  	s30 =	sshll.u32 s0, $0xA;
	s2 =	sshll.u32 s24, $0x9  }
0x4: {  	s21 =	rddreg [dreg:$0x0];
	s4 =	simm.s32 $0x200;
	s10 =	sor.u32 s2, s30  }
0x5: {  	s5 =	simm.s32 $0x4000;
	s2 =	simm.s32 $0x0;
	s3 =	sshrl.u32 s10, $0x3  }
0x6: {  	s6 =	simm.s32 $0x5;
	[smem:$0x7FF] =	sst s2;
	s3 =	sadd.s32 s3, s21  }
0x7: {  	s1 =	rddreg [dreg:$0x1];
	_ =	strace $0x8000004A;
	s3 =	sadd.s32 $0x10A600, s3  }
0x8: {  	[tilespmem:s2], [sflag:$0x5] =	stream.strided.gather [hbm4b:s3+s4], $0x800, s5, s4, $0x38;
	[tilespmem:$0x8800] =	vst v63  }
0x9: {  	_ =	swait.ge [sflag:s6], $0x800  }
0xa: {  	s9 =	simm.s32 $0x800;
	[sflag:s6] =	ssyncset.done $0x0  }
0xb: {  	s11 =	simm.s32 $0x1;
	s7 =	sadd.s32 $0x231A00, s21;
	[sflag:s6] =	ssyncadd.s32 $0xFFFFF800  }
0xc: {  	[tilespmem:s9], [sflag:$0x1] =	stream.indirect.gather [hbm4b:s7+s4], $0x20, s2, s4, $0xb8;
	[tilespmem:$0x8800] =	vst v63  }
0xd: {  	s8 =	sadd.s32 $0x1CFE00, s21;
	s12 =	sshll.u32 s10, $0x4;
	s10 =	simm.s32 $0x4800  }
0xe: {  	[tilespmem:s10], [sflag:$0x2] =	stream.indirect.gather [hbm4b:s8+s4], $0x20, s4, s4, $0xb8;
	[tilespmem:$0x8800] =	vst v63  }
0xf: {  	s13 =	simm.s32 $0x20;
	_ =	swait.ge [sflag:s11], $0x4000  }
0x10: {  	s14 =	simm.s32 $0x80;
	s25 =	sadd.s32 s12, s21;
	[sflag:s11] =	ssyncset.done $0x0  }
0x11: {  	s15 =	simm.s32 $0x3;
	s12 =	sadd.s32 $0x293600, s25;
	[sflag:s11] =	ssyncadd.s32 $0xFFFFC000  }
0x12: {  	[hbm4b:s12+s13] =	stream.strided.scatter [tilespmem:s9], [sflag:$0x3], $0x4000, s14, s13, $0x38;
	[tilespmem:$0x8800] =	vst v63  }
0x13: {  	_ =	swait.ge [sflag:s15], $0x4000  }
0x14: {  	s17 =	simm.s32 $0x400;
	[sflag:s15] =	ssyncset.done $0x0  }
0x15: {  	s18 =	simm.s32 $0x2;
	s16 =	sadd.s32 $0x16E200, s21;
	[sflag:s15] =	ssyncadd.s32 $0xFFFFC000  }
0x16: {  	[tilespmem:s9], [sflag:$0x1] =	stream.indirect.gather [hbm4b:s16+s4], $0x20, s17, s4, $0xb8;
	[tilespmem:$0x8800] =	vst v63  }
0x17: {  	_ =	swait.ge [sflag:s18], $0x4000  }
0x18: {  	[sflag:s18] =	ssyncset.done $0x0  }
0x19: {  	s19 =	simm.s32 $0x4;
	s20 =	sadd.s32 $0x293604, s25;
	[sflag:s18] =	ssyncadd.s32 $0xFFFFC000  }
0x1a: {  	[hbm4b:s20+s13] =	stream.strided.scatter [tilespmem:s10], [sflag:$0x4], $0x4000, s14, s13, $0x38;
	[tilespmem:$0x8800] =	vst v63  }
0x1b: {  	_ =	swait.ge [sflag:s19], $0x4000  }
0x1c: {  	[sflag:s19] =	ssyncset.done $0x0  }
0x1d: {  	s22 =	simm.s32 $0x600;
	s21 =	sadd.s32 $0x10C600, s21;
	[sflag:s19] =	ssyncadd.s32 $0xFFFFC000  }
0x1e: {  	[tilespmem:s10], [sflag:$0x2] =	stream.indirect.gather [hbm4b:s21+s4], $0x20, s22, s4, $0xb8;
	[tilespmem:$0x8800] =	vst v63  }
0x1f: {  	_ =	swait.ge [sflag:s11], $0x4000  }
0x20: {  	s26 =	ssub.s32 $0x2, s24;
	[sflag:s11] =	ssyncset.done $0x0  }
0x21: {  	s31 =	sshrl.u32 s26, $0x1;
	s23 =	sadd.s32 $0x293608, s25;
	[sflag:s11] =	ssyncadd.s32 $0xFFFFC000  }
0x22: {  	[hbm4b:s23+s13] =	stream.strided.scatter [tilespmem:s9], [sflag:$0x3], $0x4000, s14, s13, $0x38;
	[tilespmem:$0x8800] =	vst v63  }
0x23: {  	s24 =	sadd.s32 $0x29360C, s25;
	s25 =	ssub.s32 s26, s31;
	_ =	swait.ge [sflag:s18], $0x4000  }
0x24: {  	s25 =	smax.u32 s25, $0x1;
	[sflag:s18] =	ssyncset.done $0x0  }
0x25: {  	p0 =	sne.s32 s25, $0x1;
	[sflag:s18] =	ssyncadd.s32 $0xFFFFC000  }
0x26: {  	[hbm4b:s24+s13] =	stream.strided.scatter [tilespmem:s10], [sflag:$0x4], $0x4000, s14, s13, $0x38;
	[tilespmem:$0x8800] =	vst v63  }
.Ltmp0:
0x27: {  	_ =	swait.ge [sflag:s15], $0x4000;
	(pc) =	sbr.rel @!p0 .LBB2_2-.Ltmp0, $4  }
0x28: {  	[sflag:s15] =	ssyncset.done $0x0  }
0x29: {  	[sflag:s15] =	ssyncadd.s32 $0xFFFFC000  }
0x2a: {  	_ =	swait.ge [sflag:s19], $0x4000  }
0x2b: {  	s25 =	sadd.s32 $0xFFFFFFFF, s25;
	[sflag:s19] =	ssyncset.done $0x0  }
.LBB2_1:
0x2c: {  	p0 =	sne.s32 s25, $0x1;
	s25 =	sadd.s32 $0xFFFFFFFF, s25;
	[sflag:s19] =	ssyncadd.s32 $0xFFFFC000  }
0x2d: {  	[tilespmem:s2], [sflag:$0x5] =	stream.strided.gather [hbm4b:s3+s4], $0x800, s5, s4, $0x38;
	[tilespmem:$0x8800] =	vst v63  }
0x2e: {  	_ =	swait.ge [sflag:s6], $0x800  }
0x2f: {  	[sflag:s6] =	ssyncset.done $0x0  }
0x30: {  	[sflag:s6] =	ssyncadd.s32 $0xFFFFF800  }
0x31: {  	[tilespmem:s9], [sflag:$0x1] =	stream.indirect.gather [hbm4b:s7+s4], $0x20, s2, s4, $0xb8;
	[tilespmem:$0x8800] =	vst v63  }
0x32: {  	_ = 	snop  }
0x33: {  	[tilespmem:s10], [sflag:$0x2] =	stream.indirect.gather [hbm4b:s8+s4], $0x20, s4, s4, $0xb8;
	[tilespmem:$0x8800] =	vst v63  }
0x34: {  	_ =	swait.ge [sflag:s11], $0x4000  }
0x35: {  	[sflag:s11] =	ssyncset.done $0x0  }
0x36: {  	[sflag:s11] =	ssyncadd.s32 $0xFFFFC000  }
0x37: {  	[hbm4b:s12+s13] =	stream.strided.scatter [tilespmem:s9], [sflag:$0x3], $0x4000, s14, s13, $0x38;
	[tilespmem:$0x8800] =	vst v63  }
0x38: {  	_ =	swait.ge [sflag:s15], $0x4000  }
0x39: {  	[sflag:s15] =	ssyncset.done $0x0  }
0x3a: {  	[sflag:s15] =	ssyncadd.s32 $0xFFFFC000  }
0x3b: {  	[tilespmem:s9], [sflag:$0x1] =	stream.indirect.gather [hbm4b:s16+s4], $0x20, s17, s4, $0xb8;
	[tilespmem:$0x8800] =	vst v63  }
0x3c: {  	_ =	swait.ge [sflag:s18], $0x4000  }
0x3d: {  	[sflag:s18] =	ssyncset.done $0x0  }
0x3e: {  	[sflag:s18] =	ssyncadd.s32 $0xFFFFC000  }
0x3f: {  	[hbm4b:s20+s13] =	stream.strided.scatter [tilespmem:s10], [sflag:$0x4], $0x4000, s14, s13, $0x38;
	[tilespmem:$0x8800] =	vst v63  }
0x40: {  	_ =	swait.ge [sflag:s19], $0x4000  }
0x41: {  	[sflag:s19] =	ssyncset.done $0x0  }
0x42: {  	[sflag:s19] =	ssyncadd.s32 $0xFFFFC000  }
0x43: {  	[tilespmem:s10], [sflag:$0x2] =	stream.indirect.gather [hbm4b:s21+s4], $0x20, s22, s4, $0xb8;
	[tilespmem:$0x8800] =	vst v63  }
0x44: {  	_ =	swait.ge [sflag:s11], $0x4000  }
0x45: {  	[sflag:s11] =	ssyncset.done $0x0  }
0x46: {  	[sflag:s11] =	ssyncadd.s32 $0xFFFFC000  }
0x47: {  	[hbm4b:s23+s13] =	stream.strided.scatter [tilespmem:s9], [sflag:$0x3], $0x4000, s14, s13, $0x38;
	[tilespmem:$0x8800] =	vst v63  }
0x48: {  	_ =	swait.ge [sflag:s18], $0x4000  }
0x49: {  	[sflag:s18] =	ssyncset.done $0x0  }
0x4a: {  	[sflag:s18] =	ssyncadd.s32 $0xFFFFC000  }
0x4b: {  	[hbm4b:s24+s13] =	stream.strided.scatter [tilespmem:s10], [sflag:$0x4], $0x4000, s14, s13, $0x38;
	[tilespmem:$0x8800] =	vst v63  }
.Ltmp1:
0x4c: {  	_ =	swait.ge [sflag:s15], $0x4000;
	(pc) =	sbr.rel @p0 .LBB2_1-.Ltmp1, $4  }
0x4d: {  	[sflag:s15] =	ssyncset.done $0x0  }
0x4e: {  	[sflag:s15] =	ssyncadd.s32 $0xFFFFC000  }
0x4f: {  	_ =	swait.ge [sflag:s19], $0x4000  }
0x50: {  	[sflag:s19] =	ssyncset.done $0x0  }
.LBB2_2:
0x51: {  	[sflag:s19] =	ssyncadd.s32 $0xFFFFC000  }
0x52: {  	_ =	sfence.sel $0x180000  }
0x53: {  	[bflag:$0x0] =	sbarrier.arrive $0xFFFF  }
0x54: {  	p0 =	sne.s32 s0, $0x0;
	_ =	strace $0x9000004A  }
0x55: {  	s0 =	sadd.s32 @!p0 $0x100000, s1;
	[bflag:$0x2] =	sbarrier.arrive $0xFFFF  }
0x56: {  	[sflag:s0] =	ssyncadd.tile.s32 @!p0 $0x1;
	_ =	shalt  }
.Lfunc_end2:
_tile_overlayer_lowered:
.L_overlay_start_2:
0x57: {  	(tag) =	ssettag $0x2  }
0x58: {  	s0 =	rddreg [dreg:$0x0];
	s2 =	stileid.u32  }
0x59: {  	s1 =	rddreg [dreg:$0x1];
	p0 =	sne.s32 s2, $0x0  }
0x5a: {  	s3 =	rddreg [dreg:$0x2];
	[bflag:$0x3] =	sbarrier.arrive $0xFFFF;
	s2 =	simm.s32 @!p0 $0x1C05  }
0x5b: {  	[timem:s3], [sflag:s2] =	dma.local @!p0 [hbm:s0], s1  }
0x5c: {  	s0 =	simm.s32 @!p0 $0x5  }
0x5d: {  	_ =	swait.ge @!p0 [sflag:s0], s1  }
0x5e: {  	s1 =	ssub.s32 @!p0 $0x0, s1;
	[sflag:s0] =	ssyncset.done @!p0 $0x0  }
0x5f: {  	[sflag:s0] =	ssyncadd.s32 @!p0 s1  }
0x60: {  	[bflag:$0x3] =	sbarrier.arrive $0xFFFF  }
0x61: {  	_ =	shalt  }

// kernel: sparse-core-data-format-call.cloned.1.call-start
scs
called_computation_lowered:
.L_overlay_start_0:
0x0: {  	s2 =	sld [smem:$0x3FD9]  }
0x1: {  	s3 =	sld [smem:$0x3FFE];
	_ =	sdelay $0x1  }
0x2: {  	s1 =	srdreg.scid  }
0x3: {  	s0 =	sand.u32 $0x1, s1  }
0x4: {  	s18 =	sshll.u32 s0, $0xA;
	s2 =	sadd.s32 s3, s2  }
0x5: {  	s2 =	sadd.s32 s2, s18  }
0x6: {  	[smem:$0x3FAD] =	sst s2  }
0x7: {  	_ = 	snop  }
0x8: {  	s2 =	sld [smem:$0x3FD0];
	(tm) =	ssettm $0x1  }
0x9: {  	s19 =	sld [smem:$0x3FFB];
	_ =	sdelay $0x3  }
0xa: {  	_ =	strace s19  }
0xb: {  	s3 =	sld [smem:$0x3FFC];
	_ =	sdelay $0x3  }
0xc: {  	_ =	strace s3  }
0xd: {  	s3 =	sld [smem:$0x3FFD];
	_ =	sdelay $0x3  }
0xe: {  	_ =	strace s3  }
0xf: {  	_ =	strace $0x8FFFFFFF  }
0x10: {  	s20 =	sld [smem:$0x3FDB];
	_ =	sdelay $0x1  }
0x11: {  	s4 =	simm.s32 $_scs_section_size  }
0x12: {  	s5 =	simm.s32 $_size__tile_overlayer_lowered;
	s6 =	simm.s32 $_tile_overlayer_lowered  }
0x13: {  	s23 =	simm.s32 $0x1BFF;
	s22 =	sshll.u32 s6, $0x1;
	s3 =	sadd.s32 s4, s20  }
0x14: {  	s7 =	simm.s32 $0x0;
	s21 =	sshll.u32 s5, $0x1;
	s5 =	sadd.s32 s22, s3  }
0x15: {  	[timem:s7], [sflag:s23] =	dma.local [hbm:s5], s21  }
0x16: {  	_ =	swait.ge [sflag:s23], s21  }
0x17: {  	s4 =	ssub.s32 $0x0, s21;
	[sflag:s23] =	ssyncset.done $0x0  }
0x18: {  	[sflag:s23] =	ssyncadd.s32 s4;
	_ =	sdelay $0x1  }
0x19: {  	s24 =	simm.s32 $0x1B8B  }
0x1a: {  	_ =	swait.ge [sflag:s24], $0x1  }
0x1b: {  	[sflag:s24] =	ssyncset.done $0x0  }
0x1c: {  	s26 =	simm.s32 $0x1B8E;
	s25 =	sld [smem:$0x3FFE];
	[sflag:s24] =	ssyncadd.s32 $0xFFFFFFFF  }
0x1d: {  	s27 =	simm.s32 $execute0_lowered;
	[smem:$0x3FD2] =	sst s26  }
0x1e: {  	s5 =	sshll.u32 s27, $0x1;
	_ =	strace $0x8000005B;
	[dreg:$0x1] =	wrdreg $0xFFFFFFFF  }
0x1f: {  	s28 =	simm.s32 $_size_execute0_lowered;
	s3 =	sadd.s32 s3, s5;
	[dreg:$0x0] =	wrdreg $0x0  }
0x20: {  	s5 =	sshll.u32 s28, $0x1;
	[dreg:$0x2] =	wrdreg s3  }
0x21: {  	[dreg:$0x3] =	wrdreg s5  }
0x22: {  	[dreg:$0x4] =	wrdreg $0xC0  }
0x23: {  	_ =	task [dreg:s7], $0x5FFFF  }
0x24: {  	[dreg:$0x1] =	wrdreg $0xFFFFFFFF  }
0x25: {  	[dreg:$0x0] =	wrdreg $0x60  }
0x26: {  	[dreg:$0x2] =	wrdreg s25  }
0x27: {  	[dreg:$0x3] =	wrdreg s2  }
0x28: {  	[dreg:$0x4] =	wrdreg $0x9  }
0x29: {  	_ =	task.clear_ibuf [dreg:s7], $0x5FFFF;
	_ =	strace $0x9000005B  }
0x2a: {  	s29 =	simm.s32 $0x9;
	_ =	strace $0x8000005D  }
0x2b: {  	_ =	swait.ge [sflag:s29], $0x1  }
0x2c: {  	[sflag:s29] =	ssyncadd.s32 $0xFFFFFFFF  }
0x2d: {  	_ =	strace $0x9000005D  }
0x2e: {  	_ =	sfence  }
0x2f: {  	s30 =	sld [smem:$0x0];
	_ =	sdelay $0x2  }
0x30: {  	s31 =	sshll.u32 s1, $0xD;
	s1 =	sshrl.u32 s1, $0x2  }
0x31: {  	s3 =	sand.u32 $0x4000, s31;
	s1 =	sadd.s32 s1, s30  }
0x32: {  	s0 =	sor.u32 s3, s0;
	s1 =	sshll.u32 s1, $0x11  }
0x33: {  	s0 =	sor.u32 s1, s0  }
0x34: {  	s0 =	sadd.s32 $0x8F2B, s0  }
0x35: {  	[sflag:s0] =	ssyncadd.remote.s32 $0x1  }
0x36: {  	_ =	sfence.sel $0xFFFF  }
0x37: {  	[dreg:$0x0] =	wrdreg $0xFFFFFFFF;
	(pc) =	sbr.abs _section_cstart, $3  }
0x38: {  	[dreg:$0x1] =	wrdreg $0xFFFFFFFF  }
0x39: {  	_ =	task.clear_ibuf [dreg:s7], $0x2FFFF;
	_ =	strace $0x9FFFFFFF  }
0x3a: {  	(tm) =	ssettm $0x7FFFFFFF  }
0x3b: {  	_ =	shalt  }
tec
execute0_lowered:
.L_overlay_start_1:
0x0: {  	(tag) =	ssettag $0x1  }
0x1: {  	s0 =	srdreg.scid  }
0x2: {  	s1 =	sshll.u32 s0, $0x4  }
0x3: {  	s6 =	rddreg [dreg:$0x0];
	s0 =	stileid.u32;
	s1 =	sand.u32 $0x10, s1  }
0x4: {  	s3 =	rddreg [dreg:$0x1];
	s1 =	sor.u32 s0, s1  }
0x5: {  	s5 =	simm.s32 $0x1;
	s31 =	simm.s32 $0x2;
	s2 =	sshll.u32 s1, $0x7  }
0x6: {  	s15 =	simm.s32 $0x0;
	s8 =	simm.s32 $0x20000;
	s4 =	ssub.s32 $0x4000, s2  }
0x7: {  	s14 =	simm.s32 $0x0;
	s9 =	simm.s32 $0x0;
	s30 =	sand.u32 $0xF80, s4  }
0x8: {  	s10 =	simm.s32 $0x0;
	s11 =	simm.s32 $0x0;
	p0 =	sne.s32 s30, $0x0  }
.Ltmp0:
0x9: {  	s7 =	sshrl.u32 s4, $0xC;
	s5 =	simm.s32 @!p0 $0x0;
	(pc) =	sbr.rel .LBB1_1-.Ltmp0, $4  }
0xa: {  	s13 =	simm.s32 $0x0;
	s1 =	rddreg [dreg:$0x2];
	s5 =	sadd.s32 s5, s7  }
0xb: {  	_ =	strace $0x8000005C;
	s4 =	simm.s32 $0x1;
	s5 =	smul.u32 $0x7, s5  }
0xc: {  	s6 =	sadd.s32 $0xB76600, s6;
	s12 =	smov.u32 s2;
	[sflag:s4] =	ssyncpa.u1 $0x0  }
0xd: {  	[sflag:s31] =	ssyncpa.u1 $0x0;
	p0 =	por $0x0, $0x0;
	s7 =	sadd.s32 $0x1, s5  }
.LBB1_4:
0xe: {  	s20 =	sshra.s32 s20, $0x2  }
0xf: {  	s28 =	sand.u32 $0x78, s10;
	s21 =	sshll.u32 s9, $0xE;
	s22 =	sshll.u32 s10, $0x3  }
0x10: {  	s24 =	sshll.u32 s9, $0x7;
	p1 =	sgt.s32 s9, $0x2C0;
	s30 =	sshra.s32 s9, $0x1F  }
0x11: {  	s26 =	sshra.s32 s10, $0x1F;
	s19 =	sadd.s32 s20, s19;
	s21 =	sand.u32 $0xFFFE0000, s21  }
0x12: {  	v5 =	vld [tilespmem:s17+$0xFFFFFFD0];
	[tilespmem:s18+$0x2040 ss:$0x81] =	vst.msk $0xffff, v4;
	s23 =	sand.u32 $0xFFFFFC00, s22;
	s29 =	sand.u32 $0x380, s24;
	s22 =	sand.u32 $0x3C00, s22  }
0x13: {  	v58 =	vld [tilespmem:s17+$0xFFFFFFE0];
	[tilespmem:s18+$0x2850 ss:$0x81] =	vst.msk $0xffff, v3;
	s21 =	sadd.s32 s23, s21;
	s20 =	sor.u32 s28, s22;
	s22 =	smov.u32 s9  }
0x14: {  	v59 =	vld [tilespmem:s17+$0xFFFFFFF0];
	[tilespmem:s18+$0x3060 ss:$0x81] =	vst.msk $0xffff, v2;
	s24 =	sand.u32 s30, s9;
	s21 =	sshrl.u32 s21, $0xE;
	s22 =	simm.s32 @!p1 $0x2C0  }
0x15: {  	v60 =	vld [tilespmem:s17+$0x0];
	[tilespmem:s18+$0x0 ss:$0x81] =	vst.msk $0xffff, v1;
	p1 =	sgt.s32 s10, $0x3F80;
	s31 =	ssub.s32 s22, s24;
	s22 =	smov.u32 s10  }
0x16: {  	v61 =	vld [tilespmem:s17+$0x10];
	[tilespmem:s19+$0x3870 ss:$0x81] =	vst.msk $0xffff, v0;
	s25 =	smulhi.u32 $0x4EC4ED, s21;
	s24 =	sand.u32 s26, s10;
	s22 =	simm.s32 @!p1 $0x3F80  }
0x17: {  	v62 =	vld [tilespmem:s17+$0x20];
	s20 =	sor.u32 s29, s20;
	[tilespmem:s19+$0x810 ss:$0x81] =	vst.msk $0xffff, v5;
	s27 =	sadd.s32 $0xFFFFFD40, s31;
	s22 =	ssub.s32 s22, s24  }
0x18: {  	v63 =	vld [tilespmem:s17+$0xFFFFFFC0];
	[tilespmem:s19+$0x1020 ss:$0x81] =	vst.msk $0xffff, v58;
	s18 =	ssub.s32 $0x340, s31;
	s28 =	smul.u32 $0x340, s25;
	s29 =	sadd.s32 $0xFFFFC080, s22  }
0x19: {  	[tilespmem:s19+$0x1830 ss:$0x81] =	vst.msk $0xffff, v59;
	p1 =	sgt.s32 s27, $0x7F;
	s22 =	ssub.s32 $0x4000, s22;
	p2 =	sgt.s32 s29, $0x7F  }
0x1a: {  	s30 =	sand.u32 $0x7, s10;
	[tilespmem:s19+$0x2040 ss:$0x81] =	vst.msk $0xffff, v60;
	s18 =	simm.s32 @p1 $0x0;
	s22 =	simm.s32 @p2 $0x0  }
0x1b: {  	s20 =	sshrl.u32 s20, $0x3;
	[tilespmem:s19+$0x2850 ss:$0x81] =	vst.msk $0xffff, v61;
	s17 =	ssub.s32 s21, s28;
	s18 =	smul.u32 s22, s18  }
0x1c: {  	[tilespmem:s19+$0x3060 ss:$0x81] =	vst.msk $0xffff, v62;
	s20 =	sadd.s32 s3, s20;
	s21 =	sshll.u32 s30, $0x12;
	s17 =	sshll.u32 s17, $0xB  }
0x1d: {  	[tilespmem:s19+$0x0 ss:$0x81] =	vst.msk $0xffff, v63;
	s31 =	sor.u32 $0x400, s21;
	s17 =	sadd.s32 s17, s20;
	s18 =	sand.u32 $0x3FFFFFFF, s18  }
0x1e: {  	[hbm4b:s17+s31] =	stream.strided.scatter [tilespmem:s16], [sflag:$0x2], s18, s8, s31, $0x20;
	[tilespmem:$0x10100] =	vst v63  }
.LBB1_5:
0x1f: {  	p1 =	slt.u32 s13, $0x2  }
0x20: {  	s17 =	smov.u32 s15;
	p2 =	sgt.s32 @!p1 s15, $0x2C0;
	s16 =	sshra.s32 @!p1 s15, $0x1F  }
0x21: {  	p3 =	sgt.s32 @!p1 s14, $0x3F80;
	s18 =	sshra.s32 @!p1 s14, $0x1F;
	p2 =	por !p2, p1  }
0x22: {  	s15 =	sand.u32 @!p1 s16, s15;
	p3 =	por !p3, p1;
	s16 =	smov.u32 s14  }
0x23: {  	s14 =	sand.u32 @!p1 s18, s14;
	s17 =	simm.s32 @p2 $0x2C0;
	s16 =	simm.s32 @p3 $0x3F80  }
0x24: {  	s15 =	ssub.s32 @!p1 s17, s15;
	s14 =	ssub.s32 @!p1 s16, s14  }
0x25: {  	s18 =	smov.u32 s12;
	s16 =	sadd.s32 @!p1 $0xFFFFFD40, s15;
	s17 =	sadd.s32 @!p1 $0xFFFFC080, s14  }
0x26: {  	s15 =	ssub.s32 @!p1 $0x340, s15;
	p2 =	sgt.s32 @!p1 s16, $0x7F;
	p3 =	sgt.s32 @!p1 s17, $0x7F  }
0x27: {  	s14 =	ssub.s32 @!p1 $0x4000, s14;
	p2 =	por !p2, p1;
	p3 =	por !p3, p1  }
0x28: {  	s16 =	sadd.s32 $0x80, s11;
	s15 =	simm.s32 @!p2 $0x0;
	s14 =	simm.s32 @!p3 $0x0  }
0x29: {  	p2 =	sgt.s32 s16, $0x33F;
	s14 =	smul.u32 @!p1 s14, s15;
	s15 =	sadd.s32 $0x1000, s12  }
0x2a: {  	s18 =	smov.u32 @p2 s15  }
0x2b: {  	s16 =	simm.s32 @p2 $0x0;
	p2 =	sgt.s32 s18, $0x3FFF  }
0x2c: {  	s18 =	smov.u32 @p2 s2;
	p2 =	sne.s32 s13, s7  }
.Ltmp1:
0x2d: {  	p0 =	por !p0, !p0;
	s17 =	simm.s32 @!p1 $0x2;
	(pc) =	sbr.rel @!p2 .LBB1_6-.Ltmp1, $4  }
0x2e: {  	s15 =	smov.u32 s9;
	s9 =	smov.u32 s11;
	s14 =	sand.u32 @!p1 $0x3FFFFFFF, s14  }
0x2f: {  	s11 =	smov.u32 s16;
	_ =	swait.ge @!p1 [sflag:s17], s14;
	s19 =	ssub.s32 @!p1 $0x0, s14  }
0x30: {  	s14 =	smov.u32 s10;
	s13 =	sadd.s32 $0x1, s13;
	[sflag:s17] =	ssyncset.done @!p1 $0x0  }
0x31: {  	s10 =	smov.u32 s12;
	s12 =	smov.u32 s18;
	[sflag:s17] =	ssyncadd.s32 @!p1 s19  }
.LBB1_1:
0x32: {  	p1 =	sge.u32 s13, s5  }
0x33: {  	s16 =	sshrl.u32 @!p1 s12, $0x3  }
0x34: {  	s17 =	sshll.u32 @!p1 s11, $0x3;
	s16 =	smul.u32 @!p1 $0x1C00, s16  }
0x35: {  	s18 =	sshll.u32 @!p1 s12, $0x7;
	s17 =	sand.u32 @!p1 $0xFFFFFC00, s17  }
0x36: {  	s16 =	sadd.s32 @!p1 s16, s17;
	s17 =	sand.u32 @!p1 $0x380, s18  }
0x37: {  	s16 =	sor.u32 @!p1 s17, s16  }
0x38: {  	s17 =	sshrl.u32 @!p1 s16, $0x7  }
0x39: {  	s17 =	smulhi.u32 @!p1 $0x24924925, s17;
	_ =	sdelay $0x1  }
0x3a: {  	s18 =	sand.u32 @!p1 $0x7F, s11;
	s19 =	smul.u32 @!p1 $0x380, s17  }
0x3b: {  	s31 =	sadd.s32 $0xFFFFFFFF, s13;
	s16 =	sor.u32 @!p1 s18, s16;
	s18 =	sxor.u32 @!p1 $0xFFFFFFFF, s13  }
0x3c: {  	s18 =	sshll.u32 @!p1 s18, $0xE;
	s17 =	sand.u32 @!p1 $0x3FFF, s17;
	s16 =	ssub.s32 @!p1 s16, s19  }
0x3d: {  	s17 =	smul.u32 @!p1 $0x70, s17;
	s19 =	sshrl.u32 @!p1 s16, $0x3;
	s16 =	sand.u32 @!p1 $0x7, s16  }
0x3e: {  	s18 =	sand.u32 @!p1 $0x4000, s18;
	s19 =	sadd.s32 @!p1 s6, s19;
	s16 =	sshll.u32 @!p1 s16, $0x12  }
0x3f: {  	s17 =	sadd.s32 @!p1 s17, s19;
	s16 =	sor.u32 @!p1 $0x400, s16;
	s19 =	simm.s32 @!p1 $0x1C00  }
0x40: {  	[tilespmem:s18], [sflag:$0x1] =	stream.strided.gather @!p1 [hbm4b:s17+s16], $0x4000, s19, s16, $0x38;
	[tilespmem:$0x10100] =	vst v63  }
0x41: {  	p1 =	sge.u32 s31, s5  }
.Ltmp2:
0x42: {  	_ = 	snop;
	(pc) =	sbr.rel @p1 .LBB1_5-.Ltmp2, $1  }
0x43: {  	_ =	sdelay $0x3  }
0x44: {  	s16 =	simm.s32 $0x1  }
0x45: {  	_ =	swait.ge [sflag:s4], $0x4000;
	s16 =	simm.s32 @!p0 $0x0  }
0x46: {  	[sflag:s4] =	ssyncset.done $0x0;
	s17 =	sshll.u32 s16, $0xE  }
0x47: {  	[sflag:s4] =	ssyncadd.s32 $0xFFFFC000;
	s17 =	sor.u32 $0x40, s17  }
0x48: {  	s16 =	smul.u32 $0x10200, s16;
	v0 =	vld [tilespmem:s17+$0x30]  }
0x49: {  	v1 =	vld [tilespmem:s17+$0xFFFFFFD0]  }
0x4a: {  	s16 =	sshrl.u32 s16, $0x2;
	v5 =	vld [tilespmem:s17+$0xFFFFFFE0]  }
0x4b: {  	v6 =	vld [tilespmem:s17+$0xFFFFFFF0];
	s19 =	sor.u32 $0x8000, s16  }
0x4c: {  	s31 =	sand.u32 $0x1, s13;
	v4 =	vld [tilespmem:s17+$0x0];
	s18 =	sadd.s32 $0x0, s19  }
0x4d: {  	v3 =	vld [tilespmem:s17+$0x10];
	s16 =	smul.u32 $0x10200, s31;
	[tilespmem:s18+$0x3870 ss:$0x81] =	vst.msk $0xffff, v0  }
0x4e: {  	v2 =	vld [tilespmem:s17+$0x20];
	[tilespmem:s18+$0x810 ss:$0x81] =	vst.msk $0xffff, v1  }
0x4f: {  	s16 =	sshrl.u32 s16, $0x2;
	v1 =	vld [tilespmem:s17+$0xFFFFFFC0];
	[tilespmem:s18+$0x1020 ss:$0x81] =	vst.msk $0xffff, v5;
	s17 =	sadd.s32 $0x80, s17  }
0x50: {  	s20 =	simm.s32 $0x4;
	s21 =	simm.s32 $0x8;
	s16 =	sor.u32 $0x8000, s16;
	[tilespmem:s18+$0x1830 ss:$0x81] =	vst.msk $0xffff, v6;
	v0 =	vld [tilespmem:s17+$0x30]  }
.LBB1_3:
0x51: {  	p1 =	sne.s32 s21, $0x1FC;
	v5 =	vld [tilespmem:s17+$0xFFFFFFD0];
	[tilespmem:s18+$0x2040 ss:$0x81] =	vst.msk $0xffff, v4  }
0x52: {  	v6 =	vld [tilespmem:s17+$0xFFFFFFE0];
	[tilespmem:s18+$0x2850 ss:$0x81] =	vst.msk $0xffff, v3  }
0x53: {  	s22 =	sshra.s32 s20, $0x2;
	s20 =	smov.u32 s21;
	v7 =	vld [tilespmem:s17+$0xFFFFFFF0];
	[tilespmem:s18+$0x3060 ss:$0x81] =	vst.msk $0xffff, v2  }
.Ltmp3:
0x54: {  	v4 =	vld [tilespmem:s17+$0x0];
	[tilespmem:s18+$0x0 ss:$0x81] =	vst.msk $0xffff, v1;
	s18 =	sadd.s32 s22, s19;
	(pc) =	sbr.rel @p1 .LBB1_3-.Ltmp3, $4  }
0x55: {  	v3 =	vld [tilespmem:s17+$0x10];
	[tilespmem:s18+$0x3870 ss:$0x81] =	vst.msk $0xffff, v0  }
0x56: {  	[tilespmem:s18+$0x810 ss:$0x81] =	vst.msk $0xffff, v5;
	v2 =	vld [tilespmem:s17+$0x20]  }
0x57: {  	v1 =	vld [tilespmem:s17+$0xFFFFFFC0];
	[tilespmem:s18+$0x1020 ss:$0x81] =	vst.msk $0xffff, v6;
	s17 =	sadd.s32 $0x80, s17  }
0x58: {  	s21 =	sadd.s32 $0x4, s21;
	v0 =	vld [tilespmem:s17+$0x30];
	[tilespmem:s18+$0x1830 ss:$0x81] =	vst.msk $0xffff, v7  }
.Ltmp4:
0x59: {  	_ = 	snop;
	(pc) =	sbr.rel .LBB1_4-.Ltmp4, $1  }
0x5a: {  	_ =	sdelay $0x3  }
.LBB1_6:
0x5b: {  	_ =	sfence.sel $0x180000  }
0x5c: {  	s2 =	simm.s32 $0x1;
	[bflag:$0x0] =	sbarrier.arrive $0xFFFF  }
0x5d: {  	s31 =	simm.s32 $0x2;
	[sflag:s2] =	ssyncpa.u1 $0x1  }
0x5e: {  	[sflag:s31] =	ssyncpa.u1 $0x1  }
0x5f: {  	p0 =	sne.s32 s0, $0x0;
	_ =	strace $0x9000005C  }
0x60: {  	s0 =	sadd.s32 @!p0 $0x100000, s1;
	[bflag:$0x2] =	sbarrier.arrive $0xFFFF  }
0x61: {  	[sflag:s0] =	ssyncadd.tile.s32 @!p0 $0x1;
	_ =	shalt  }
.Lfunc_end1:
_tile_overlayer_lowered:
.L_overlay_start_2:
0x62: {  	(tag) =	ssettag $0x2  }
0x63: {  	s0 =	rddreg [dreg:$0x0];
	s2 =	stileid.u32  }
0x64: {  	s1 =	rddreg [dreg:$0x1];
	p0 =	sne.s32 s2, $0x0  }
0x65: {  	s3 =	rddreg [dreg:$0x2];
	[bflag:$0x3] =	sbarrier.arrive $0xFFFF;
	s2 =	simm.s32 @!p0 $0x1C01  }
0x66: {  	[timem:s3], [sflag:s2] =	dma.local @!p0 [hbm:s0], s1  }
0x67: {  	s0 =	simm.s32 @!p0 $0x1  }
0x68: {  	_ =	swait.ge @!p0 [sflag:s0], s1  }
0x69: {  	s1 =	ssub.s32 @!p0 $0x0, s1;
	[sflag:s0] =	ssyncset.done @!p0 $0x0  }
0x6a: {  	[sflag:s0] =	ssyncadd.s32 @!p0 s1  }
0x6b: {  	[bflag:$0x3] =	sbarrier.arrive $0xFFFF  }
0x6c: {  	_ =	shalt  }

</sc_bundles>
